<compile_context>
chip_gen: v7x
topology: tpu7x:2x2x1
jax: 0.10.2.dev20260603
libtpu: 0.0.44.dev20260713+nightly
codegen_flags: <defaults>
</compile_context>

<pallas_src>
import functools

import jax
import jax.numpy as jnp
import numpy as np
from jax import lax
from jax.experimental import pallas as pl
from jax.experimental.pallas import tpu as pltpu
from jax.experimental.pallas import tpu_sc as plsc

NUM_CORES = 2
NUM_SUBCORES = 16
NUM_WORKERS = NUM_CORES * NUM_SUBCORES
LANES = 16
CHUNK = 128


def _make_sc_kernel(n_rows: int, d_model: int, seq_len: int):
    rows_per_w = n_rows // NUM_WORKERS
    n_chunks = rows_per_w // CHUNK
    assert n_rows == NUM_WORKERS * n_chunks * CHUNK and n_chunks % 2 == 0
    d2 = 2 * d_model
    n_vecs = CHUNK // LANES
    add_vecs = CHUNK * d_model // LANES

    mesh = plsc.VectorSubcoreMesh(
        core_axis_name="c", subcore_axis_name="s",
        num_cores=NUM_CORES, num_subcores=NUM_SUBCORES,
    )

    @functools.partial(
        pl.kernel,
        out_type=jax.ShapeDtypeStruct((n_rows, d_model), jnp.float32),
        mesh=mesh,
        scratch_types=[
            pltpu.VMEM((rows_per_w,), jnp.int32),
            pltpu.VMEM((CHUNK // 128, 128), jnp.int32),
            pltpu.VMEM((CHUNK // 128, 128), jnp.int32),
            pltpu.VMEM((CHUNK,), jnp.int32),
            pltpu.VMEM((CHUNK,), jnp.int32),
            pltpu.VMEM((CHUNK, 128), jnp.float32),
            pltpu.VMEM((CHUNK, 128), jnp.float32),
            pltpu.VMEM((CHUNK, 64), jnp.float32),
            pltpu.VMEM((CHUNK, 64), jnp.float32),
            pltpu.VMEM((seq_len * d_model,), jnp.float32),
            pltpu.SemaphoreType.DMA,
            pltpu.SemaphoreType.DMA,
            pltpu.SemaphoreType.DMA,
            pltpu.SemaphoreType.DMA,
        ],
        compiler_params=pltpu.CompilerParams(
            use_tc_tiling_on_sc=True, needs_layout_passes=False),
    )
    def sc_kernel(x_hbm, t128_hbm, pos2_hbm, out_hbm,
                  idx_all, idx2_a, idx2_b, sel_a, sel_b,
                  gath_a, gath_b, outs_a, outs_b, pos_v,
                  gsem_a, gsem_b, osem_a, osem_b):
        wid = lax.axis_index("s") * NUM_CORES + lax.axis_index("c")
        base = wid * rows_per_w
        pltpu.sync_copy(pos2_hbm, pos_v)
        pltpu.sync_copy(x_hbm.at[pl.ds(base, rows_per_w)], idx_all)
        iota16 = lax.iota(jnp.int32, LANES)

        def stage_idx(i, idx2, par64):
            coff = pl.multiple_of(i * CHUNK, CHUNK)
            for v in range(n_vecs):
                t = idx_all[pl.ds(coff + v * LANES, LANES)]
                idx2[v // 8, pl.ds((v % 8) * LANES, LANES)] = (
                    lax.shift_right_logical(t, jnp.int32(1)))
                par64[pl.ds(v * LANES, LANES)] = lax.shift_left(
                    lax.bitwise_and(t, jnp.int32(1)), jnp.int32(6))

        def start_gather(idx2, gath, gsem):
            for k in range(CHUNK // 128):
                pltpu.async_copy(
                    t128_hbm.at[idx2.at[k]], gath.at[pl.ds(k * 128, 128)],
                    gsem)

        def wait_gather(idx2, gath, gsem):
            for k in range(CHUNK // 128):
                pltpu.make_async_copy(
                    t128_hbm.at[idx2.at[k]], gath.at[pl.ds(k * 128, 128)],
                    gsem).wait()

        def select_add(i, gath, par64, outs):
            l0 = lax.rem(base + i * CHUNK, jnp.int32(seq_len))
            iotas = [iota16 + jnp.int32(dv * LANES)
                     for dv in range(d_model // LANES)]

            @plsc.parallel_loop(0, CHUNK, unroll=8)
            def _(r):
                rsplat = lax.broadcast(r, (LANES,))
                par_splat = plsc.load_gather(par64, [rsplat])
                pb = lax.rem(l0 + r, jnp.int32(seq_len)) * d_model
                for dv in range(d_model // LANES):
                    g = plsc.load_gather(
                        gath, [rsplat, par_splat + iotas[dv]])
                    q = pos_v[pl.ds(pb + dv * LANES, LANES)]
                    outs[r, pl.ds(dv * LANES, LANES)] = g + q

        def start_out(i, outs, osem):
            obase = pl.multiple_of(base + i * CHUNK, CHUNK)
            pltpu.async_copy(outs, out_hbm.at[pl.ds(obase, CHUNK)], osem)

        def wait_out(outs, osem):
            pltpu.make_async_copy(
                outs, out_hbm.at[pl.ds(0, CHUNK)], osem).wait()

        bufA = (idx2_a, sel_a, gath_a, outs_a, gsem_a, osem_a)
        bufB = (idx2_b, sel_b, gath_b, outs_b, gsem_b, osem_b)

        stage_idx(0, bufA[0], bufA[1])
        start_gather(bufA[0], bufA[2], bufA[4])
        n_pairs = n_chunks // 2

        def pair_body(i2, carry):
            i = 2 * i2
            (idx2A, selA, gathA, outsA, gsemA, osemA) = bufA
            (idx2B, selB, gathB, outsB, gsemB, osemB) = bufB

            stage_idx(i + 1, idx2B, selB)
            start_gather(idx2B, gathB, gsemB)
            wait_gather(idx2A, gathA, gsemA)

            @pl.when(i2 > 0)
            def _():
                wait_out(outsA, osemA)

            select_add(i, gathA, selA, outsA)
            start_out(i, outsA, osemA)

            @pl.when(i2 < n_pairs - 1)
            def _():
                stage_idx(i + 2, idx2A, selA)
                start_gather(idx2A, gathA, gsemA)

            wait_gather(idx2B, gathB, gsemB)

            @pl.when(i2 > 0)
            def _():
                wait_out(outsB, osemB)

            select_add(i + 1, gathB, selB, outsB)
            start_out(i + 1, outsB, osemB)
            return carry

        lax.fori_loop(0, n_pairs, pair_body, 0)
        wait_out(bufA[3], bufA[5])
        wait_out(bufB[3], bufB[5])

    return sc_kernel


def kernel(x, table):
    batch, seq_len = x.shape
    n_vocab, d_model = table.shape
    position = jnp.arange(0, seq_len, dtype=jnp.float32)[:, None]
    div_term = jnp.exp(
        jnp.arange(0, d_model, dtype=jnp.float32) * (-np.log(10000.0) / d_model)
    )
    pos_encoding = jnp.cos(position * div_term)
    pos_flat = pos_encoding.reshape(-1)

    n_rows = batch * seq_len
    t128 = table.reshape(n_vocab // 2, 2 * d_model)
    sc_kernel = _make_sc_kernel(n_rows, d_model, seq_len)
    out = sc_kernel(x.reshape(n_rows), t128, pos_flat)
    return out.reshape(batch, seq_len, d_model)

# --- scband reference (transcript-rebuilt; emitter-appended) ---
"""Pipeline reference for scband-model-input-25933012533592 (READ-ONLY COPY).

The authoritative reference and input builder live on the scoring server;
editing this copy changes nothing except your own understanding.
"""

import jax, jax.numpy as jnp
import numpy as np

N_TOKENS = 1000000
D_MODEL = 64
MAX_LENGTH = 200
BATCH = 4096


def setup_inputs(seed: int = 0) -> dict:
    key = jax.random.key(seed)
    k1, k2 = jax.random.split(key)
    x = jax.random.randint(k1, (BATCH, MAX_LENGTH), 0, N_TOKENS, dtype=jnp.int32)
    # learned embedding table (torch.nn.Embedding default init ~ N(0,1))
    table = jax.random.normal(k2, (N_TOKENS, D_MODEL), dtype=jnp.float32)
    return {"x": x, "table": table}


def reference(x, table):
    d_model = table.shape[1]
    max_length = x.shape[1]
    # positional encoding buffer (non-learned, computed as in __init__)
    position = jnp.arange(0, max_length, dtype=jnp.float32)[:, None]
    div_term = jnp.exp(jnp.arange(0, d_model, dtype=jnp.float32) * (-np.log(10000.0) / d_model))
    pos_encoding = jnp.cos(position * div_term)[None, :, :]  # [1, L, D]
    # embedding gather + positional add
    y = jnp.take(table, x, axis=0) + pos_encoding
    return y

if __name__ == "__main__":
    import jax
    _d = setup_inputs()
    print(jax.jit(kernel)(*tuple(_d.values())))

</pallas_src>

<mosaic_0001>
#map = affine_map<(d0, d1) -> (0)>
#map1 = affine_map<(d0, d1) -> (0, 0)>
module attributes {stable_mosaic.version = 14 : i64} {
  func.func @sc_kernel(%arg0: i32, %arg1: i32, %arg2: memref<819200xi32, #tpu.memory_space<hbm>>, %arg3: memref<500000x128xf32, #tpu.memory_space<hbm>>, %arg4: memref<12800xf32, #tpu.memory_space<hbm>>, %arg5: memref<819200x64xf32, #tpu.memory_space<hbm>>, %arg6: memref<25600xi32, #tpu.memory_space<vmem>>, %arg7: memref<1x128xi32, #tpu.memory_space<vmem>>, %arg8: memref<1x128xi32, #tpu.memory_space<vmem>>, %arg9: memref<128xi32, #tpu.memory_space<vmem>>, %arg10: memref<128xi32, #tpu.memory_space<vmem>>, %arg11: memref<128x128xf32, #tpu.memory_space<vmem>>, %arg12: memref<128x128xf32, #tpu.memory_space<vmem>>, %arg13: memref<128x64xf32, #tpu.memory_space<vmem>>, %arg14: memref<128x64xf32, #tpu.memory_space<vmem>>, %arg15: memref<12800xf32, #tpu.memory_space<vmem>>, %arg16: memref<!tpu.dma_semaphore, #tpu.memory_space<semaphore_mem>>, %arg17: memref<!tpu.dma_semaphore, #tpu.memory_space<semaphore_mem>>, %arg18: memref<!tpu.dma_semaphore, #tpu.memory_space<semaphore_mem>>, %arg19: memref<!tpu.dma_semaphore, #tpu.memory_space<semaphore_mem>>) attributes {dimension_semantics = [#tpu.dimension_semantics<core_parallel>, #tpu.dimension_semantics<subcore_parallel>], iteration_bounds = array<i64: 2, 16>, scalar_prefetch = 0 : i64, scratch_operands = 14 : i64, tpu.core_type = #tpu.core_type<sc_vector_subcore>, window_params = [{transform_indices = #map}, {transform_indices = #map1}, {transform_indices = #map}, {transform_indices = #map1}]} {
    %mul3A = arith.constant 2 : i32
    %mul3A_0 = arith.muli %arg1, %mul3A : i32
    %add3A = arith.addi %mul3A_0, %arg0 : i32
    %mul3A_1 = arith.constant 25600 : i32
    %mul3A_2 = arith.muli %add3A, %mul3A_1 : i32
    "tpu.region"() ({
      %run_scoped3A = tpu.sem_alloc : memref<!tpu.dma_semaphore, #tpu.memory_space<semaphore_mem>>
      tpu.enqueue_dma source(%arg4 : memref<12800xf32, #tpu.memory_space<hbm>>) target(%arg15 : memref<12800xf32, #tpu.memory_space<vmem>>) target_semaphore(%run_scoped3A : memref<!tpu.dma_semaphore, #tpu.memory_space<semaphore_mem>>)
      tpu.wait_dma2 semaphore(%run_scoped3A : memref<!tpu.dma_semaphore, #tpu.memory_space<semaphore_mem>>) src(%arg4 : memref<12800xf32, #tpu.memory_space<hbm>>) dst(%arg15 : memref<12800xf32, #tpu.memory_space<vmem>>)
      tpu.yield
    }) : () -> ()
    "tpu.region"() ({
      %run_scoped3A = tpu.sem_alloc : memref<!tpu.dma_semaphore, #tpu.memory_space<semaphore_mem>>
      %dma_start3A_176 = tpu.memref_slice %arg2[%mul3A_2] : memref<819200xi32, #tpu.memory_space<hbm>> -> memref<25600xi32, #tpu.memory_space<hbm>>
      %dma_start3A_177 = tpu.memref_slice %arg2[%mul3A_2] : memref<819200xi32, #tpu.memory_space<hbm>> -> memref<25600xi32, #tpu.memory_space<hbm>>
      tpu.enqueue_dma source(%dma_start3A_177 : memref<25600xi32, #tpu.memory_space<hbm>>) target(%arg6 : memref<25600xi32, #tpu.memory_space<vmem>>) target_semaphore(%run_scoped3A : memref<!tpu.dma_semaphore, #tpu.memory_space<semaphore_mem>>)
      %dma_wait3A_178 = tpu.memref_slice %arg2[%mul3A_2] : memref<819200xi32, #tpu.memory_space<hbm>> -> memref<25600xi32, #tpu.memory_space<hbm>>
      %dma_wait3A_179 = tpu.memref_slice %arg2[%mul3A_2] : memref<819200xi32, #tpu.memory_space<hbm>> -> memref<25600xi32, #tpu.memory_space<hbm>>
      tpu.wait_dma2 semaphore(%run_scoped3A : memref<!tpu.dma_semaphore, #tpu.memory_space<semaphore_mem>>) src(%dma_wait3A_179 : memref<25600xi32, #tpu.memory_space<hbm>>) dst(%arg6 : memref<25600xi32, #tpu.memory_space<vmem>>)
      tpu.yield
    }) : () -> ()
    %iota3A = tpu.iota {dimensions = array<i32: 0>} : vector<16xi32>
    %multiple_of3A = arith.constant 0 : i32
    %multiple_of3A_3 = tpu.assume_multiple %multiple_of3A, 128 : i32
    %add3A_4 = arith.constant 0 : i32
    %add3A_5 = arith.addi %multiple_of3A_3, %add3A_4 : i32
    %get3A = arith.index_cast %add3A_5 : i32 to index
    %get3A_6 = tpu.vector_load %arg6[%get3A] {strides = array<i32>} : memref<25600xi32, #tpu.memory_space<vmem>>, vector<16xi32>,
    %shift_right_logical3A = arith.constant 1 : i32
    %shift_right_logical3A_7 = vector.broadcast %shift_right_logical3A : i32 to vector<16xi32>
    %shift_right_logical3A_8 = arith.shrui %get3A_6, %shift_right_logical3A_7 : vector<16xi32>
    %swap3A = arith.constant 0 : i32
    %swap3A_9 = arith.index_cast %swap3A : i32 to index
    %swap3A_10 = arith.constant 0 : index
    %swap3A_11 = tpu.vector_load %arg7[%swap3A_9, %swap3A_10] {strides = array<i32>} : memref<1x128xi32, #tpu.memory_space<vmem>>, vector<16xi32>,
    tpu.vector_store %arg7[%swap3A_9, %swap3A_10], %shift_right_logical3A_8 {strides = array<i32>} : memref<1x128xi32, #tpu.memory_space<vmem>>, vector<16xi32>,
    %and3A = arith.constant 1 : i32
    %and3A_12 = vector.broadcast %and3A : i32 to vector<16xi32>
    %and3A_13 = arith.andi %get3A_6, %and3A_12 : vector<16xi32>
    %shift_left3A = arith.constant 6 : i32
    %shift_left3A_14 = vector.broadcast %shift_left3A : i32 to vector<16xi32>
    %shift_left3A_15 = arith.shli %and3A_13, %shift_left3A_14 : vector<16xi32>
    %swap3A_16 = arith.constant 0 : index
    %swap3A_17 = tpu.vector_load %arg9[%swap3A_16] {strides = array<i32>} : memref<128xi32, #tpu.memory_space<vmem>>, vector<16xi32>,
    tpu.vector_store %arg9[%swap3A_16], %shift_left3A_15 {strides = array<i32>} : memref<128xi32, #tpu.memory_space<vmem>>, vector<16xi32>,
    %add3A_18 = arith.constant 16 : i32
    %add3A_19 = arith.addi %multiple_of3A_3, %add3A_18 : i32
    %get3A_20 = arith.index_cast %add3A_19 : i32 to index
    %get3A_21 = tpu.vector_load %arg6[%get3A_20] {strides = array<i32>} : memref<25600xi32, #tpu.memory_space<vmem>>, vector<16xi32>,
    %shift_right_logical3A_22 = arith.constant 1 : i32
    %shift_right_logical3A_23 = vector.broadcast %shift_right_logical3A_22 : i32 to vector<16xi32>
    %shift_right_logical3A_24 = arith.shrui %get3A_21, %shift_right_logical3A_23 : vector<16xi32>
    %swap3A_25 = arith.constant 0 : i32
    %swap3A_26 = arith.index_cast %swap3A_25 : i32 to index
    %swap3A_27 = arith.constant 16 : index
    %swap3A_28 = tpu.vector_load %arg7[%swap3A_26, %swap3A_27] {strides = array<i32>} : memref<1x128xi32, #tpu.memory_space<vmem>>, vector<16xi32>,
    tpu.vector_store %arg7[%swap3A_26, %swap3A_27], %shift_right_logical3A_24 {strides = array<i32>} : memref<1x128xi32, #tpu.memory_space<vmem>>, vector<16xi32>,
    %and3A_29 = arith.constant 1 : i32
    %and3A_30 = vector.broadcast %and3A_29 : i32 to vector<16xi32>
    %and3A_31 = arith.andi %get3A_21, %and3A_30 : vector<16xi32>
    %shift_left3A_32 = arith.constant 6 : i32
    %shift_left3A_33 = vector.broadcast %shift_left3A_32 : i32 to vector<16xi32>
    %shift_left3A_34 = arith.shli %and3A_31, %shift_left3A_33 : vector<16xi32>
    %swap3A_35 = arith.constant 16 : index
    %swap3A_36 = tpu.vector_load %arg9[%swap3A_35] {strides = array<i32>} : memref<128xi32, #tpu.memory_space<vmem>>, vector<16xi32>,
    tpu.vector_store %arg9[%swap3A_35], %shift_left3A_34 {strides = array<i32>} : memref<128xi32, #tpu.memory_space<vmem>>, vector<16xi32>,
    %add3A_37 = arith.constant 32 : i32
    %add3A_38 = arith.addi %multiple_of3A_3, %add3A_37 : i32
    %get3A_39 = arith.index_cast %add3A_38 : i32 to index
    %get3A_40 = tpu.vector_load %arg6[%get3A_39] {strides = array<i32>} : memref<25600xi32, #tpu.memory_space<vmem>>, vector<16xi32>,
    %shift_right_logical3A_41 = arith.constant 1 : i32
    %shift_right_logical3A_42 = vector.broadcast %shift_right_logical3A_41 : i32 to vector<16xi32>
    %shift_right_logical3A_43 = arith.shrui %get3A_40, %shift_right_logical3A_42 : vector<16xi32>
    %swap3A_44 = arith.constant 0 : i32
    %swap3A_45 = arith.index_cast %swap3A_44 : i32 to index
    %swap3A_46 = arith.constant 32 : index
    %swap3A_47 = tpu.vector_load %arg7[%swap3A_45, %swap3A_46] {strides = array<i32>} : memref<1x128xi32, #tpu.memory_space<vmem>>, vector<16xi32>,
    tpu.vector_store %arg7[%swap3A_45, %swap3A_46], %shift_right_logical3A_43 {strides = array<i32>} : memref<1x128xi32, #tpu.memory_space<vmem>>, vector<16xi32>,
    %and3A_48 = arith.constant 1 : i32
    %and3A_49 = vector.broadcast %and3A_48 : i32 to vector<16xi32>
    %and3A_50 = arith.andi %get3A_40, %and3A_49 : vector<16xi32>
    %shift_left3A_51 = arith.constant 6 : i32
    %shift_left3A_52 = vector.broadcast %shift_left3A_51 : i32 to vector<16xi32>
    %shift_left3A_53 = arith.shli %and3A_50, %shift_left3A_52 : vector<16xi32>
    %swap3A_54 = arith.constant 32 : index
    %swap3A_55 = tpu.vector_load %arg9[%swap3A_54] {strides = array<i32>} : memref<128xi32, #tpu.memory_space<vmem>>, vector<16xi32>,
    tpu.vector_store %arg9[%swap3A_54], %shift_left3A_53 {strides = array<i32>} : memref<128xi32, #tpu.memory_space<vmem>>, vector<16xi32>,
    %add3A_56 = arith.constant 48 : i32
    %add3A_57 = arith.addi %multiple_of3A_3, %add3A_56 : i32
    %get3A_58 = arith.index_cast %add3A_57 : i32 to index
    %get3A_59 = tpu.vector_load %arg6[%get3A_58] {strides = array<i32>} : memref<25600xi32, #tpu.memory_space<vmem>>, vector<16xi32>,
    %shift_right_logical3A_60 = arith.constant 1 : i32
    %shift_right_logical3A_61 = vector.broadcast %shift_right_logical3A_60 : i32 to vector<16xi32>
    %shift_right_logical3A_62 = arith.shrui %get3A_59, %shift_right_logical3A_61 : vector<16xi32>
    %swap3A_63 = arith.constant 0 : i32
    %swap3A_64 = arith.index_cast %swap3A_63 : i32 to index
    %swap3A_65 = arith.constant 48 : index
    %swap3A_66 = tpu.vector_load %arg7[%swap3A_64, %swap3A_65] {strides = array<i32>} : memref<1x128xi32, #tpu.memory_space<vmem>>, vector<16xi32>,
    tpu.vector_store %arg7[%swap3A_64, %swap3A_65], %shift_right_logical3A_62 {strides = array<i32>} : memref<1x128xi32, #tpu.memory_space<vmem>>, vector<16xi32>,
    %and3A_67 = arith.constant 1 : i32
    %and3A_68 = vector.broadcast %and3A_67 : i32 to vector<16xi32>
    %and3A_69 = arith.andi %get3A_59, %and3A_68 : vector<16xi32>
    %shift_left3A_70 = arith.constant 6 : i32
    %shift_left3A_71 = vector.broadcast %shift_left3A_70 : i32 to vector<16xi32>
    %shift_left3A_72 = arith.shli %and3A_69, %shift_left3A_71 : vector<16xi32>
    %swap3A_73 = arith.constant 48 : index
    %swap3A_74 = tpu.vector_load %arg9[%swap3A_73] {strides = array<i32>} : memref<128xi32, #tpu.memory_space<vmem>>, vector<16xi32>,
    tpu.vector_store %arg9[%swap3A_73], %shift_left3A_72 {strides = array<i32>} : memref<128xi32, #tpu.memory_space<vmem>>, vector<16xi32>,
    %add3A_75 = arith.constant 64 : i32
    %add3A_76 = arith.addi %multiple_of3A_3, %add3A_75 : i32
    %get3A_77 = arith.index_cast %add3A_76 : i32 to index
    %get3A_78 = tpu.vector_load %arg6[%get3A_77] {strides = array<i32>} : memref<25600xi32, #tpu.memory_space<vmem>>, vector<16xi32>,
    %shift_right_logical3A_79 = arith.constant 1 : i32
    %shift_right_logical3A_80 = vector.broadcast %shift_right_logical3A_79 : i32 to vector<16xi32>
    %shift_right_logical3A_81 = arith.shrui %get3A_78, %shift_right_logical3A_80 : vector<16xi32>
    %swap3A_82 = arith.constant 0 : i32
    %swap3A_83 = arith.index_cast %swap3A_82 : i32 to index
    %swap3A_84 = arith.constant 64 : index
    %swap3A_85 = tpu.vector_load %arg7[%swap3A_83, %swap3A_84] {strides = array<i32>} : memref<1x128xi32, #tpu.memory_space<vmem>>, vector<16xi32>,
    tpu.vector_store %arg7[%swap3A_83, %swap3A_84], %shift_right_logical3A_81 {strides = array<i32>} : memref<1x128xi32, #tpu.memory_space<vmem>>, vector<16xi32>,
    %and3A_86 = arith.constant 1 : i32
    %and3A_87 = vector.broadcast %and3A_86 : i32 to vector<16xi32>
    %and3A_88 = arith.andi %get3A_78, %and3A_87 : vector<16xi32>
    %shift_left3A_89 = arith.constant 6 : i32
    %shift_left3A_90 = vector.broadcast %shift_left3A_89 : i32 to vector<16xi32>
    %shift_left3A_91 = arith.shli %and3A_88, %shift_left3A_90 : vector<16xi32>
    %swap3A_92 = arith.constant 64 : index
    %swap3A_93 = tpu.vector_load %arg9[%swap3A_92] {strides = array<i32>} : memref<128xi32, #tpu.memory_space<vmem>>, vector<16xi32>,
    tpu.vector_store %arg9[%swap3A_92], %shift_left3A_91 {strides = array<i32>} : memref<128xi32, #tpu.memory_space<vmem>>, vector<16xi32>,
    %add3A_94 = arith.constant 80 : i32
    %add3A_95 = arith.addi %multiple_of3A_3, %add3A_94 : i32
    %get3A_96 = arith.index_cast %add3A_95 : i32 to index
    %get3A_97 = tpu.vector_load %arg6[%get3A_96] {strides = array<i32>} : memref<25600xi32, #tpu.memory_space<vmem>>, vector<16xi32>,
    %shift_right_logical3A_98 = arith.constant 1 : i32
    %shift_right_logical3A_99 = vector.broadcast %shift_right_logical3A_98 : i32 to vector<16xi32>
    %shift_right_logical3A_100 = arith.shrui %get3A_97, %shift_right_logical3A_99 : vector<16xi32>
    %swap3A_101 = arith.constant 0 : i32
    %swap3A_102 = arith.index_cast %swap3A_101 : i32 to index
    %swap3A_103 = arith.constant 80 : index
    %swap3A_104 = tpu.vector_load %arg7[%swap3A_102, %swap3A_103] {strides = array<i32>} : memref<1x128xi32, #tpu.memory_space<vmem>>, vector<16xi32>,
    tpu.vector_store %arg7[%swap3A_102, %swap3A_103], %shift_right_logical3A_100 {strides = array<i32>} : memref<1x128xi32, #tpu.memory_space<vmem>>, vector<16xi32>,
    %and3A_105 = arith.constant 1 : i32
    %and3A_106 = vector.broadcast %and3A_105 : i32 to vector<16xi32>
    %and3A_107 = arith.andi %get3A_97, %and3A_106 : vector<16xi32>
    %shift_left3A_108 = arith.constant 6 : i32
    %shift_left3A_109 = vector.broadcast %shift_left3A_108 : i32 to vector<16xi32>
    %shift_left3A_110 = arith.shli %and3A_107, %shift_left3A_109 : vector<16xi32>
    %swap3A_111 = arith.constant 80 : index
    %swap3A_112 = tpu.vector_load %arg9[%swap3A_111] {strides = array<i32>} : memref<128xi32, #tpu.memory_space<vmem>>, vector<16xi32>,
    tpu.vector_store %arg9[%swap3A_111], %shift_left3A_110 {strides = array<i32>} : memref<128xi32, #tpu.memory_space<vmem>>, vector<16xi32>,
    %add3A_113 = arith.constant 96 : i32
    %add3A_114 = arith.addi %multiple_of3A_3, %add3A_113 : i32
    %get3A_115 = arith.index_cast %add3A_114 : i32 to index
    %get3A_116 = tpu.vector_load %arg6[%get3A_115] {strides = array<i32>} : memref<25600xi32, #tpu.memory_space<vmem>>, vector<16xi32>,
    %shift_right_logical3A_117 = arith.constant 1 : i32
    %shift_right_logical3A_118 = vector.broadcast %shift_right_logical3A_117 : i32 to vector<16xi32>
    %shift_right_logical3A_119 = arith.shrui %get3A_116, %shift_right_logical3A_118 : vector<16xi32>
    %swap3A_120 = arith.constant 0 : i32
    %swap3A_121 = arith.index_cast %swap3A_120 : i32 to index
    %swap3A_122 = arith.constant 96 : index
    %swap3A_123 = tpu.vector_load %arg7[%swap3A_121, %swap3A_122] {strides = array<i32>} : memref<1x128xi32, #tpu.memory_space<vmem>>, vector<16xi32>,
    tpu.vector_store %arg7[%swap3A_121, %swap3A_122], %shift_right_logical3A_119 {strides = array<i32>} : memref<1x128xi32, #tpu.memory_space<vmem>>, vector<16xi32>,
    %and3A_124 = arith.constant 1 : i32
    %and3A_125 = vector.broadcast %and3A_124 : i32 to vector<16xi32>
    %and3A_126 = arith.andi %get3A_116, %and3A_125 : vector<16xi32>
    %shift_left3A_127 = arith.constant 6 : i32
    %shift_left3A_128 = vector.broadcast %shift_left3A_127 : i32 to vector<16xi32>
    %shift_left3A_129 = arith.shli %and3A_126, %shift_left3A_128 : vector<16xi32>
    %swap3A_130 = arith.constant 96 : index
    %swap3A_131 = tpu.vector_load %arg9[%swap3A_130] {strides = array<i32>} : memref<128xi32, #tpu.memory_space<vmem>>, vector<16xi32>,
    tpu.vector_store %arg9[%swap3A_130], %shift_left3A_129 {strides = array<i32>} : memref<128xi32, #tpu.memory_space<vmem>>, vector<16xi32>,
    %add3A_132 = arith.constant 112 : i32
    %add3A_133 = arith.addi %multiple_of3A_3, %add3A_132 : i32
    %get3A_134 = arith.index_cast %add3A_133 : i32 to index
    %get3A_135 = tpu.vector_load %arg6[%get3A_134] {strides = array<i32>} : memref<25600xi32, #tpu.memory_space<vmem>>, vector<16xi32>,
    %shift_right_logical3A_136 = arith.constant 1 : i32
    %shift_right_logical3A_137 = vector.broadcast %shift_right_logical3A_136 : i32 to vector<16xi32>
    %shift_right_logical3A_138 = arith.shrui %get3A_135, %shift_right_logical3A_137 : vector<16xi32>
    %swap3A_139 = arith.constant 0 : i32
    %swap3A_140 = arith.index_cast %swap3A_139 : i32 to index
    %swap3A_141 = arith.constant 112 : index
    %swap3A_142 = tpu.vector_load %arg7[%swap3A_140, %swap3A_141] {strides = array<i32>} : memref<1x128xi32, #tpu.memory_space<vmem>>, vector<16xi32>,
    tpu.vector_store %arg7[%swap3A_140, %swap3A_141], %shift_right_logical3A_138 {strides = array<i32>} : memref<1x128xi32, #tpu.memory_space<vmem>>, vector<16xi32>,
    %and3A_143 = arith.constant 1 : i32
    %and3A_144 = vector.broadcast %and3A_143 : i32 to vector<16xi32>
    %and3A_145 = arith.andi %get3A_135, %and3A_144 : vector<16xi32>
    %shift_left3A_146 = arith.constant 6 : i32
    %shift_left3A_147 = vector.broadcast %shift_left3A_146 : i32 to vector<16xi32>
    %shift_left3A_148 = arith.shli %and3A_145, %shift_left3A_147 : vector<16xi32>
    %swap3A_149 = arith.constant 112 : index
    %swap3A_150 = tpu.vector_load %arg9[%swap3A_149] {strides = array<i32>} : memref<128xi32, #tpu.memory_space<vmem>>, vector<16xi32>,
    tpu.vector_store %arg9[%swap3A_149], %shift_left3A_148 {strides = array<i32>} : memref<128xi32, #tpu.memory_space<vmem>>, vector<16xi32>,
    %dma_start3A = arith.constant 0 : i32
    %dma_start3A_151 = arith.constant 0 : i32
    %dma_start3A_152 = arith.constant 0 : i32
    %dma_start3A_153 = tpu.memref_slice %arg11[%dma_start3A_151, %dma_start3A_152] : memref<128x128xf32, #tpu.memory_space<vmem>> -> memref<128x128xf32, #tpu.memory_space<vmem>>
    %dma_start3A_154 = arith.constant 0 : i32
    %dma_start3A_155 = tpu.memref_slice %arg7[%dma_start3A, %dma_start3A_154] : memref<1x128xi32, #tpu.memory_space<vmem>> -> memref<1x128xi32, #tpu.memory_space<vmem>>
    %dma_start3A_156 = tpu.memref_squeeze %dma_start3A_155 : memref<1x128xi32, #tpu.memory_space<vmem>> -> memref<128xi32, #tpu.memory_space<vmem>>
    %dma_start3A_157 = arith.constant 0 : i32
    %dma_start3A_158 = arith.constant 0 : i32
    %dma_start3A_159 = tpu.memref_slice %arg3[%dma_start3A_157, %dma_start3A_158] : memref<500000x128xf32, #tpu.memory_space<hbm>> -> memref<500000x128xf32, #tpu.memory_space<hbm>>
    tpu.enqueue_indirect_dma source(%dma_start3A_159 : memref<500000x128xf32, #tpu.memory_space<hbm>>) target(%dma_start3A_153 : memref<128x128xf32, #tpu.memory_space<vmem>>) offsets(%dma_start3A_156 : memref<128xi32, #tpu.memory_space<vmem>>) semaphore(%arg16 : memref<!tpu.dma_semaphore, #tpu.memory_space<semaphore_mem>>)
    %scan3A = arith.constant 0 : i32
    %scan3A_160 = arith.constant 0 : i32
    %scan3A_161 = arith.constant 100 : i32
    %scan3A_162 = arith.addi %scan3A_160, %scan3A_161 : i32
    %scan3A_163 = arith.constant 1 : i32
    scf.for %scan3A_176 = %scan3A_160 to %scan3A_162 step %scan3A_163  : i32 {
      %mul3A_177 = arith.constant 2 : i32
      %mul3A_178 = arith.muli %mul3A_177, %scan3A_176 : i32
      %add3A_179 = arith.constant 1 : i32
      %add3A_180 = arith.addi %mul3A_178, %add3A_179 : i32
      %mul3A_181 = arith.constant 128 : i32
      %mul3A_182 = arith.muli %add3A_180, %mul3A_181 : i32
      %multiple_of3A_183 = tpu.assume_multiple %mul3A_182, 128 : i32
      %add3A_184 = arith.constant 0 : i32
      %add3A_185 = arith.addi %multiple_of3A_183, %add3A_184 : i32
      %get3A_186 = arith.index_cast %add3A_185 : i32 to index
      %get3A_187 = tpu.vector_load %arg6[%get3A_186] {strides = array<i32>} : memref<25600xi32, #tpu.memory_space<vmem>>, vector<16xi32>,
      %shift_right_logical3A_188 = arith.constant 1 : i32
      %shift_right_logical3A_189 = vector.broadcast %shift_right_logical3A_188 : i32 to vector<16xi32>
      %shift_right_logical3A_190 = arith.shrui %get3A_187, %shift_right_logical3A_189 : vector<16xi32>
      %swap3A_191 = arith.constant 0 : i32
      %swap3A_192 = arith.index_cast %swap3A_191 : i32 to index
      %swap3A_193 = arith.constant 0 : index
      %swap3A_194 = tpu.vector_load %arg8[%swap3A_192, %swap3A_193] {strides = array<i32>} : memref<1x128xi32, #tpu.memory_space<vmem>>, vector<16xi32>,
      tpu.vector_store %arg8[%swap3A_192, %swap3A_193], %shift_right_logical3A_190 {strides = array<i32>} : memref<1x128xi32, #tpu.memory_space<vmem>>, vector<16xi32>,
      %and3A_195 = arith.constant 1 : i32
      %and3A_196 = vector.broadcast %and3A_195 : i32 to vector<16xi32>
      %and3A_197 = arith.andi %get3A_187, %and3A_196 : vector<16xi32>
      %shift_left3A_198 = arith.constant 6 : i32
      %shift_left3A_199 = vector.broadcast %shift_left3A_198 : i32 to vector<16xi32>
      %shift_left3A_200 = arith.shli %and3A_197, %shift_left3A_199 : vector<16xi32>
      %swap3A_201 = arith.constant 0 : index
      %swap3A_202 = tpu.vector_load %arg10[%swap3A_201] {strides = array<i32>} : memref<128xi32, #tpu.memory_space<vmem>>, vector<16xi32>,
      tpu.vector_store %arg10[%swap3A_201], %shift_left3A_200 {strides = array<i32>} : memref<128xi32, #tpu.memory_space<vmem>>, vector<16xi32>,
      %add3A_203 = arith.constant 16 : i32
      %add3A_204 = arith.addi %multiple_of3A_183, %add3A_203 : i32
      %get3A_205 = arith.index_cast %add3A_204 : i32 to index
      %get3A_206 = tpu.vector_load %arg6[%get3A_205] {strides = array<i32>} : memref<25600xi32, #tpu.memory_space<vmem>>, vector<16xi32>,
      %shift_right_logical3A_207 = arith.constant 1 : i32
      %shift_right_logical3A_208 = vector.broadcast %shift_right_logical3A_207 : i32 to vector<16xi32>
      %shift_right_logical3A_209 = arith.shrui %get3A_206, %shift_right_logical3A_208 : vector<16xi32>
      %swap3A_210 = arith.constant 0 : i32
      %swap3A_211 = arith.index_cast %swap3A_210 : i32 to index
      %swap3A_212 = arith.constant 16 : index
      %swap3A_213 = tpu.vector_load %arg8[%swap3A_211, %swap3A_212] {strides = array<i32>} : memref<1x128xi32, #tpu.memory_space<vmem>>, vector<16xi32>,
      tpu.vector_store %arg8[%swap3A_211, %swap3A_212], %shift_right_logical3A_209 {strides = array<i32>} : memref<1x128xi32, #tpu.memory_space<vmem>>, vector<16xi32>,
      %and3A_214 = arith.constant 1 : i32
      %and3A_215 = vector.broadcast %and3A_214 : i32 to vector<16xi32>
      %and3A_216 = arith.andi %get3A_206, %and3A_215 : vector<16xi32>
      %shift_left3A_217 = arith.constant 6 : i32
      %shift_left3A_218 = vector.broadcast %shift_left3A_217 : i32 to vector<16xi32>
      %shift_left3A_219 = arith.shli %and3A_216, %shift_left3A_218 : vector<16xi32>
      %swap3A_220 = arith.constant 16 : index
      %swap3A_221 = tpu.vector_load %arg10[%swap3A_220] {strides = array<i32>} : memref<128xi32, #tpu.memory_space<vmem>>, vector<16xi32>,
      tpu.vector_store %arg10[%swap3A_220], %shift_left3A_219 {strides = array<i32>} : memref<128xi32, #tpu.memory_space<vmem>>, vector<16xi32>,
      %add3A_222 = arith.constant 32 : i32
      %add3A_223 = arith.addi %multiple_of3A_183, %add3A_222 : i32
      %get3A_224 = arith.index_cast %add3A_223 : i32 to index
      %get3A_225 = tpu.vector_load %arg6[%get3A_224] {strides = array<i32>} : memref<25600xi32, #tpu.memory_space<vmem>>, vector<16xi32>,
      %shift_right_logical3A_226 = arith.constant 1 : i32
      %shift_right_logical3A_227 = vector.broadcast %shift_right_logical3A_226 : i32 to vector<16xi32>
      %shift_right_logical3A_228 = arith.shrui %get3A_225, %shift_right_logical3A_227 : vector<16xi32>
      %swap3A_229 = arith.constant 0 : i32
      %swap3A_230 = arith.index_cast %swap3A_229 : i32 to index
      %swap3A_231 = arith.constant 32 : index
      %swap3A_232 = tpu.vector_load %arg8[%swap3A_230, %swap3A_231] {strides = array<i32>} : memref<1x128xi32, #tpu.memory_space<vmem>>, vector<16xi32>,
      tpu.vector_store %arg8[%swap3A_230, %swap3A_231], %shift_right_logical3A_228 {strides = array<i32>} : memref<1x128xi32, #tpu.memory_space<vmem>>, vector<16xi32>,
      %and3A_233 = arith.constant 1 : i32
      %and3A_234 = vector.broadcast %and3A_233 : i32 to vector<16xi32>
      %and3A_235 = arith.andi %get3A_225, %and3A_234 : vector<16xi32>
      %shift_left3A_236 = arith.constant 6 : i32
      %shift_left3A_237 = vector.broadcast %shift_left3A_236 : i32 to vector<16xi32>
      %shift_left3A_238 = arith.shli %and3A_235, %shift_left3A_237 : vector<16xi32>
      %swap3A_239 = arith.constant 32 : index
      %swap3A_240 = tpu.vector_load %arg10[%swap3A_239] {strides = array<i32>} : memref<128xi32, #tpu.memory_space<vmem>>, vector<16xi32>,
      tpu.vector_store %arg10[%swap3A_239], %shift_left3A_238 {strides = array<i32>} : memref<128xi32, #tpu.memory_space<vmem>>, vector<16xi32>,
      %add3A_241 = arith.constant 48 : i32
      %add3A_242 = arith.addi %multiple_of3A_183, %add3A_241 : i32
      %get3A_243 = arith.index_cast %add3A_242 : i32 to index
      %get3A_244 = tpu.vector_load %arg6[%get3A_243] {strides = array<i32>} : memref<25600xi32, #tpu.memory_space<vmem>>, vector<16xi32>,
      %shift_right_logical3A_245 = arith.constant 1 : i32
      %shift_right_logical3A_246 = vector.broadcast %shift_right_logical3A_245 : i32 to vector<16xi32>
      %shift_right_logical3A_247 = arith.shrui %get3A_244, %shift_right_logical3A_246 : vector<16xi32>
      %swap3A_248 = arith.constant 0 : i32
      %swap3A_249 = arith.index_cast %swap3A_248 : i32 to index
      %swap3A_250 = arith.constant 48 : index
      %swap3A_251 = tpu.vector_load %arg8[%swap3A_249, %swap3A_250] {strides = array<i32>} : memref<1x128xi32, #tpu.memory_space<vmem>>, vector<16xi32>,
      tpu.vector_store %arg8[%swap3A_249, %swap3A_250], %shift_right_logical3A_247 {strides = array<i32>} : memref<1x128xi32, #tpu.memory_space<vmem>>, vector<16xi32>,
      %and3A_252 = arith.constant 1 : i32
      %and3A_253 = vector.broadcast %and3A_252 : i32 to vector<16xi32>
      %and3A_254 = arith.andi %get3A_244, %and3A_253 : vector<16xi32>
      %shift_left3A_255 = arith.constant 6 : i32
      %shift_left3A_256 = vector.broadcast %shift_left3A_255 : i32 to vector<16xi32>
      %shift_left3A_257 = arith.shli %and3A_254, %shift_left3A_256 : vector<16xi32>
      %swap3A_258 = arith.constant 48 : index
      %swap3A_259 = tpu.vector_load %arg10[%swap3A_258] {strides = array<i32>} : memref<128xi32, #tpu.memory_space<vmem>>, vector<16xi32>,
      tpu.vector_store %arg10[%swap3A_258], %shift_left3A_257 {strides = array<i32>} : memref<128xi32, #tpu.memory_space<vmem>>, vector<16xi32>,
      %add3A_260 = arith.constant 64 : i32
      %add3A_261 = arith.addi %multiple_of3A_183, %add3A_260 : i32
      %get3A_262 = arith.index_cast %add3A_261 : i32 to index
      %get3A_263 = tpu.vector_load %arg6[%get3A_262] {strides = array<i32>} : memref<25600xi32, #tpu.memory_space<vmem>>, vector<16xi32>,
      %shift_right_logical3A_264 = arith.constant 1 : i32
      %shift_right_logical3A_265 = vector.broadcast %shift_right_logical3A_264 : i32 to vector<16xi32>
      %shift_right_logical3A_266 = arith.shrui %get3A_263, %shift_right_logical3A_265 : vector<16xi32>
      %swap3A_267 = arith.constant 0 : i32
      %swap3A_268 = arith.index_cast %swap3A_267 : i32 to index
      %swap3A_269 = arith.constant 64 : index
      %swap3A_270 = tpu.vector_load %arg8[%swap3A_268, %swap3A_269] {strides = array<i32>} : memref<1x128xi32, #tpu.memory_space<vmem>>, vector<16xi32>,
      tpu.vector_store %arg8[%swap3A_268, %swap3A_269], %shift_right_logical3A_266 {strides = array<i32>} : memref<1x128xi32, #tpu.memory_space<vmem>>, vector<16xi32>,
      %and3A_271 = arith.constant 1 : i32
      %and3A_272 = vector.broadcast %and3A_271 : i32 to vector<16xi32>
      %and3A_273 = arith.andi %get3A_263, %and3A_272 : vector<16xi32>
      %shift_left3A_274 = arith.constant 6 : i32
      %shift_left3A_275 = vector.broadcast %shift_left3A_274 : i32 to vector<16xi32>
      %shift_left3A_276 = arith.shli %and3A_273, %shift_left3A_275 : vector<16xi32>
      %swap3A_277 = arith.constant 64 : index
      %swap3A_278 = tpu.vector_load %arg10[%swap3A_277] {strides = array<i32>} : memref<128xi32, #tpu.memory_space<vmem>>, vector<16xi32>,
      tpu.vector_store %arg10[%swap3A_277], %shift_left3A_276 {strides = array<i32>} : memref<128xi32, #tpu.memory_space<vmem>>, vector<16xi32>,
      %add3A_279 = arith.constant 80 : i32
      %add3A_280 = arith.addi %multiple_of3A_183, %add3A_279 : i32
      %get3A_281 = arith.index_cast %add3A_280 : i32 to index
      %get3A_282 = tpu.vector_load %arg6[%get3A_281] {strides = array<i32>} : memref<25600xi32, #tpu.memory_space<vmem>>, vector<16xi32>,
      %shift_right_logical3A_283 = arith.constant 1 : i32
      %shift_right_logical3A_284 = vector.broadcast %shift_right_logical3A_283 : i32 to vector<16xi32>
      %shift_right_logical3A_285 = arith.shrui %get3A_282, %shift_right_logical3A_284 : vector<16xi32>
      %swap3A_286 = arith.constant 0 : i32
      %swap3A_287 = arith.index_cast %swap3A_286 : i32 to index
      %swap3A_288 = arith.constant 80 : index
      %swap3A_289 = tpu.vector_load %arg8[%swap3A_287, %swap3A_288] {strides = array<i32>} : memref<1x128xi32, #tpu.memory_space<vmem>>, vector<16xi32>,
      tpu.vector_store %arg8[%swap3A_287, %swap3A_288], %shift_right_logical3A_285 {strides = array<i32>} : memref<1x128xi32, #tpu.memory_space<vmem>>, vector<16xi32>,
      %and3A_290 = arith.constant 1 : i32
      %and3A_291 = vector.broadcast %and3A_290 : i32 to vector<16xi32>
      %and3A_292 = arith.andi %get3A_282, %and3A_291 : vector<16xi32>
      %shift_left3A_293 = arith.constant 6 : i32
      %shift_left3A_294 = vector.broadcast %shift_left3A_293 : i32 to vector<16xi32>
      %shift_left3A_295 = arith.shli %and3A_292, %shift_left3A_294 : vector<16xi32>
      %swap3A_296 = arith.constant 80 : index
      %swap3A_297 = tpu.vector_load %arg10[%swap3A_296] {strides = array<i32>} : memref<128xi32, #tpu.memory_space<vmem>>, vector<16xi32>,
      tpu.vector_store %arg10[%swap3A_296], %shift_left3A_295 {strides = array<i32>} : memref<128xi32, #tpu.memory_space<vmem>>, vector<16xi32>,
      %add3A_298 = arith.constant 96 : i32
      %add3A_299 = arith.addi %multiple_of3A_183, %add3A_298 : i32
      %get3A_300 = arith.index_cast %add3A_299 : i32 to index
      %get3A_301 = tpu.vector_load %arg6[%get3A_300] {strides = array<i32>} : memref<25600xi32, #tpu.memory_space<vmem>>, vector<16xi32>,
      %shift_right_logical3A_302 = arith.constant 1 : i32
      %shift_right_logical3A_303 = vector.broadcast %shift_right_logical3A_302 : i32 to vector<16xi32>
      %shift_right_logical3A_304 = arith.shrui %get3A_301, %shift_right_logical3A_303 : vector<16xi32>
      %swap3A_305 = arith.constant 0 : i32
      %swap3A_306 = arith.index_cast %swap3A_305 : i32 to index
      %swap3A_307 = arith.constant 96 : index
      %swap3A_308 = tpu.vector_load %arg8[%swap3A_306, %swap3A_307] {strides = array<i32>} : memref<1x128xi32, #tpu.memory_space<vmem>>, vector<16xi32>,
      tpu.vector_store %arg8[%swap3A_306, %swap3A_307], %shift_right_logical3A_304 {strides = array<i32>} : memref<1x128xi32, #tpu.memory_space<vmem>>, vector<16xi32>,
      %and3A_309 = arith.constant 1 : i32
      %and3A_310 = vector.broadcast %and3A_309 : i32 to vector<16xi32>
      %and3A_311 = arith.andi %get3A_301, %and3A_310 : vector<16xi32>
      %shift_left3A_312 = arith.constant 6 : i32
      %shift_left3A_313 = vector.broadcast %shift_left3A_312 : i32 to vector<16xi32>
      %shift_left3A_314 = arith.shli %and3A_311, %shift_left3A_313 : vector<16xi32>
      %swap3A_315 = arith.constant 96 : index
      %swap3A_316 = tpu.vector_load %arg10[%swap3A_315] {strides = array<i32>} : memref<128xi32, #tpu.memory_space<vmem>>, vector<16xi32>,
      tpu.vector_store %arg10[%swap3A_315], %shift_left3A_314 {strides = array<i32>} : memref<128xi32, #tpu.memory_space<vmem>>, vector<16xi32>,
      %add3A_317 = arith.constant 112 : i32
      %add3A_318 = arith.addi %multiple_of3A_183, %add3A_317 : i32
      %get3A_319 = arith.index_cast %add3A_318 : i32 to index
      %get3A_320 = tpu.vector_load %arg6[%get3A_319] {strides = array<i32>} : memref<25600xi32, #tpu.memory_space<vmem>>, vector<16xi32>,
      %shift_right_logical3A_321 = arith.constant 1 : i32
      %shift_right_logical3A_322 = vector.broadcast %shift_right_logical3A_321 : i32 to vector<16xi32>
      %shift_right_logical3A_323 = arith.shrui %get3A_320, %shift_right_logical3A_322 : vector<16xi32>
      %swap3A_324 = arith.constant 0 : i32
      %swap3A_325 = arith.index_cast %swap3A_324 : i32 to index
      %swap3A_326 = arith.constant 112 : index
      %swap3A_327 = tpu.vector_load %arg8[%swap3A_325, %swap3A_326] {strides = array<i32>} : memref<1x128xi32, #tpu.memory_space<vmem>>, vector<16xi32>,
      tpu.vector_store %arg8[%swap3A_325, %swap3A_326], %shift_right_logical3A_323 {strides = array<i32>} : memref<1x128xi32, #tpu.memory_space<vmem>>, vector<16xi32>,
      %and3A_328 = arith.constant 1 : i32
      %and3A_329 = vector.broadcast %and3A_328 : i32 to vector<16xi32>
      %and3A_330 = arith.andi %get3A_320, %and3A_329 : vector<16xi32>
      %shift_left3A_331 = arith.constant 6 : i32
      %shift_left3A_332 = vector.broadcast %shift_left3A_331 : i32 to vector<16xi32>
      %shift_left3A_333 = arith.shli %and3A_330, %shift_left3A_332 : vector<16xi32>
      %swap3A_334 = arith.constant 112 : index
      %swap3A_335 = tpu.vector_load %arg10[%swap3A_334] {strides = array<i32>} : memref<128xi32, #tpu.memory_space<vmem>>, vector<16xi32>,
      tpu.vector_store %arg10[%swap3A_334], %shift_left3A_333 {strides = array<i32>} : memref<128xi32, #tpu.memory_space<vmem>>, vector<16xi32>,
      %dma_start3A_336 = arith.constant 0 : i32
      %dma_start3A_337 = arith.constant 0 : i32
      %dma_start3A_338 = arith.constant 0 : i32
      %dma_start3A_339 = tpu.memref_slice %arg12[%dma_start3A_337, %dma_start3A_338] : memref<128x128xf32, #tpu.memory_space<vmem>> -> memref<128x128xf32, #tpu.memory_space<vmem>>
      %dma_start3A_340 = arith.constant 0 : i32
      %dma_start3A_341 = tpu.memref_slice %arg8[%dma_start3A_336, %dma_start3A_340] : memref<1x128xi32, #tpu.memory_space<vmem>> -> memref<1x128xi32, #tpu.memory_space<vmem>>
      %dma_start3A_342 = tpu.memref_squeeze %dma_start3A_341 : memref<1x128xi32, #tpu.memory_space<vmem>> -> memref<128xi32, #tpu.memory_space<vmem>>
      %dma_start3A_343 = arith.constant 0 : i32
      %dma_start3A_344 = arith.constant 0 : i32
      %dma_start3A_345 = tpu.memref_slice %arg3[%dma_start3A_343, %dma_start3A_344] : memref<500000x128xf32, #tpu.memory_space<hbm>> -> memref<500000x128xf32, #tpu.memory_space<hbm>>
      tpu.enqueue_indirect_dma source(%dma_start3A_345 : memref<500000x128xf32, #tpu.memory_space<hbm>>) target(%dma_start3A_339 : memref<128x128xf32, #tpu.memory_space<vmem>>) offsets(%dma_start3A_342 : memref<128xi32, #tpu.memory_space<vmem>>) semaphore(%arg17 : memref<!tpu.dma_semaphore, #tpu.memory_space<semaphore_mem>>)
      %dma_wait3A_346 = arith.constant 0 : i32
      %dma_wait3A_347 = arith.constant 0 : i32
      %dma_wait3A_348 = arith.constant 0 : i32
      %dma_wait3A_349 = tpu.memref_slice %arg11[%dma_wait3A_347, %dma_wait3A_348] : memref<128x128xf32, #tpu.memory_space<vmem>> -> memref<128x128xf32, #tpu.memory_space<vmem>>
      %dma_wait3A_350 = arith.constant 0 : i32
      %dma_wait3A_351 = tpu.memref_slice %arg7[%dma_wait3A_346, %dma_wait3A_350] : memref<1x128xi32, #tpu.memory_space<vmem>> -> memref<1x128xi32, #tpu.memory_space<vmem>>
      %dma_wait3A_352 = tpu.memref_squeeze %dma_wait3A_351 : memref<1x128xi32, #tpu.memory_space<vmem>> -> memref<128xi32, #tpu.memory_space<vmem>>
      %dma_wait3A_353 = arith.constant 0 : i32
      %dma_wait3A_354 = arith.constant 0 : i32
      %dma_wait3A_355 = tpu.memref_slice %arg3[%dma_wait3A_353, %dma_wait3A_354] : memref<500000x128xf32, #tpu.memory_space<hbm>> -> memref<500000x128xf32, #tpu.memory_space<hbm>>
      tpu.wait_indirect_dma semaphore(%arg16 : memref<!tpu.dma_semaphore, #tpu.memory_space<semaphore_mem>>) src(%dma_wait3A_355 : memref<500000x128xf32, #tpu.memory_space<hbm>>) dst(%dma_wait3A_349 : memref<128x128xf32, #tpu.memory_space<vmem>>)
      %gt3A = arith.constant 0 : i32
      %gt3A_356 = arith.cmpi sgt, %scan3A_176, %gt3A : i32
      %convert_element_type3A = arith.extui %gt3A_356 : i1 to i32
      %cond3A = arith.constant 0 : i32
      %cond3A_357 = arith.cmpi ne, %convert_element_type3A, %cond3A : i32
      scf.if %cond3A_357 {
        %dma_wait3A_435 = arith.constant 0 : i32
        %dma_wait3A_436 = arith.constant 0 : i32
        %dma_wait3A_437 = tpu.memref_slice %arg5[%dma_wait3A_435, %dma_wait3A_436] : memref<819200x64xf32, #tpu.memory_space<hbm>> -> memref<128x64xf32, #tpu.memory_space<hbm>>
        %dma_wait3A_438 = arith.constant 0 : i32
        %dma_wait3A_439 = arith.constant 0 : i32
        %dma_wait3A_440 = tpu.memref_slice %arg5[%dma_wait3A_438, %dma_wait3A_439] : memref<819200x64xf32, #tpu.memory_space<hbm>> -> memref<128x64xf32, #tpu.memory_space<hbm>>
        tpu.wait_dma2 semaphore(%arg18 : memref<!tpu.dma_semaphore, #tpu.memory_space<semaphore_mem>>) src(%arg13 : memref<128x64xf32, #tpu.memory_space<vmem>>) dst(%dma_wait3A_440 : memref<128x64xf32, #tpu.memory_space<hbm>>)
      } else {
      }
      %mul3A_358 = arith.constant 128 : i32
      %mul3A_359 = arith.muli %mul3A_178, %mul3A_358 : i32
      %add3A_360 = arith.addi %mul3A_2, %mul3A_359 : i32
      %rem3A = arith.constant 200 : i32
      %rem3A_361 = arith.remsi %add3A_360, %rem3A : i32
      %add3A_362 = arith.constant 0 : i32
      %add3A_363 = vector.broadcast %add3A_362 : i32 to vector<16xi32>
      %add3A_364 = arith.addi %iota3A, %add3A_363 : vector<16xi32>
      %add3A_365 = arith.constant 16 : i32
      %add3A_366 = vector.broadcast %add3A_365 : i32 to vector<16xi32>
      %add3A_367 = arith.addi %iota3A, %add3A_366 : vector<16xi32>
      %add3A_368 = arith.constant 32 : i32
      %add3A_369 = vector.broadcast %add3A_368 : i32 to vector<16xi32>
      %add3A_370 = arith.addi %iota3A, %add3A_369 : vector<16xi32>
      %add3A_371 = arith.constant 48 : i32
      %add3A_372 = vector.broadcast %add3A_371 : i32 to vector<16xi32>
      %add3A_373 = arith.addi %iota3A, %add3A_372 : vector<16xi32>
      %parallel_loop3A = arith.constant 0 : i32
      %parallel_loop3A_374 = arith.constant 128 : i32
      %parallel_loop3A_375 = arith.constant 1 : i32
      scf.for %parallel_loop3A_435 = %parallel_loop3A to %parallel_loop3A_374 step %parallel_loop3A_375  : i32 {
        %parallel_loop3A_436 = vector.broadcast %parallel_loop3A_435 : i32 to vector<16xi32>
        %parallel_loop3A_437 = tpu.vector_load_idx %arg9[%parallel_loop3A_436] : memref<128xi32, #tpu.memory_space<vmem>>[vector<16xi32>], vector<16xi32>,
        %parallel_loop3A_438 = arith.addi %rem3A_361, %parallel_loop3A_435 : i32
        %parallel_loop3A_439 = arith.constant 200 : i32
        %parallel_loop3A_440 = arith.remsi %parallel_loop3A_438, %parallel_loop3A_439 : i32
        %parallel_loop3A_441 = arith.constant 64 : i32
        %parallel_loop3A_442 = arith.muli %parallel_loop3A_440, %parallel_loop3A_441 : i32
        %parallel_loop3A_443 = arith.addi %parallel_loop3A_437, %add3A_364 : vector<16xi32>
        %parallel_loop3A_444 = tpu.vector_load_idx %arg11[%parallel_loop3A_436, %parallel_loop3A_443] : memref<128x128xf32, #tpu.memory_space<vmem>>[vector<16xi32>, vector<16xi32>], vector<16xf32>,
        %parallel_loop3A_445 = arith.constant 0 : i32
        %parallel_loop3A_446 = arith.addi %parallel_loop3A_442, %parallel_loop3A_445 : i32
        %parallel_loop3A_447 = arith.index_cast %parallel_loop3A_446 : i32 to index
        %parallel_loop3A_448 = tpu.vector_load %arg15[%parallel_loop3A_447] {strides = array<i32>} : memref<12800xf32, #tpu.memory_space<vmem>>, vector<16xf32>,
        %parallel_loop3A_449 = arith.addf %parallel_loop3A_444, %parallel_loop3A_448 : vector<16xf32>
        %parallel_loop3A_450 = arith.index_cast %parallel_loop3A_435 : i32 to index
        %parallel_loop3A_451 = arith.constant 0 : index
        %parallel_loop3A_452 = tpu.vector_load %arg13[%parallel_loop3A_450, %parallel_loop3A_451] {strides = array<i32>} : memref<128x64xf32, #tpu.memory_space<vmem>>, vector<16xf32>,
        tpu.vector_store %arg13[%parallel_loop3A_450, %parallel_loop3A_451], %parallel_loop3A_449 {strides = array<i32>} : memref<128x64xf32, #tpu.memory_space<vmem>>, vector<16xf32>,
        %parallel_loop3A_453 = arith.addi %parallel_loop3A_437, %add3A_367 : vector<16xi32>
        %parallel_loop3A_454 = tpu.vector_load_idx %arg11[%parallel_loop3A_436, %parallel_loop3A_453] : memref<128x128xf32, #tpu.memory_space<vmem>>[vector<16xi32>, vector<16xi32>], vector<16xf32>,
        %parallel_loop3A_455 = arith.constant 16 : i32
        %parallel_loop3A_456 = arith.addi %parallel_loop3A_442, %parallel_loop3A_455 : i32
        %parallel_loop3A_457 = arith.index_cast %parallel_loop3A_456 : i32 to index
        %parallel_loop3A_458 = tpu.vector_load %arg15[%parallel_loop3A_457] {strides = array<i32>} : memref<12800xf32, #tpu.memory_space<vmem>>, vector<16xf32>,
        %parallel_loop3A_459 = arith.addf %parallel_loop3A_454, %parallel_loop3A_458 : vector<16xf32>
        %parallel_loop3A_460 = arith.index_cast %parallel_loop3A_435 : i32 to index
        %parallel_loop3A_461 = arith.constant 16 : index
        %parallel_loop3A_462 = tpu.vector_load %arg13[%parallel_loop3A_460, %parallel_loop3A_461] {strides = array<i32>} : memref<128x64xf32, #tpu.memory_space<vmem>>, vector<16xf32>,
        tpu.vector_store %arg13[%parallel_loop3A_460, %parallel_loop3A_461], %parallel_loop3A_459 {strides = array<i32>} : memref<128x64xf32, #tpu.memory_space<vmem>>, vector<16xf32>,
        %parallel_loop3A_463 = arith.addi %parallel_loop3A_437, %add3A_370 : vector<16xi32>
        %parallel_loop3A_464 = tpu.vector_load_idx %arg11[%parallel_loop3A_436, %parallel_loop3A_463] : memref<128x128xf32, #tpu.memory_space<vmem>>[vector<16xi32>, vector<16xi32>], vector<16xf32>,
        %parallel_loop3A_465 = arith.constant 32 : i32
        %parallel_loop3A_466 = arith.addi %parallel_loop3A_442, %parallel_loop3A_465 : i32
        %parallel_loop3A_467 = arith.index_cast %parallel_loop3A_466 : i32 to index
        %parallel_loop3A_468 = tpu.vector_load %arg15[%parallel_loop3A_467] {strides = array<i32>} : memref<12800xf32, #tpu.memory_space<vmem>>, vector<16xf32>,
        %parallel_loop3A_469 = arith.addf %parallel_loop3A_464, %parallel_loop3A_468 : vector<16xf32>
        %parallel_loop3A_470 = arith.index_cast %parallel_loop3A_435 : i32 to index
        %parallel_loop3A_471 = arith.constant 32 : index
        %parallel_loop3A_472 = tpu.vector_load %arg13[%parallel_loop3A_470, %parallel_loop3A_471] {strides = array<i32>} : memref<128x64xf32, #tpu.memory_space<vmem>>, vector<16xf32>,
        tpu.vector_store %arg13[%parallel_loop3A_470, %parallel_loop3A_471], %parallel_loop3A_469 {strides = array<i32>} : memref<128x64xf32, #tpu.memory_space<vmem>>, vector<16xf32>,
        %parallel_loop3A_473 = arith.addi %parallel_loop3A_437, %add3A_373 : vector<16xi32>
        %parallel_loop3A_474 = tpu.vector_load_idx %arg11[%parallel_loop3A_436, %parallel_loop3A_473] : memref<128x128xf32, #tpu.memory_space<vmem>>[vector<16xi32>, vector<16xi32>], vector<16xf32>,
        %parallel_loop3A_475 = arith.constant 48 : i32
        %parallel_loop3A_476 = arith.addi %parallel_loop3A_442, %parallel_loop3A_475 : i32
        %parallel_loop3A_477 = arith.index_cast %parallel_loop3A_476 : i32 to index
        %parallel_loop3A_478 = tpu.vector_load %arg15[%parallel_loop3A_477] {strides = array<i32>} : memref<12800xf32, #tpu.memory_space<vmem>>, vector<16xf32>,
        %parallel_loop3A_479 = arith.addf %parallel_loop3A_474, %parallel_loop3A_478 : vector<16xf32>
        %parallel_loop3A_480 = arith.index_cast %parallel_loop3A_435 : i32 to index
        %parallel_loop3A_481 = arith.constant 48 : index
        %parallel_loop3A_482 = tpu.vector_load %arg13[%parallel_loop3A_480, %parallel_loop3A_481] {strides = array<i32>} : memref<128x64xf32, #tpu.memory_space<vmem>>, vector<16xf32>,
        tpu.vector_store %arg13[%parallel_loop3A_480, %parallel_loop3A_481], %parallel_loop3A_479 {strides = array<i32>} : memref<128x64xf32, #tpu.memory_space<vmem>>, vector<16xf32>,
      } {sc.loop_unroll_factor = 8 : i64, sc.parallel_access}
      %mul3A_376 = arith.constant 128 : i32
      %mul3A_377 = arith.muli %mul3A_178, %mul3A_376 : i32
      %add3A_378 = arith.addi %mul3A_2, %mul3A_377 : i32
      %multiple_of3A_379 = tpu.assume_multiple %add3A_378, 128 : i32
      %dma_start3A_380 = arith.constant 0 : i32
      %dma_start3A_381 = tpu.memref_slice %arg5[%multiple_of3A_379, %dma_start3A_380] : memref<819200x64xf32, #tpu.memory_space<hbm>> -> memref<128x64xf32, #tpu.memory_space<hbm>>
      %dma_start3A_382 = arith.constant 0 : i32
      %dma_start3A_383 = tpu.memref_slice %arg5[%multiple_of3A_379, %dma_start3A_382] : memref<819200x64xf32, #tpu.memory_space<hbm>> -> memref<128x64xf32, #tpu.memory_space<hbm>>
      tpu.enqueue_dma source(%arg13 : memref<128x64xf32, #tpu.memory_space<vmem>>) target(%dma_start3A_383 : memref<128x64xf32, #tpu.memory_space<hbm>>) target_semaphore(%arg18 : memref<!tpu.dma_semaphore, #tpu.memory_space<semaphore_mem>>)
      %lt3A = arith.constant 99 : i32
      %lt3A_384 = arith.cmpi slt, %scan3A_176, %lt3A : i32
      %convert_element_type3A_385 = arith.extui %lt3A_384 : i1 to i32
      %cond3A_386 = arith.constant 0 : i32
      %cond3A_387 = arith.cmpi ne, %convert_element_type3A_385, %cond3A_386 : i32
      scf.if %cond3A_387 {
        %add3A_435 = arith.constant 2 : i32
        %add3A_436 = arith.addi %mul3A_178, %add3A_435 : i32
        %mul3A_437 = arith.constant 128 : i32
        %mul3A_438 = arith.muli %add3A_436, %mul3A_437 : i32
        %multiple_of3A_439 = tpu.assume_multiple %mul3A_438, 128 : i32
        %add3A_440 = arith.constant 0 : i32
        %add3A_441 = arith.addi %multiple_of3A_439, %add3A_440 : i32
        %get3A_442 = arith.index_cast %add3A_441 : i32 to index
        %get3A_443 = tpu.vector_load %arg6[%get3A_442] {strides = array<i32>} : memref<25600xi32, #tpu.memory_space<vmem>>, vector<16xi32>,
        %shift_right_logical3A_444 = arith.constant 1 : i32
        %shift_right_logical3A_445 = vector.broadcast %shift_right_logical3A_444 : i32 to vector<16xi32>
        %shift_right_logical3A_446 = arith.shrui %get3A_443, %shift_right_logical3A_445 : vector<16xi32>
        %swap3A_447 = arith.constant 0 : i32
        %swap3A_448 = arith.index_cast %swap3A_447 : i32 to index
        %swap3A_449 = arith.constant 0 : index
        %swap3A_450 = tpu.vector_load %arg7[%swap3A_448, %swap3A_449] {strides = array<i32>} : memref<1x128xi32, #tpu.memory_space<vmem>>, vector<16xi32>,
        tpu.vector_store %arg7[%swap3A_448, %swap3A_449], %shift_right_logical3A_446 {strides = array<i32>} : memref<1x128xi32, #tpu.memory_space<vmem>>, vector<16xi32>,
        %and3A_451 = arith.constant 1 : i32
        %and3A_452 = vector.broadcast %and3A_451 : i32 to vector<16xi32>
        %and3A_453 = arith.andi %get3A_443, %and3A_452 : vector<16xi32>
        %shift_left3A_454 = arith.constant 6 : i32
        %shift_left3A_455 = vector.broadcast %shift_left3A_454 : i32 to vector<16xi32>
        %shift_left3A_456 = arith.shli %and3A_453, %shift_left3A_455 : vector<16xi32>
        %swap3A_457 = arith.constant 0 : index
        %swap3A_458 = tpu.vector_load %arg9[%swap3A_457] {strides = array<i32>} : memref<128xi32, #tpu.memory_space<vmem>>, vector<16xi32>,
        tpu.vector_store %arg9[%swap3A_457], %shift_left3A_456 {strides = array<i32>} : memref<128xi32, #tpu.memory_space<vmem>>, vector<16xi32>,
        %add3A_459 = arith.constant 16 : i32
        %add3A_460 = arith.addi %multiple_of3A_439, %add3A_459 : i32
        %get3A_461 = arith.index_cast %add3A_460 : i32 to index
        %get3A_462 = tpu.vector_load %arg6[%get3A_461] {strides = array<i32>} : memref<25600xi32, #tpu.memory_space<vmem>>, vector<16xi32>,
        %shift_right_logical3A_463 = arith.constant 1 : i32
        %shift_right_logical3A_464 = vector.broadcast %shift_right_logical3A_463 : i32 to vector<16xi32>
        %shift_right_logical3A_465 = arith.shrui %get3A_462, %shift_right_logical3A_464 : vector<16xi32>
        %swap3A_466 = arith.constant 0 : i32
        %swap3A_467 = arith.index_cast %swap3A_466 : i32 to index
        %swap3A_468 = arith.constant 16 : index
        %swap3A_469 = tpu.vector_load %arg7[%swap3A_467, %swap3A_468] {strides = array<i32>} : memref<1x128xi32, #tpu.memory_space<vmem>>, vector<16xi32>,
        tpu.vector_store %arg7[%swap3A_467, %swap3A_468], %shift_right_logical3A_465 {strides = array<i32>} : memref<1x128xi32, #tpu.memory_space<vmem>>, vector<16xi32>,
        %and3A_470 = arith.constant 1 : i32
        %and3A_471 = vector.broadcast %and3A_470 : i32 to vector<16xi32>
        %and3A_472 = arith.andi %get3A_462, %and3A_471 : vector<16xi32>
        %shift_left3A_473 = arith.constant 6 : i32
        %shift_left3A_474 = vector.broadcast %shift_left3A_473 : i32 to vector<16xi32>
        %shift_left3A_475 = arith.shli %and3A_472, %shift_left3A_474 : vector<16xi32>
        %swap3A_476 = arith.constant 16 : index
        %swap3A_477 = tpu.vector_load %arg9[%swap3A_476] {strides = array<i32>} : memref<128xi32, #tpu.memory_space<vmem>>, vector<16xi32>,
        tpu.vector_store %arg9[%swap3A_476], %shift_left3A_475 {strides = array<i32>} : memref<128xi32, #tpu.memory_space<vmem>>, vector<16xi32>,
        %add3A_478 = arith.constant 32 : i32
        %add3A_479 = arith.addi %multiple_of3A_439, %add3A_478 : i32
        %get3A_480 = arith.index_cast %add3A_479 : i32 to index
        %get3A_481 = tpu.vector_load %arg6[%get3A_480] {strides = array<i32>} : memref<25600xi32, #tpu.memory_space<vmem>>, vector<16xi32>,
        %shift_right_logical3A_482 = arith.constant 1 : i32
        %shift_right_logical3A_483 = vector.broadcast %shift_right_logical3A_482 : i32 to vector<16xi32>
        %shift_right_logical3A_484 = arith.shrui %get3A_481, %shift_right_logical3A_483 : vector<16xi32>
        %swap3A_485 = arith.constant 0 : i32
        %swap3A_486 = arith.index_cast %swap3A_485 : i32 to index
        %swap3A_487 = arith.constant 32 : index
        %swap3A_488 = tpu.vector_load %arg7[%swap3A_486, %swap3A_487] {strides = array<i32>} : memref<1x128xi32, #tpu.memory_space<vmem>>, vector<16xi32>,
        tpu.vector_store %arg7[%swap3A_486, %swap3A_487], %shift_right_logical3A_484 {strides = array<i32>} : memref<1x128xi32, #tpu.memory_space<vmem>>, vector<16xi32>,
        %and3A_489 = arith.constant 1 : i32
        %and3A_490 = vector.broadcast %and3A_489 : i32 to vector<16xi32>
        %and3A_491 = arith.andi %get3A_481, %and3A_490 : vector<16xi32>
        %shift_left3A_492 = arith.constant 6 : i32
        %shift_left3A_493 = vector.broadcast %shift_left3A_492 : i32 to vector<16xi32>
        %shift_left3A_494 = arith.shli %and3A_491, %shift_left3A_493 : vector<16xi32>
        %swap3A_495 = arith.constant 32 : index
        %swap3A_496 = tpu.vector_load %arg9[%swap3A_495] {strides = array<i32>} : memref<128xi32, #tpu.memory_space<vmem>>, vector<16xi32>,
        tpu.vector_store %arg9[%swap3A_495], %shift_left3A_494 {strides = array<i32>} : memref<128xi32, #tpu.memory_space<vmem>>, vector<16xi32>,
        %add3A_497 = arith.constant 48 : i32
        %add3A_498 = arith.addi %multiple_of3A_439, %add3A_497 : i32
        %get3A_499 = arith.index_cast %add3A_498 : i32 to index
        %get3A_500 = tpu.vector_load %arg6[%get3A_499] {strides = array<i32>} : memref<25600xi32, #tpu.memory_space<vmem>>, vector<16xi32>,
        %shift_right_logical3A_501 = arith.constant 1 : i32
        %shift_right_logical3A_502 = vector.broadcast %shift_right_logical3A_501 : i32 to vector<16xi32>
        %shift_right_logical3A_503 = arith.shrui %get3A_500, %shift_right_logical3A_502 : vector<16xi32>
        %swap3A_504 = arith.constant 0 : i32
        %swap3A_505 = arith.index_cast %swap3A_504 : i32 to index
        %swap3A_506 = arith.constant 48 : index
        %swap3A_507 = tpu.vector_load %arg7[%swap3A_505, %swap3A_506] {strides = array<i32>} : memref<1x128xi32, #tpu.memory_space<vmem>>, vector<16xi32>,
        tpu.vector_store %arg7[%swap3A_505, %swap3A_506], %shift_right_logical3A_503 {strides = array<i32>} : memref<1x128xi32, #tpu.memory_space<vmem>>, vector<16xi32>,
        %and3A_508 = arith.constant 1 : i32
        %and3A_509 = vector.broadcast %and3A_508 : i32 to vector<16xi32>
        %and3A_510 = arith.andi %get3A_500, %and3A_509 : vector<16xi32>
        %shift_left3A_511 = arith.constant 6 : i32
        %shift_left3A_512 = vector.broadcast %shift_left3A_511 : i32 to vector<16xi32>
        %shift_left3A_513 = arith.shli %and3A_510, %shift_left3A_512 : vector<16xi32>
        %swap3A_514 = arith.constant 48 : index
        %swap3A_515 = tpu.vector_load %arg9[%swap3A_514] {strides = array<i32>} : memref<128xi32, #tpu.memory_space<vmem>>, vector<16xi32>,
        tpu.vector_store %arg9[%swap3A_514], %shift_left3A_513 {strides = array<i32>} : memref<128xi32, #tpu.memory_space<vmem>>, vector<16xi32>,
        %add3A_516 = arith.constant 64 : i32
        %add3A_517 = arith.addi %multiple_of3A_439, %add3A_516 : i32
        %get3A_518 = arith.index_cast %add3A_517 : i32 to index
        %get3A_519 = tpu.vector_load %arg6[%get3A_518] {strides = array<i32>} : memref<25600xi32, #tpu.memory_space<vmem>>, vector<16xi32>,
        %shift_right_logical3A_520 = arith.constant 1 : i32
        %shift_right_logical3A_521 = vector.broadcast %shift_right_logical3A_520 : i32 to vector<16xi32>
        %shift_right_logical3A_522 = arith.shrui %get3A_519, %shift_right_logical3A_521 : vector<16xi32>
        %swap3A_523 = arith.constant 0 : i32
        %swap3A_524 = arith.index_cast %swap3A_523 : i32 to index
        %swap3A_525 = arith.constant 64 : index
        %swap3A_526 = tpu.vector_load %arg7[%swap3A_524, %swap3A_525] {strides = array<i32>} : memref<1x128xi32, #tpu.memory_space<vmem>>, vector<16xi32>,
        tpu.vector_store %arg7[%swap3A_524, %swap3A_525], %shift_right_logical3A_522 {strides = array<i32>} : memref<1x128xi32, #tpu.memory_space<vmem>>, vector<16xi32>,
        %and3A_527 = arith.constant 1 : i32
        %and3A_528 = vector.broadcast %and3A_527 : i32 to vector<16xi32>
        %and3A_529 = arith.andi %get3A_519, %and3A_528 : vector<16xi32>
        %shift_left3A_530 = arith.constant 6 : i32
        %shift_left3A_531 = vector.broadcast %shift_left3A_530 : i32 to vector<16xi32>
        %shift_left3A_532 = arith.shli %and3A_529, %shift_left3A_531 : vector<16xi32>
        %swap3A_533 = arith.constant 64 : index
        %swap3A_534 = tpu.vector_load %arg9[%swap3A_533] {strides = array<i32>} : memref<128xi32, #tpu.memory_space<vmem>>, vector<16xi32>,
        tpu.vector_store %arg9[%swap3A_533], %shift_left3A_532 {strides = array<i32>} : memref<128xi32, #tpu.memory_space<vmem>>, vector<16xi32>,
        %add3A_535 = arith.constant 80 : i32
        %add3A_536 = arith.addi %multiple_of3A_439, %add3A_535 : i32
        %get3A_537 = arith.index_cast %add3A_536 : i32 to index
        %get3A_538 = tpu.vector_load %arg6[%get3A_537] {strides = array<i32>} : memref<25600xi32, #tpu.memory_space<vmem>>, vector<16xi32>,
        %shift_right_logical3A_539 = arith.constant 1 : i32
        %shift_right_logical3A_540 = vector.broadcast %shift_right_logical3A_539 : i32 to vector<16xi32>
        %shift_right_logical3A_541 = arith.shrui %get3A_538, %shift_right_logical3A_540 : vector<16xi32>
        %swap3A_542 = arith.constant 0 : i32
        %swap3A_543 = arith.index_cast %swap3A_542 : i32 to index
        %swap3A_544 = arith.constant 80 : index
        %swap3A_545 = tpu.vector_load %arg7[%swap3A_543, %swap3A_544] {strides = array<i32>} : memref<1x128xi32, #tpu.memory_space<vmem>>, vector<16xi32>,
        tpu.vector_store %arg7[%swap3A_543, %swap3A_544], %shift_right_logical3A_541 {strides = array<i32>} : memref<1x128xi32, #tpu.memory_space<vmem>>, vector<16xi32>,
        %and3A_546 = arith.constant 1 : i32
        %and3A_547 = vector.broadcast %and3A_546 : i32 to vector<16xi32>
        %and3A_548 = arith.andi %get3A_538, %and3A_547 : vector<16xi32>
        %shift_left3A_549 = arith.constant 6 : i32
        %shift_left3A_550 = vector.broadcast %shift_left3A_549 : i32 to vector<16xi32>
        %shift_left3A_551 = arith.shli %and3A_548, %shift_left3A_550 : vector<16xi32>
        %swap3A_552 = arith.constant 80 : index
        %swap3A_553 = tpu.vector_load %arg9[%swap3A_552] {strides = array<i32>} : memref<128xi32, #tpu.memory_space<vmem>>, vector<16xi32>,
        tpu.vector_store %arg9[%swap3A_552], %shift_left3A_551 {strides = array<i32>} : memref<128xi32, #tpu.memory_space<vmem>>, vector<16xi32>,
        %add3A_554 = arith.constant 96 : i32
        %add3A_555 = arith.addi %multiple_of3A_439, %add3A_554 : i32
        %get3A_556 = arith.index_cast %add3A_555 : i32 to index
        %get3A_557 = tpu.vector_load %arg6[%get3A_556] {strides = array<i32>} : memref<25600xi32, #tpu.memory_space<vmem>>, vector<16xi32>,
        %shift_right_logical3A_558 = arith.constant 1 : i32
        %shift_right_logical3A_559 = vector.broadcast %shift_right_logical3A_558 : i32 to vector<16xi32>
        %shift_right_logical3A_560 = arith.shrui %get3A_557, %shift_right_logical3A_559 : vector<16xi32>
        %swap3A_561 = arith.constant 0 : i32
        %swap3A_562 = arith.index_cast %swap3A_561 : i32 to index
        %swap3A_563 = arith.constant 96 : index
        %swap3A_564 = tpu.vector_load %arg7[%swap3A_562, %swap3A_563] {strides = array<i32>} : memref<1x128xi32, #tpu.memory_space<vmem>>, vector<16xi32>,
        tpu.vector_store %arg7[%swap3A_562, %swap3A_563], %shift_right_logical3A_560 {strides = array<i32>} : memref<1x128xi32, #tpu.memory_space<vmem>>, vector<16xi32>,
        %and3A_565 = arith.constant 1 : i32
        %and3A_566 = vector.broadcast %and3A_565 : i32 to vector<16xi32>
        %and3A_567 = arith.andi %get3A_557, %and3A_566 : vector<16xi32>
        %shift_left3A_568 = arith.constant 6 : i32
        %shift_left3A_569 = vector.broadcast %shift_left3A_568 : i32 to vector<16xi32>
        %shift_left3A_570 = arith.shli %and3A_567, %shift_left3A_569 : vector<16xi32>
        %swap3A_571 = arith.constant 96 : index
        %swap3A_572 = tpu.vector_load %arg9[%swap3A_571] {strides = array<i32>} : memref<128xi32, #tpu.memory_space<vmem>>, vector<16xi32>,
        tpu.vector_store %arg9[%swap3A_571], %shift_left3A_570 {strides = array<i32>} : memref<128xi32, #tpu.memory_space<vmem>>, vector<16xi32>,
        %add3A_573 = arith.constant 112 : i32
        %add3A_574 = arith.addi %multiple_of3A_439, %add3A_573 : i32
        %get3A_575 = arith.index_cast %add3A_574 : i32 to index
        %get3A_576 = tpu.vector_load %arg6[%get3A_575] {strides = array<i32>} : memref<25600xi32, #tpu.memory_space<vmem>>, vector<16xi32>,
        %shift_right_logical3A_577 = arith.constant 1 : i32
        %shift_right_logical3A_578 = vector.broadcast %shift_right_logical3A_577 : i32 to vector<16xi32>
        %shift_right_logical3A_579 = arith.shrui %get3A_576, %shift_right_logical3A_578 : vector<16xi32>
        %swap3A_580 = arith.constant 0 : i32
        %swap3A_581 = arith.index_cast %swap3A_580 : i32 to index
        %swap3A_582 = arith.constant 112 : index
        %swap3A_583 = tpu.vector_load %arg7[%swap3A_581, %swap3A_582] {strides = array<i32>} : memref<1x128xi32, #tpu.memory_space<vmem>>, vector<16xi32>,
        tpu.vector_store %arg7[%swap3A_581, %swap3A_582], %shift_right_logical3A_579 {strides = array<i32>} : memref<1x128xi32, #tpu.memory_space<vmem>>, vector<16xi32>,
        %and3A_584 = arith.constant 1 : i32
        %and3A_585 = vector.broadcast %and3A_584 : i32 to vector<16xi32>
        %and3A_586 = arith.andi %get3A_576, %and3A_585 : vector<16xi32>
        %shift_left3A_587 = arith.constant 6 : i32
        %shift_left3A_588 = vector.broadcast %shift_left3A_587 : i32 to vector<16xi32>
        %shift_left3A_589 = arith.shli %and3A_586, %shift_left3A_588 : vector<16xi32>
        %swap3A_590 = arith.constant 112 : index
        %swap3A_591 = tpu.vector_load %arg9[%swap3A_590] {strides = array<i32>} : memref<128xi32, #tpu.memory_space<vmem>>, vector<16xi32>,
        tpu.vector_store %arg9[%swap3A_590], %shift_left3A_589 {strides = array<i32>} : memref<128xi32, #tpu.memory_space<vmem>>, vector<16xi32>,
        %dma_start3A_592 = arith.constant 0 : i32
        %dma_start3A_593 = arith.constant 0 : i32
        %dma_start3A_594 = arith.constant 0 : i32
        %dma_start3A_595 = tpu.memref_slice %arg11[%dma_start3A_593, %dma_start3A_594] : memref<128x128xf32, #tpu.memory_space<vmem>> -> memref<128x128xf32, #tpu.memory_space<vmem>>
        %dma_start3A_596 = arith.constant 0 : i32
        %dma_start3A_597 = tpu.memref_slice %arg7[%dma_start3A_592, %dma_start3A_596] : memref<1x128xi32, #tpu.memory_space<vmem>> -> memref<1x128xi32, #tpu.memory_space<vmem>>
        %dma_start3A_598 = tpu.memref_squeeze %dma_start3A_597 : memref<1x128xi32, #tpu.memory_space<vmem>> -> memref<128xi32, #tpu.memory_space<vmem>>
        %dma_start3A_599 = arith.constant 0 : i32
        %dma_start3A_600 = arith.constant 0 : i32
        %dma_start3A_601 = tpu.memref_slice %arg3[%dma_start3A_599, %dma_start3A_600] : memref<500000x128xf32, #tpu.memory_space<hbm>> -> memref<500000x128xf32, #tpu.memory_space<hbm>>
        tpu.enqueue_indirect_dma source(%dma_start3A_601 : memref<500000x128xf32, #tpu.memory_space<hbm>>) target(%dma_start3A_595 : memref<128x128xf32, #tpu.memory_space<vmem>>) offsets(%dma_start3A_598 : memref<128xi32, #tpu.memory_space<vmem>>) semaphore(%arg16 : memref<!tpu.dma_semaphore, #tpu.memory_space<semaphore_mem>>)
      } else {
      }
      %dma_wait3A_388 = arith.constant 0 : i32
      %dma_wait3A_389 = arith.constant 0 : i32
      %dma_wait3A_390 = arith.constant 0 : i32
      %dma_wait3A_391 = tpu.memref_slice %arg12[%dma_wait3A_389, %dma_wait3A_390] : memref<128x128xf32, #tpu.memory_space<vmem>> -> memref<128x128xf32, #tpu.memory_space<vmem>>
      %dma_wait3A_392 = arith.constant 0 : i32
      %dma_wait3A_393 = tpu.memref_slice %arg8[%dma_wait3A_388, %dma_wait3A_392] : memref<1x128xi32, #tpu.memory_space<vmem>> -> memref<1x128xi32, #tpu.memory_space<vmem>>
      %dma_wait3A_394 = tpu.memref_squeeze %dma_wait3A_393 : memref<1x128xi32, #tpu.memory_space<vmem>> -> memref<128xi32, #tpu.memory_space<vmem>>
      %dma_wait3A_395 = arith.constant 0 : i32
      %dma_wait3A_396 = arith.constant 0 : i32
      %dma_wait3A_397 = tpu.memref_slice %arg3[%dma_wait3A_395, %dma_wait3A_396] : memref<500000x128xf32, #tpu.memory_space<hbm>> -> memref<500000x128xf32, #tpu.memory_space<hbm>>
      tpu.wait_indirect_dma semaphore(%arg17 : memref<!tpu.dma_semaphore, #tpu.memory_space<semaphore_mem>>) src(%dma_wait3A_397 : memref<500000x128xf32, #tpu.memory_space<hbm>>) dst(%dma_wait3A_391 : memref<128x128xf32, #tpu.memory_space<vmem>>)
      %gt3A_398 = arith.constant 0 : i32
      %gt3A_399 = arith.cmpi sgt, %scan3A_176, %gt3A_398 : i32
      %convert_element_type3A_400 = arith.extui %gt3A_399 : i1 to i32
      %cond3A_401 = arith.constant 0 : i32
      %cond3A_402 = arith.cmpi ne, %convert_element_type3A_400, %cond3A_401 : i32
      scf.if %cond3A_402 {
        %dma_wait3A_435 = arith.constant 0 : i32
        %dma_wait3A_436 = arith.constant 0 : i32
        %dma_wait3A_437 = tpu.memref_slice %arg5[%dma_wait3A_435, %dma_wait3A_436] : memref<819200x64xf32, #tpu.memory_space<hbm>> -> memref<128x64xf32, #tpu.memory_space<hbm>>
        %dma_wait3A_438 = arith.constant 0 : i32
        %dma_wait3A_439 = arith.constant 0 : i32
        %dma_wait3A_440 = tpu.memref_slice %arg5[%dma_wait3A_438, %dma_wait3A_439] : memref<819200x64xf32, #tpu.memory_space<hbm>> -> memref<128x64xf32, #tpu.memory_space<hbm>>
        tpu.wait_dma2 semaphore(%arg19 : memref<!tpu.dma_semaphore, #tpu.memory_space<semaphore_mem>>) src(%arg14 : memref<128x64xf32, #tpu.memory_space<vmem>>) dst(%dma_wait3A_440 : memref<128x64xf32, #tpu.memory_space<hbm>>)
      } else {
      }
      %add3A_403 = arith.constant 1 : i32
      %add3A_404 = arith.addi %mul3A_178, %add3A_403 : i32
      %mul3A_405 = arith.constant 128 : i32
      %mul3A_406 = arith.muli %add3A_404, %mul3A_405 : i32
      %add3A_407 = arith.addi %mul3A_2, %mul3A_406 : i32
      %rem3A_408 = arith.constant 200 : i32
      %rem3A_409 = arith.remsi %add3A_407, %rem3A_408 : i32
      %add3A_410 = arith.constant 0 : i32
      %add3A_411 = vector.broadcast %add3A_410 : i32 to vector<16xi32>
      %add3A_412 = arith.addi %iota3A, %add3A_411 : vector<16xi32>
      %add3A_413 = arith.constant 16 : i32
      %add3A_414 = vector.broadcast %add3A_413 : i32 to vector<16xi32>
      %add3A_415 = arith.addi %iota3A, %add3A_414 : vector<16xi32>
      %add3A_416 = arith.constant 32 : i32
      %add3A_417 = vector.broadcast %add3A_416 : i32 to vector<16xi32>
      %add3A_418 = arith.addi %iota3A, %add3A_417 : vector<16xi32>
      %add3A_419 = arith.constant 48 : i32
      %add3A_420 = vector.broadcast %add3A_419 : i32 to vector<16xi32>
      %add3A_421 = arith.addi %iota3A, %add3A_420 : vector<16xi32>
      %parallel_loop3A_422 = arith.constant 0 : i32
      %parallel_loop3A_423 = arith.constant 128 : i32
      %parallel_loop3A_424 = arith.constant 1 : i32
      scf.for %parallel_loop3A_435 = %parallel_loop3A_422 to %parallel_loop3A_423 step %parallel_loop3A_424  : i32 {
        %parallel_loop3A_436 = vector.broadcast %parallel_loop3A_435 : i32 to vector<16xi32>
        %parallel_loop3A_437 = tpu.vector_load_idx %arg10[%parallel_loop3A_436] : memref<128xi32, #tpu.memory_space<vmem>>[vector<16xi32>], vector<16xi32>,
        %parallel_loop3A_438 = arith.addi %rem3A_409, %parallel_loop3A_435 : i32
        %parallel_loop3A_439 = arith.constant 200 : i32
        %parallel_loop3A_440 = arith.remsi %parallel_loop3A_438, %parallel_loop3A_439 : i32
        %parallel_loop3A_441 = arith.constant 64 : i32
        %parallel_loop3A_442 = arith.muli %parallel_loop3A_440, %parallel_loop3A_441 : i32
        %parallel_loop3A_443 = arith.addi %parallel_loop3A_437, %add3A_412 : vector<16xi32>
        %parallel_loop3A_444 = tpu.vector_load_idx %arg12[%parallel_loop3A_436, %parallel_loop3A_443] : memref<128x128xf32, #tpu.memory_space<vmem>>[vector<16xi32>, vector<16xi32>], vector<16xf32>,
        %parallel_loop3A_445 = arith.constant 0 : i32
        %parallel_loop3A_446 = arith.addi %parallel_loop3A_442, %parallel_loop3A_445 : i32
        %parallel_loop3A_447 = arith.index_cast %parallel_loop3A_446 : i32 to index
        %parallel_loop3A_448 = tpu.vector_load %arg15[%parallel_loop3A_447] {strides = array<i32>} : memref<12800xf32, #tpu.memory_space<vmem>>, vector<16xf32>,
        %parallel_loop3A_449 = arith.addf %parallel_loop3A_444, %parallel_loop3A_448 : vector<16xf32>
        %parallel_loop3A_450 = arith.index_cast %parallel_loop3A_435 : i32 to index
        %parallel_loop3A_451 = arith.constant 0 : index
        %parallel_loop3A_452 = tpu.vector_load %arg14[%parallel_loop3A_450, %parallel_loop3A_451] {strides = array<i32>} : memref<128x64xf32, #tpu.memory_space<vmem>>, vector<16xf32>,
        tpu.vector_store %arg14[%parallel_loop3A_450, %parallel_loop3A_451], %parallel_loop3A_449 {strides = array<i32>} : memref<128x64xf32, #tpu.memory_space<vmem>>, vector<16xf32>,
        %parallel_loop3A_453 = arith.addi %parallel_loop3A_437, %add3A_415 : vector<16xi32>
        %parallel_loop3A_454 = tpu.vector_load_idx %arg12[%parallel_loop3A_436, %parallel_loop3A_453] : memref<128x128xf32, #tpu.memory_space<vmem>>[vector<16xi32>, vector<16xi32>], vector<16xf32>,
        %parallel_loop3A_455 = arith.constant 16 : i32
        %parallel_loop3A_456 = arith.addi %parallel_loop3A_442, %parallel_loop3A_455 : i32
        %parallel_loop3A_457 = arith.index_cast %parallel_loop3A_456 : i32 to index
        %parallel_loop3A_458 = tpu.vector_load %arg15[%parallel_loop3A_457] {strides = array<i32>} : memref<12800xf32, #tpu.memory_space<vmem>>, vector<16xf32>,
        %parallel_loop3A_459 = arith.addf %parallel_loop3A_454, %parallel_loop3A_458 : vector<16xf32>
        %parallel_loop3A_460 = arith.index_cast %parallel_loop3A_435 : i32 to index
        %parallel_loop3A_461 = arith.constant 16 : index
        %parallel_loop3A_462 = tpu.vector_load %arg14[%parallel_loop3A_460, %parallel_loop3A_461] {strides = array<i32>} : memref<128x64xf32, #tpu.memory_space<vmem>>, vector<16xf32>,
        tpu.vector_store %arg14[%parallel_loop3A_460, %parallel_loop3A_461], %parallel_loop3A_459 {strides = array<i32>} : memref<128x64xf32, #tpu.memory_space<vmem>>, vector<16xf32>,
        %parallel_loop3A_463 = arith.addi %parallel_loop3A_437, %add3A_418 : vector<16xi32>
        %parallel_loop3A_464 = tpu.vector_load_idx %arg12[%parallel_loop3A_436, %parallel_loop3A_463] : memref<128x128xf32, #tpu.memory_space<vmem>>[vector<16xi32>, vector<16xi32>], vector<16xf32>,
        %parallel_loop3A_465 = arith.constant 32 : i32
        %parallel_loop3A_466 = arith.addi %parallel_loop3A_442, %parallel_loop3A_465 : i32
        %parallel_loop3A_467 = arith.index_cast %parallel_loop3A_466 : i32 to index
        %parallel_loop3A_468 = tpu.vector_load %arg15[%parallel_loop3A_467] {strides = array<i32>} : memref<12800xf32, #tpu.memory_space<vmem>>, vector<16xf32>,
        %parallel_loop3A_469 = arith.addf %parallel_loop3A_464, %parallel_loop3A_468 : vector<16xf32>
        %parallel_loop3A_470 = arith.index_cast %parallel_loop3A_435 : i32 to index
        %parallel_loop3A_471 = arith.constant 32 : index
        %parallel_loop3A_472 = tpu.vector_load %arg14[%parallel_loop3A_470, %parallel_loop3A_471] {strides = array<i32>} : memref<128x64xf32, #tpu.memory_space<vmem>>, vector<16xf32>,
        tpu.vector_store %arg14[%parallel_loop3A_470, %parallel_loop3A_471], %parallel_loop3A_469 {strides = array<i32>} : memref<128x64xf32, #tpu.memory_space<vmem>>, vector<16xf32>,
        %parallel_loop3A_473 = arith.addi %parallel_loop3A_437, %add3A_421 : vector<16xi32>
        %parallel_loop3A_474 = tpu.vector_load_idx %arg12[%parallel_loop3A_436, %parallel_loop3A_473] : memref<128x128xf32, #tpu.memory_space<vmem>>[vector<16xi32>, vector<16xi32>], vector<16xf32>,
        %parallel_loop3A_475 = arith.constant 48 : i32
        %parallel_loop3A_476 = arith.addi %parallel_loop3A_442, %parallel_loop3A_475 : i32
        %parallel_loop3A_477 = arith.index_cast %parallel_loop3A_476 : i32 to index
        %parallel_loop3A_478 = tpu.vector_load %arg15[%parallel_loop3A_477] {strides = array<i32>} : memref<12800xf32, #tpu.memory_space<vmem>>, vector<16xf32>,
        %parallel_loop3A_479 = arith.addf %parallel_loop3A_474, %parallel_loop3A_478 : vector<16xf32>
        %parallel_loop3A_480 = arith.index_cast %parallel_loop3A_435 : i32 to index
        %parallel_loop3A_481 = arith.constant 48 : index
        %parallel_loop3A_482 = tpu.vector_load %arg14[%parallel_loop3A_480, %parallel_loop3A_481] {strides = array<i32>} : memref<128x64xf32, #tpu.memory_space<vmem>>, vector<16xf32>,
        tpu.vector_store %arg14[%parallel_loop3A_480, %parallel_loop3A_481], %parallel_loop3A_479 {strides = array<i32>} : memref<128x64xf32, #tpu.memory_space<vmem>>, vector<16xf32>,
      } {sc.loop_unroll_factor = 8 : i64, sc.parallel_access}
      %add3A_425 = arith.constant 1 : i32
      %add3A_426 = arith.addi %mul3A_178, %add3A_425 : i32
      %mul3A_427 = arith.constant 128 : i32
      %mul3A_428 = arith.muli %add3A_426, %mul3A_427 : i32
      %add3A_429 = arith.addi %mul3A_2, %mul3A_428 : i32
      %multiple_of3A_430 = tpu.assume_multiple %add3A_429, 128 : i32
      %dma_start3A_431 = arith.constant 0 : i32
      %dma_start3A_432 = tpu.memref_slice %arg5[%multiple_of3A_430, %dma_start3A_431] : memref<819200x64xf32, #tpu.memory_space<hbm>> -> memref<128x64xf32, #tpu.memory_space<hbm>>
      %dma_start3A_433 = arith.constant 0 : i32
      %dma_start3A_434 = tpu.memref_slice %arg5[%multiple_of3A_430, %dma_start3A_433] : memref<819200x64xf32, #tpu.memory_space<hbm>> -> memref<128x64xf32, #tpu.memory_space<hbm>>
      tpu.enqueue_dma source(%arg14 : memref<128x64xf32, #tpu.memory_space<vmem>>) target(%dma_start3A_434 : memref<128x64xf32, #tpu.memory_space<hbm>>) target_semaphore(%arg19 : memref<!tpu.dma_semaphore, #tpu.memory_space<semaphore_mem>>)
    }
    %scan3A_164 = arith.constant 100 : i32
    %dma_wait3A = arith.constant 0 : i32
    %dma_wait3A_165 = arith.constant 0 : i32
    %dma_wait3A_166 = tpu.memref_slice %arg5[%dma_wait3A, %dma_wait3A_165] : memref<819200x64xf32, #tpu.memory_space<hbm>> -> memref<128x64xf32, #tpu.memory_space<hbm>>
    %dma_wait3A_167 = arith.constant 0 : i32
    %dma_wait3A_168 = arith.constant 0 : i32
    %dma_wait3A_169 = tpu.memref_slice %arg5[%dma_wait3A_167, %dma_wait3A_168] : memref<819200x64xf32, #tpu.memory_space<hbm>> -> memref<128x64xf32, #tpu.memory_space<hbm>>
    tpu.wait_dma2 semaphore(%arg18 : memref<!tpu.dma_semaphore, #tpu.memory_space<semaphore_mem>>) src(%arg13 : memref<128x64xf32, #tpu.memory_space<vmem>>) dst(%dma_wait3A_169 : memref<128x64xf32, #tpu.memory_space<hbm>>)
    %dma_wait3A_170 = arith.constant 0 : i32
    %dma_wait3A_171 = arith.constant 0 : i32
    %dma_wait3A_172 = tpu.memref_slice %arg5[%dma_wait3A_170, %dma_wait3A_171] : memref<819200x64xf32, #tpu.memory_space<hbm>> -> memref<128x64xf32, #tpu.memory_space<hbm>>
    %dma_wait3A_173 = arith.constant 0 : i32
    %dma_wait3A_174 = arith.constant 0 : i32
    %dma_wait3A_175 = tpu.memref_slice %arg5[%dma_wait3A_173, %dma_wait3A_174] : memref<819200x64xf32, #tpu.memory_space<hbm>> -> memref<128x64xf32, #tpu.memory_space<hbm>>
    tpu.wait_dma2 semaphore(%arg19 : memref<!tpu.dma_semaphore, #tpu.memory_space<semaphore_mem>>) src(%arg14 : memref<128x64xf32, #tpu.memory_space<vmem>>) dst(%dma_wait3A_175 : memref<128x64xf32, #tpu.memory_space<hbm>>)
    return
  }
}

</mosaic_0001>

<sc_bundles>
// kernel: kernel.3.cloned.1.call-start
scs
__scs_entry_jumppad:
0x0: {  	(pc) =	sbr.rel $0x88, $3  }
0x1: {  	(tag) =	ssettag $0x0;
	lr =	simm.s32 $0x1  }
0x2: {  	[smem:$0x3F9F] =	sst lr;
	_ =	strace $0xD0000000  }
0x3: {  	_ = 	snop  }
0x4: {  	_ = 	snop  }
0x5: {  	_ = 	snop  }
0x6: {  	_ = 	snop  }
0x7: {  	_ = 	snop  }
__scs_overlays_trampoline_lowered:
0x8: {  	[smem:$0x3FAE] =	sst s0  }
0x9: {  	[smem:$0x3FAF] =	sst s1  }
0xa: {  	[smem:$0x3FB0] =	sst s2  }
0xb: {  	[smem:$0x3FB1] =	sst s3  }
0xc: {  	[smem:$0x3FB2] =	sst s4  }
0xd: {  	[smem:$0x3FB3] =	sst s5  }
0xe: {  	[smem:$0x3FB4] =	sst s6  }
0xf: {  	[smem:$0x3FB5] =	sst s7  }
0x10: {  	[smem:$0x3FB6] =	sst s8  }
0x11: {  	[smem:$0x3FB7] =	sst s9;
	s0 =	simm.s32 @!p0 $0x0  }
0x12: {  	s1 =	sld [smem:$0x3F9D];
	s0 =	simm.s32 @p0 $0x1  }
0x13: {  	[smem:$0x3FB8] =	sst s0;
	s0 =	simm.s32 @!p1 $0x0  }
0x14: {  	s2 =	sld [smem:$0x3F9C];
	s0 =	simm.s32 @p1 $0x1  }
0x15: {  	[smem:$0x3FB9] =	sst s0;
	s0 =	simm.s32 @!p2 $0x0  }
0x16: {  	s3 =	sld [smem:$0x3FDB];
	s0 =	simm.s32 @p2 $0x1  }
0x17: {  	s4 =	simm.s32 $0x1BF5;
	[smem:$0x3FBB] =	sst s0  }
0x18: {  	s0 =	sld [smem:$0x3F9E];
	_ =	swait.ge [sflag:s4], $0x0  }
0x19: {  	s7 =	sld [smem:$0x3F9F]  }
0x1a: {  	s8 =	sadd.s32 $0xFFFFE003, lr  }
0x1b: {  	s9 =	sadd.s32 $0xFFFFFEF7, lr;
	s5 =	simm.s32 $0xFFFFFFFF;
	p2 =	slt.u32 s8, $0xFFFFF086  }
0x1c: {  	p1 =	slt.u32 s9, $0xF7A;
	s5 =	simm.s32 @!p2 $0x0  }
0x1d: {  	s5 =	simm.s32 @p1 $0x1;
	p0 =	seq.s32 s7, s2  }
0x1e: {  	s7 =	smul.u32 @!p0 $0xF7A, s2;
	p2 =	seq.s32 @!p0 s5, $0x0  }
0x1f: {  	s9 =	smul.u32 $0xF7A, s1;
	s8 =	simm.s32 @!p0 $0x1BF5;
	p2 =	por !p2, p0  }
0x20: {  	[sflag:s8] =	ssyncset.s32 @!p0 $0xFFFFF086;
	s6 =	sadd.s32 @!p0 s3, s7;
	s7 =	simm.s32 @!p0 $0x108  }
0x21: {  	s3 =	sadd.s32 s3, s9;
	s6 =	sadd.s32 @!p0 $0x88, s6;
	s7 =	simm.s32 @p2 $0x1082  }
0x22: {  	[simem:s7], [sflag:s8] =	dma.local @!p0 [hbm:s6], $0xF7A  }
0x23: {  	s9 =	sor.u32 $0xD0000000, s2;
	s6 =	simm.s32 $0x108;
	_ =	swait.ge @!p0 [sflag:s8], $0x0  }
0x24: {  	s3 =	sadd.s32 $0x88, s3;
	s6 =	simm.s32 @!p1 $0x1082;
	[sflag:s4] =	ssyncset.s32 $0xFFFFF086  }
0x25: {  	[simem:s6], [sflag:s4] =	dma.local [hbm:s3], $0xF7A  }
0x26: {  	[smem:$0x3F9F] =	sst s1;
	(tag) =	ssettag s2;
	_ =	strace s9  }
0x27: {  	s1 =	sld [smem:$0x3FAF]  }
0x28: {  	s2 =	sld [smem:$0x3FB0]  }
0x29: {  	s4 =	sld [smem:$0x3FB2]  }
0x2a: {  	p0 =	seq.s32 s5, $0x0;
	s5 =	sld [smem:$0x3FB3]  }
0x2b: {  	s6 =	sld [smem:$0x3FB4]  }
0x2c: {  	s7 =	sld [smem:$0x3FB5]  }
0x2d: {  	s3 =	simm.s32 $0x108;
	s8 =	sld [smem:$0x3FB6]  }
0x2e: {  	s3 =	simm.s32 @!p0 $0x1082;
	s9 =	sld [smem:$0x3FB7]  }
0x2f: {  	lr =	sadd.s32 s0, s3;
	s0 =	sld [smem:$0x3FAE]  }
0x30: {  	s3 =	sld [smem:$0x3FB1]  }
0x31: {  	[smem:$0x3FBA] =	sst s10  }
0x32: {  	s10 =	sld [smem:$0x3FB8];
	_ =	sdelay $0x3  }
0x33: {  	p0 =	seq.s32 s10, $0x1;
	s10 =	sld [smem:$0x3FBA];
	_ =	sdelay $0x3  }
0x34: {  	[smem:$0x3FBA] =	sst s10  }
0x35: {  	s10 =	sld [smem:$0x3FB9];
	_ =	sdelay $0x3  }
0x36: {  	p1 =	seq.s32 s10, $0x1;
	s10 =	sld [smem:$0x3FBA];
	_ =	sdelay $0x3  }
0x37: {  	[smem:$0x3FBA] =	sst s10  }
0x38: {  	s10 =	sld [smem:$0x3FBB]  }
0x39: {  	_ = 	snop;
	(pc) =	sbr.ind lr, $3  }
0x3a: {  	_ = 	snop  }
0x3b: {  	_ = 	snop  }
0x3c: {  	p2 =	seq.s32 s10, $0x1;
	s10 =	sld [smem:$0x3FBA]  }
0x3d: {  	_ =	shalt  }
0x3e: {  	_ =	shalt  }
0x3f: {  	_ =	shalt  }
0x40: {  	_ =	shalt  }
0x41: {  	_ =	shalt  }
0x42: {  	_ =	shalt  }
0x43: {  	_ =	shalt  }
0x44: {  	_ =	shalt  }
0x45: {  	_ =	shalt  }
0x46: {  	_ =	shalt  }
0x47: {  	_ =	shalt  }
0x48: {  	_ =	shalt  }
0x49: {  	_ =	shalt  }
0x4a: {  	_ =	shalt  }
0x4b: {  	_ =	shalt  }
0x4c: {  	_ =	shalt  }
0x4d: {  	_ =	shalt  }
0x4e: {  	_ =	shalt  }
0x4f: {  	_ =	shalt  }
0x50: {  	_ =	shalt  }
0x51: {  	_ =	shalt  }
0x52: {  	_ =	shalt  }
0x53: {  	_ =	shalt  }
0x54: {  	_ =	shalt  }
0x55: {  	_ =	shalt  }
0x56: {  	_ =	shalt  }
0x57: {  	_ =	shalt  }
0x58: {  	_ =	shalt  }
0x59: {  	_ =	shalt  }
0x5a: {  	_ =	shalt  }
0x5b: {  	_ =	shalt  }
0x5c: {  	_ =	shalt  }
0x5d: {  	_ =	shalt  }
0x5e: {  	_ =	shalt  }
0x5f: {  	_ =	shalt  }
0x60: {  	_ =	shalt  }
0x61: {  	_ =	shalt  }
0x62: {  	_ =	shalt  }
0x63: {  	_ =	shalt  }
0x64: {  	_ =	shalt  }
0x65: {  	_ =	shalt  }
0x66: {  	_ =	shalt  }
0x67: {  	_ =	shalt  }
0x68: {  	_ =	shalt  }
0x69: {  	_ =	shalt  }
0x6a: {  	_ =	shalt  }
0x6b: {  	_ =	shalt  }
0x6c: {  	_ =	shalt  }
0x6d: {  	_ =	shalt  }
0x6e: {  	_ =	shalt  }
0x6f: {  	_ =	shalt  }
0x70: {  	_ =	shalt  }
0x71: {  	_ =	shalt  }
0x72: {  	_ =	shalt  }
0x73: {  	_ =	shalt  }
0x74: {  	_ =	shalt  }
0x75: {  	_ =	shalt  }
0x76: {  	_ =	shalt  }
0x77: {  	_ =	shalt  }
0x78: {  	_ =	shalt  }
0x79: {  	_ =	shalt  }
0x7a: {  	_ =	shalt  }
0x7b: {  	_ =	shalt  }
0x7c: {  	_ =	shalt  }
0x7d: {  	_ =	shalt  }
0x7e: {  	_ =	shalt  }
0x7f: {  	_ =	shalt  }
0x80: {  	_ =	shalt  }
0x81: {  	_ =	shalt  }
0x82: {  	_ =	shalt  }
0x83: {  	_ =	shalt  }
0x84: {  	_ =	shalt  }
0x85: {  	_ =	shalt  }
0x86: {  	_ =	shalt  }
0x87: {  	_ =	shalt  }
.Lfunc_end0:
.L_simem_size_0:
called_computation.1_lowered:
.L_overlay_start_0:
0x88: {  	s2 =	sld [smem:$0x3FD9]  }
0x89: {  	s3 =	sld [smem:$0x3FFE];
	_ =	sdelay $0x1  }
0x8a: {  	s1 =	srdreg.scid  }
0x8b: {  	s0 =	sand.u32 $0x1, s1  }
0x8c: {  	s17 =	sshll.u32 s0, $0xA;
	s2 =	sadd.s32 s3, s2  }
0x8d: {  	s2 =	sadd.s32 s2, s17  }
0x8e: {  	[smem:$0x3FC6] =	sst s2  }
0x8f: {  	_ = 	snop  }
0x90: {  	s2 =	sld [smem:$0x3FD0];
	(tm) =	ssettm $0x1  }
0x91: {  	s18 =	sld [smem:$0x3FFB];
	_ =	sdelay $0x3  }
0x92: {  	_ =	strace s18  }
0x93: {  	s3 =	sld [smem:$0x3FFC];
	_ =	sdelay $0x3  }
0x94: {  	_ =	strace s3  }
0x95: {  	s3 =	sld [smem:$0x3FFD];
	_ =	sdelay $0x3  }
0x96: {  	_ =	strace s3  }
0x97: {  	_ =	strace $0x8FFFFFFF  }
0x98: {  	s19 =	sld [smem:$0x3FDB];
	_ =	sdelay $0x1  }
0x99: {  	s4 =	simm.s32 $_scs_section_size  }
0x9a: {  	s5 =	simm.s32 $_size__tile_overlayer_lowered;
	s6 =	simm.s32 $_tile_overlayer_lowered  }
0x9b: {  	s22 =	simm.s32 $0x1BFF;
	s21 =	sshll.u32 s6, $0x1;
	s3 =	sadd.s32 s4, s19  }
0x9c: {  	s7 =	simm.s32 $0x0;
	s20 =	sshll.u32 s5, $0x1;
	s5 =	sadd.s32 s21, s3  }
0x9d: {  	[timem:s7], [sflag:s22] =	dma.local [hbm:s5], s20  }
0x9e: {  	_ =	swait.ge [sflag:s22], s20  }
0x9f: {  	s4 =	ssub.s32 $0x0, s20;
	[sflag:s22] =	ssyncset.done $0x0  }
0xa0: {  	[sflag:s22] =	ssyncadd.s32 s4;
	_ =	sdelay $0x1  }
0xa1: {  	s23 =	simm.s32 $0x1B8B  }
0xa2: {  	_ =	swait.ge [sflag:s23], $0x1  }
0xa3: {  	[sflag:s23] =	ssyncset.done $0x0  }
0xa4: {  	s25 =	simm.s32 $0x1B8E;
	s24 =	sld [smem:$0x3FFE];
	[sflag:s23] =	ssyncadd.s32 $0xFFFFFFFF  }
0xa5: {  	s26 =	simm.s32 $execute0_lowered;
	[smem:$0x3FD2] =	sst s25  }
0xa6: {  	s5 =	sshll.u32 s26, $0x1;
	_ =	strace $0x80000046;
	[dreg:$0x1] =	wrdreg $0xFFFFFFFF  }
0xa7: {  	s28 =	simm.s32 $_size_execute0_lowered;
	s3 =	sadd.s32 s3, s5;
	[dreg:$0x0] =	wrdreg $0x0  }
0xa8: {  	s5 =	sshll.u32 s28, $0x1;
	[dreg:$0x2] =	wrdreg s3  }
0xa9: {  	[dreg:$0x3] =	wrdreg s5  }
0xaa: {  	[dreg:$0x4] =	wrdreg $0xC0  }
0xab: {  	_ =	task [dreg:s7], $0x5FFFF  }
0xac: {  	[dreg:$0x1] =	wrdreg $0xFFFFFFFF  }
0xad: {  	[dreg:$0x0] =	wrdreg $0x60  }
0xae: {  	[dreg:$0x2] =	wrdreg s2  }
0xaf: {  	[dreg:$0x3] =	wrdreg s24  }
0xb0: {  	[dreg:$0x4] =	wrdreg $0x9  }
0xb1: {  	_ =	task.clear_ibuf [dreg:s7], $0x5FFFF;
	_ =	strace $0x90000046  }
0xb2: {  	s29 =	simm.s32 $0x9;
	_ =	strace $0x80000048  }
0xb3: {  	_ =	swait.ge [sflag:s29], $0x1  }
0xb4: {  	[sflag:s29] =	ssyncadd.s32 $0xFFFFFFFF  }
0xb5: {  	_ =	strace $0x90000048  }
0xb6: {  	_ =	sfence  }
0xb7: {  	s30 =	sld [smem:$0x0];
	_ =	sdelay $0x2  }
0xb8: {  	s31 =	sshll.u32 s1, $0xD;
	s1 =	sshrl.u32 s1, $0x2  }
0xb9: {  	s3 =	sand.u32 $0x4000, s31;
	s1 =	sadd.s32 s1, s30  }
0xba: {  	s0 =	sor.u32 s3, s0;
	s1 =	sshll.u32 s1, $0x11  }
0xbb: {  	s0 =	sor.u32 s1, s0  }
0xbc: {  	s0 =	sadd.s32 $0x8F2B, s0  }
0xbd: {  	[sflag:s0] =	ssyncadd.remote.s32 $0x1  }
0xbe: {  	_ =	sfence.sel $0xFFFF  }
0xbf: {  	[dreg:$0x0] =	wrdreg $0xFFFFFFFF;
	(pc) =	sbr.abs _section_cstart, $3  }
0xc0: {  	[dreg:$0x1] =	wrdreg $0xFFFFFFFF  }
0xc1: {  	_ =	task.clear_ibuf [dreg:s7], $0x2FFFF;
	_ =	strace $0x9FFFFFFF  }
0xc2: {  	(tm) =	ssettm $0x7FFFFFFF  }
0xc3: {  	_ =	shalt  }
tec
execute0_lowered:
.L_overlay_start_1:
0x0: {  	(tag) =	ssettag $0x1  }
0x1: {  	s0 =	rddreg [dreg:$0x0]  }
0x2: {  	s1 =	rddreg [dreg:$0x1]  }
0x3: {  	s2 =	srdreg.scid;
	s4 =	stileid.u32  }
0x4: {  	s5 =	simm.s32 $0x0;
	s2 =	sand.u32 $0x1, s2;
	s3 =	sshll.u32 s4, $0x1  }
0x5: {  	[smem:$0x7FF] =	sst s5;
	s26 =	sadd.s32 $0xF43200, s1;
	s28 =	smul.u32 $0xC800, s4  }
0x6: {  	s29 =	sadd.s32 $0xC00, s1;
	s3 =	sor.u32 s2, s3;
	_ =	strace $0x80000047  }
0x7: {  	[dreg:$0x6] =	wrdreg s26;
	s7 =	ssub.s32 $0x2, s2;
	s2 =	smul.u32 $0x6400, s2  }
0x8: {  	s1 =	sadd.s32 $0x1400, s1;
	[dreg:$0x7] =	wrdreg s29;
	s3 =	smul.u32 $0x6400, s3  }
0x9: {  	s15 =	simm.s32 $0x6600;
	[dreg:$0x8] =	wrdreg s1;
	s30 =	sshrl.u32 s7, $0x1  }
0xa: {  	s1 =	ssub.s32 s7, s30;
	s31 =	sadd.s32 s2, s28;
	[dreg:$0x5] =	wrdreg s3  }
0xb: {  	s8 =	sshrl.u32 s3, $0x3;
	s1 =	smax.u32 s1, $0x1;
	[dreg:$0xa] =	wrdreg s31  }
0xc: {  	s17 =	simm.s32 $0xA600;
	s0 =	sadd.s32 s0, s8;
	[dreg:$0xb] =	wrdreg s1  }
0xd: {  	s19 =	simm.s32 $0x6500;
	v0 =	vlaneseq.u32;
	[dreg:$0x9] =	wrdreg s0;
	s0 =	sor.u32 $0x80, s31  }
0xe: {  	s23 =	simm.s32 $0x6580;
	v1 =	vor.u32 $0x10, v0;
	v2 =	vor.u32 $0x20, v0;
	v3 =	vor.u32 $0x30, v0;
	s2 =	simm.s32 $0x0;
	[dreg:$0xc] =	wrdreg s0  }
.LBB2_1:
0xf: {  	[dreg:$0xd] =	wrdreg s2;
	s0 =	simm.s32 $0x0  }
0x10: {  	s1 =	rddreg [dreg:$0x7];
	s22 =	simm.s32 $0x16600;
	s24 =	simm.s32 $0x5  }
0x11: {  	[tilespmem:s22], [sflag:$0x5] =	stream.linear.gather [hbm4b:s1+s0], $0x3200, $0x38;
	[tilespmem:$0x19800] =	vst v63  }
0x12: {  	_ =	swait.ge [sflag:s24], $0x3200  }
0x13: {  	[sflag:s24] =	ssyncset.done $0x0  }
0x14: {  	s25 =	rddreg [dreg:$0x9];
	[sflag:s24] =	ssyncadd.s32 $0xFFFFCE00  }
0x15: {  	[tilespmem:s0], [sflag:$0x5] =	stream.linear.gather [hbm4b:s25+s0], $0x6400, $0x38;
	[tilespmem:$0x19800] =	vst v63  }
0x16: {  	_ =	swait.ge [sflag:s24], $0x6400  }
0x17: {  	[sflag:s24] =	ssyncset.done $0x0  }
0x18: {  	[sflag:s24] =	ssyncadd.s32 $0xFFFF9C00  }
0x19: {  	v4 =	vld [tilespmem:$0x0];
	_ =	sdelay $0x1  }
0x1a: {  	v5 =	vld [tilespmem:$0x10];
	_ =	sdelay $0x1  }
0x1b: {  	v6 =	vld [tilespmem:$0x20]  }
0x1c: {  	v7 =	vshrl.u32 v4, $0x1;
	v4 =	vshll.u32 v4, $0x6  }
0x1d: {  	v60 =	vld [tilespmem:$0x30];
	[tilespmem:$0x6400] =	vst v7;
	v4 =	vand.u32 $0x40, v4  }
0x1e: {  	[tilespmem:$0x6500] =	vst v4;
	v4 =	vshrl.u32 v5, $0x1;
	v5 =	vshll.u32 v5, $0x6  }
0x1f: {  	[tilespmem:$0x6410] =	vst v4;
	v4 =	vand.u32 $0x40, v5;
	v5 =	vld [tilespmem:$0x40]  }
0x20: {  	[tilespmem:$0x6510] =	vst v4;
	v4 =	vshrl.u32 v6, $0x1;
	v6 =	vshll.u32 v6, $0x6  }
0x21: {  	v61 =	vld [tilespmem:$0x50];
	[tilespmem:$0x6420] =	vst v4;
	v4 =	vand.u32 $0x40, v6  }
0x22: {  	v7 =	vshll.u32 v60, $0x6;
	[tilespmem:$0x6520] =	vst v4;
	v4 =	vshrl.u32 v60, $0x1  }
0x23: {  	v62 =	vld [tilespmem:$0x60];
	[tilespmem:$0x6430] =	vst v4;
	v4 =	vand.u32 $0x40, v7  }
0x24: {  	[tilespmem:$0x6530] =	vst v4;
	v4 =	vshrl.u32 v5, $0x1;
	v5 =	vshll.u32 v5, $0x6  }
0x25: {  	[tilespmem:$0x6440] =	vst v4;
	v4 =	vand.u32 $0x40, v5;
	v5 =	vld [tilespmem:$0x70]  }
0x26: {  	v6 =	vshll.u32 v61, $0x6;
	[tilespmem:$0x6540] =	vst v4;
	v4 =	vshrl.u32 v61, $0x1  }
0x27: {  	[tilespmem:$0x6450] =	vst v4;
	v4 =	vand.u32 $0x40, v6  }
0x28: {  	v63 =	vshll.u32 v62, $0x6;
	[tilespmem:$0x6550] =	vst v4;
	v4 =	vshrl.u32 v62, $0x1  }
0x29: {  	[tilespmem:$0x6460] =	vst v4;
	v4 =	vand.u32 $0x40, v63  }
0x2a: {  	s26 =	rddreg [dreg:$0x6];
	[tilespmem:$0x6560] =	vst v4;
	v4 =	vshrl.u32 v5, $0x1;
	v5 =	vshll.u32 v5, $0x6  }
0x2b: {  	s28 =	simm.s32 $0x80;
	s0 =	rddreg [dreg:$0xc];
	[tilespmem:$0x6470] =	vst v4;
	v4 =	vand.u32 $0x40, v5  }
0x2c: {  	s31 =	simm.s32 $0x6400;
	s30 =	simm.s32 $0x0;
	s29 =	rddreg [dreg:$0xa];
	[tilespmem:$0x6570] =	vst v4  }
0x2d: {  	[tilespmem:s15], [sflag:$0x1] =	stream.indirect.gather [hbm4b:s26+s28], $0x80, s31, s28, $0xb8;
	[tilespmem:$0x19800] =	vst v63  }
.LBB2_2:
0x2e: {  	s31 =	sshll.u32 s30, $0x8  }
0x2f: {  	v4 =	vld [tilespmem:s31+$0x80];
	_ =	sdelay $0x4  }
0x30: {  	v5 =	vshrl.u32 v4, $0x1;
	v4 =	vshll.u32 v4, $0x6  }
0x31: {  	[tilespmem:$0x6480] =	vst v5;
	v4 =	vand.u32 $0x40, v4  }
0x32: {  	[tilespmem:$0x6580] =	vst v4  }
0x33: {  	v4 =	vld [tilespmem:s31+$0x90];
	_ =	sdelay $0x4  }
0x34: {  	v5 =	vshrl.u32 v4, $0x1;
	v4 =	vshll.u32 v4, $0x6  }
0x35: {  	[tilespmem:$0x6490] =	vst v5;
	v4 =	vand.u32 $0x40, v4  }
0x36: {  	[tilespmem:$0x6590] =	vst v4  }
0x37: {  	v4 =	vld [tilespmem:s31+$0xA0];
	_ =	sdelay $0x4  }
0x38: {  	v5 =	vshrl.u32 v4, $0x1;
	v4 =	vshll.u32 v4, $0x6  }
0x39: {  	[tilespmem:$0x64A0] =	vst v5;
	v4 =	vand.u32 $0x40, v4  }
0x3a: {  	[tilespmem:$0x65A0] =	vst v4  }
0x3b: {  	v4 =	vld [tilespmem:s31+$0xB0];
	_ =	sdelay $0x4  }
0x3c: {  	v5 =	vshrl.u32 v4, $0x1;
	v4 =	vshll.u32 v4, $0x6  }
0x3d: {  	[tilespmem:$0x64B0] =	vst v5;
	v4 =	vand.u32 $0x40, v4  }
0x3e: {  	[tilespmem:$0x65B0] =	vst v4  }
0x3f: {  	v4 =	vld [tilespmem:s31+$0xC0];
	_ =	sdelay $0x4  }
0x40: {  	v5 =	vshrl.u32 v4, $0x1;
	v4 =	vshll.u32 v4, $0x6  }
0x41: {  	[tilespmem:$0x64C0] =	vst v5;
	v4 =	vand.u32 $0x40, v4  }
0x42: {  	[tilespmem:$0x65C0] =	vst v4  }
0x43: {  	v4 =	vld [tilespmem:s31+$0xD0];
	_ =	sdelay $0x4  }
0x44: {  	v5 =	vshrl.u32 v4, $0x1;
	v4 =	vshll.u32 v4, $0x6  }
0x45: {  	[tilespmem:$0x64D0] =	vst v5;
	v4 =	vand.u32 $0x40, v4  }
0x46: {  	[tilespmem:$0x65D0] =	vst v4  }
0x47: {  	v4 =	vld [tilespmem:s31+$0xE0];
	_ =	sdelay $0x4  }
0x48: {  	v5 =	vshrl.u32 v4, $0x1;
	v4 =	vshll.u32 v4, $0x6  }
0x49: {  	[tilespmem:$0x64E0] =	vst v5;
	v4 =	vand.u32 $0x40, v4  }
0x4a: {  	[tilespmem:$0x65E0] =	vst v4  }
0x4b: {  	s24 =	smulhi.u32 $0x51EB851F, s0;
	v4 =	vld [tilespmem:s31+$0xF0]  }
0x4c: {  	s1 =	smulhi.u32 $0x51EB851F, s29  }
0x4d: {  	[dreg:$0xe] =	wrdreg s0;
	s0 =	sshrl.u32 s24, $0x6  }
0x4e: {  	s1 =	sshrl.u32 s1, $0x6;
	s0 =	smul.u32 $0xC8, s0  }
0x4f: {  	s1 =	smul.u32 $0xC8, s1  }
0x50: {  	s26 =	rddreg [dreg:$0x6];
	s0 =	ssub.s32 s29, s0;
	v5 =	vshrl.u32 v4, $0x1;
	v4 =	vshll.u32 v4, $0x6  }
0x51: {  	s28 =	simm.s32 $0x80;
	s25 =	ssub.s32 s29, s1;
	[dreg:$0x4] =	wrdreg s0;
	[tilespmem:$0x64F0] =	vst v5;
	v4 =	vand.u32 $0x40, v4  }
0x52: {  	s2 =	simm.s32 $0x6480;
	s3 =	simm.s32 $0x1;
	[dreg:$0x3] =	wrdreg s25;
	[tilespmem:$0x65F0] =	vst v4  }
0x53: {  	[tilespmem:s17], [sflag:$0x2] =	stream.indirect.gather [hbm4b:s26+s28], $0x80, s2, s28, $0xb8;
	[tilespmem:$0x19800] =	vst v63  }
0x54: {  	s4 =	simm.s32 $0x0;
	_ =	swait.ge [sflag:s3], $0x4000  }
0x55: {  	p0 =	seq.s32 s30, $0x0;
	s5 =	simm.s32 $0x1;
	v4 =	vmov s4;
	[sflag:s3] =	ssyncset.done $0x0  }
0x56: {  	s6 =	simm.s32 $0x2;
	s0 =	simm.s32 @!p0 $0x3;
	v5 =	vmov s5;
	[sflag:s3] =	ssyncadd.s32 $0xFFFFC000  }
0x57: {  	s7 =	simm.s32 $0x3;
	v6 =	vmov s6;
	s2 =	simm.s32 @!p0 $0x0;
	_ =	swait.ge @!p0 [sflag:s0], $0x4000  }
0x58: {  	s8 =	simm.s32 $0x4;
	v7 =	vmov s7;
	s2 =	simm.s32 @p0 $0x1;
	[sflag:s0] =	ssyncset.done @!p0 $0x0  }
0x59: {  	s9 =	simm.s32 $0x5;
	v8 =	vmov s8;
	[smem:$0x7FD] =	sst s2;
	[sflag:s0] =	ssyncadd.s32 @!p0 $0xFFFFC000  }
0x5a: {  	s10 =	simm.s32 $0x6;
	v9 =	vmov s9;
	v29 =	vld.idx.msk [tilespmem:v4+s19+$0x0], $0xffff  }
0x5b: {  	s11 =	simm.s32 $0x7;
	v18 =	vmov s10;
	v17 =	vld.idx.msk [tilespmem:v5+s19+$0x0], $0xffff  }
0x5c: {  	v31 =	vmov s11;
	v26 =	vld.idx.msk [tilespmem:v6+s19+$0x0], $0xffff  }
0x5d: {  	v23 =	vld.idx.msk [tilespmem:v7+s19+$0x0], $0xffff  }
0x5e: {  	v24 =	vld.idx.msk [tilespmem:v8+s19+$0x0], $0xffff  }
0x5f: {  	s12 =	simm.s32 $0x9;
	s14 =	simm.s32 $0xB;
	s16 =	simm.s32 $0xC;
	v25 =	vld.idx.msk [tilespmem:v9+s19+$0x0], $0xffff  }
0x60: {  	v11 =	vmov s12;
	v14 =	vmov s14;
	v15 =	vmov s16;
	v28 =	vld.idx.msk [tilespmem:v18+s19+$0x0], $0xffff  }
0x61: {  	v21 =	vshll.u32 v6, $0x7;
	v20 =	vshll.u32 v7, $0x7;
	v16 =	vshll.u32 v8, $0x7;
	s5 =	simm.s32 $0x8;
	v30 =	vld.idx.msk [tilespmem:v31+s19+$0x0], $0xffff  }
0x62: {  	v19 =	vshll.u32 v9, $0x7;
	v10 =	vmov s5;
	v22 =	vshll.u32 v5, $0x7  }
0x63: {  	v27 =	vshll.u32 v4, $0x7;
	v18 =	vshll.u32 v18, $0x7;
	v31 =	vshll.u32 v31, $0x7  }
0x64: {  	s20 =	rddreg [dreg:$0x3];
	v4 =	vadd.s32 v0, v29;
	v6 =	vadd.s32 v0, v17;
	v9 =	vadd.s32 v0, v26  }
0x65: {  	s7 =	sadd.s32 $0x0, s20;
	v32 =	vadd.s32 v0, v23;
	v33 =	vadd.s32 v0, v24;
	v34 =	vadd.s32 v0, v25  }
0x66: {  	s0 =	sadd.s32 $0x7, s7;
	v35 =	vadd.s32 v0, v28;
	v55 =	vadd.s32 v1, v30;
	v57 =	vadd.s32 v1, v29  }
0x67: {  	s21 =	sadd.s32 $0x1, s7;
	s8 =	sadd.s32 $0x2, s7;
	s9 =	sadd.s32 $0x3, s7;
	v5 =	vand.u32 $0xFFFFFF80, v4;
	v7 =	vand.u32 $0x7F, v4;
	v37 =	vand.u32 $0x7F, v6  }
0x68: {  	s10 =	sadd.s32 $0x4, s7;
	s11 =	sadd.s32 $0x5, s7;
	s1 =	sshll.u32 s0, $0x8;
	v4 =	vadd.s32 v0, v30;
	v38 =	vand.u32 $0x7F, v9;
	v39 =	vand.u32 $0x7F, v32  }
0x69: {  	p0 =	slt.u32 s0, $0xC8;
	s12 =	sshll.u32 s21, $0x8;
	s0 =	sadd.s32 $0xFFFF3800, s1;
	v41 =	vand.u32 $0x7F, v33;
	v42 =	vand.u32 $0x7F, v34;
	v43 =	vand.u32 $0x7F, v35  }
0x6a: {  	s14 =	sshll.u32 s8, $0x8;
	s16 =	sshll.u32 s9, $0x8;
	s0 =	smov.u32 @p0 s1;
	v44 =	vand.u32 $0xFFFFFF80, v6;
	v45 =	vand.u32 $0xFFFFFF80, v9;
	v32 =	vand.u32 $0xFFFFFF80, v32  }
0x6b: {  	v8 =	vld.idx.msk [tilespmem:v10+s19+$0x0], $0xffff;
	s2 =	sadd.s32 $0xFFFF3800, s12;
	p0 =	slt.u32 s21, $0xC8;
	s0 =	sshra.s32 s0, $0x2;
	v33 =	vand.u32 $0xFFFFFF80, v33;
	v34 =	vand.u32 $0xFFFFFF80, v34;
	v35 =	vand.u32 $0xFFFFFF80, v35  }
0x6c: {  	s2 =	smov.u32 @p0 s12;
	s12 =	sadd.s32 $0xFFFF3800, s14;
	p0 =	slt.u32 s8, $0xC8;
	v54 =	vld [tilespmem:s0+$0x16600];
	v56 =	vand.u32 $0xFFFFFF80, v55;
	v58 =	vand.u32 $0xFFFFFF80, v57;
	v36 =	vadd.s32 v27, v5  }
0x6d: {  	s8 =	sadd.s32 $0xFFFF3800, s16;
	s12 =	smov.u32 @p0 s14;
	p0 =	slt.u32 s9, $0xC8;
	v6 =	vld.idx.msk [tilespmem:v14+s19+$0x0], $0xffff;
	v5 =	vand.u32 $0xFFFFFF80, v4;
	v52 =	vadd.s32 v21, v45;
	v32 =	vadd.s32 v20, v32  }
0x6e: {  	s9 =	sshll.u32 s10, $0x8;
	s14 =	sshll.u32 s11, $0x8;
	v9 =	vld.idx.msk [tilespmem:v15+s19+$0x0], $0xffff;
	s8 =	smov.u32 @p0 s16;
	v33 =	vadd.s32 v16, v33;
	v34 =	vadd.s32 v19, v34;
	v35 =	vadd.s32 v18, v35  }
0x6f: {  	p0 =	slt.u32 s10, $0xC8;
	s20 =	sadd.s32 $0xFFFF3800, s9;
	s10 =	sshra.s32 s2, $0x2;
	v40 =	vadd.s32 v31, v5;
	v5 =	vld.idx.msk [tilespmem:v11+s19+$0x0], $0xffff;
	v38 =	vor.u32 v38, v52;
	v32 =	vor.u32 v39, v32  }
0x70: {  	s2 =	sadd.s32 $0xFFFF3800, s14;
	s12 =	sshra.s32 s12, $0x2;
	s20 =	smov.u32 @p0 s9;
	v33 =	vor.u32 v41, v33;
	v34 =	vor.u32 v42, v34;
	v41 =	vand.u32 $0x7F, v55;
	v55 =	vld [tilespmem:s10+$0x16600]  }
0x71: {  	p0 =	slt.u32 s11, $0xC8;
	s25 =	sshra.s32 s8, $0x2;
	v35 =	vor.u32 v43, v35;
	v42 =	vadd.s32 v31, v56;
	v43 =	vand.u32 $0x7F, v57;
	v57 =	vld [tilespmem:s12+$0x16600];
	s8 =	sshra.s32 s20, $0x2  }
0x72: {  	s2 =	smov.u32 @p0 s14;
	v41 =	vor.u32 v41, v42;
	v42 =	vadd.s32 v27, v58;
	v58 =	vld [tilespmem:s8+$0x16600]  }
0x73: {  	v60 =	vadd.s32 v1, v26;
	v4 =	vand.u32 $0x7F, v4;
	s26 =	sshra.s32 s2, $0x2;
	v42 =	vor.u32 v43, v42;
	v43 =	vld [tilespmem:s25+$0x16600]  }
0x74: {  	s13 =	simm.s32 $0xA;
	s18 =	simm.s32 $0xD;
	v62 =	vand.u32 $0x7F, v60;
	v45 =	vand.u32 $0xFFFFFF80, v60;
	v40 =	vor.u32 v4, v40;
	v60 =	vld [tilespmem:s26+$0x16600]  }
0x75: {  	v12 =	vmov s13;
	v13 =	vmov s18;
	v59 =	vadd.s32 v1, v17;
	v38 =	vld.idx.msk [tilespmem:v38+s15+$0x0], $0xffff  }
0x76: {  	s13 =	sadd.s32 $0x6, s7;
	v61 =	vadd.s32 v1, v23;
	v36 =	vor.u32 v7, v36;
	v7 =	vadd.s32 v22, v44;
	v32 =	vld.idx.msk [tilespmem:v32+s15+$0x0], $0xffff  }
0x77: {  	v46 =	vadd.s32 v1, v24;
	v47 =	vadd.s32 v1, v25;
	s16 =	sshll.u32 s13, $0x8;
	v37 =	vor.u32 v37, v7;
	v33 =	vld.idx.msk [tilespmem:v33+s15+$0x0], $0xffff  }
0x78: {  	v48 =	vadd.s32 v1, v28;
	v49 =	vand.u32 $0x7F, v59;
	v50 =	vand.u32 $0x7F, v61;
	s9 =	sshll.u32 s7, $0x8;
	p0 =	slt.u32 s13, $0xC8;
	s13 =	sadd.s32 $0xFFFF3800, s16;
	v34 =	vld.idx.msk [tilespmem:v34+s15+$0x0], $0xffff  }
0x79: {  	v51 =	vand.u32 $0x7F, v46;
	v46 =	vand.u32 $0xFFFFFF80, v46;
	s11 =	sadd.s32 $0xFFFF3800, s9;
	s13 =	smov.u32 @p0 s16;
	p0 =	slt.u32 s7, $0xC8;
	v53 =	vld.idx.msk [tilespmem:v40+s15+$0x0], $0xffff;
	v40 =	vand.u32 $0xFFFFFF80, v61  }
0x7a: {  	v52 =	vand.u32 $0x7F, v47;
	v47 =	vand.u32 $0xFFFFFF80, v47;
	s11 =	smov.u32 @p0 s9;
	s9 =	sshra.s32 s13, $0x2;
	v35 =	vld.idx.msk [tilespmem:v35+s15+$0x0], $0xffff;
	v40 =	vadd.s32 v20, v40  }
0x7b: {  	v46 =	vadd.s32 v16, v46;
	v47 =	vadd.s32 v19, v47;
	v61 =	vld [tilespmem:s9+$0x16600];
	v40 =	vor.u32 v50, v40  }
0x7c: {  	v44 =	vand.u32 $0xFFFFFF80, v59;
	v47 =	vor.u32 v52, v47;
	v37 =	vld.idx.msk [tilespmem:v37+s15+$0x0], $0xffff;
	v32 =	vadd.f32 v43, v32  }
0x7d: {  	s1 =	simm.s32 $0xE800;
	v45 =	vadd.s32 v21, v45;
	v4 =	vld.idx.msk [tilespmem:v12+s19+$0x0], $0xffff;
	v44 =	vadd.s32 v22, v44;
	v33 =	vadd.f32 v58, v33  }
0x7e: {  	v7 =	vld.idx.msk [tilespmem:v13+s19+$0x0], $0xffff;
	v44 =	vor.u32 v49, v44;
	v60 =	vadd.f32 v60, v34;
	[tilespmem:s1+$0xFFFFFF80] =	vst v32  }
0x7f: {  	v36 =	vld.idx.msk [tilespmem:v36+s15+$0x0], $0xffff;
	v38 =	vadd.f32 v57, v38;
	v39 =	vadd.f32 v54, v53;
	[tilespmem:s1+$0x0] =	vst v33  }
0x80: {  	v63 =	vand.u32 $0xFFFFFF80, v48;
	v54 =	vadd.s32 v2, v30;
	v61 =	vadd.f32 v61, v35;
	[tilespmem:s1+$0x80] =	vst v60;
	v35 =	vld.idx.msk [tilespmem:v40+s15+$0x0], $0xffff  }
0x81: {  	v37 =	vadd.f32 v55, v37;
	v30 =	vadd.s32 v3, v30;
	v56 =	vand.u32 $0xFFFFFF80, v54;
	[tilespmem:s1+$0x180] =	vst v39;
	v33 =	vld.idx.msk [tilespmem:v47+s15+$0x0], $0xffff  }
0x82: {  	v59 =	vand.u32 $0xFFFFFF80, v30;
	v56 =	vadd.s32 v31, v56;
	v39 =	vor.u32 v62, v45;
	v41 =	vld.idx.msk [tilespmem:v41+s15+$0x0], $0xffff  }
0x83: {  	v62 =	vadd.s32 v18, v63;
	v63 =	vor.u32 v51, v46;
	[tilespmem:s1+$0xFFFFFE80] =	vst v37;
	v40 =	vadd.s32 v2, v26;
	v53 =	vld [tilespmem:s0+$0x16610]  }
0x84: {  	[tilespmem:s1+$0xFFFFFF00] =	vst v38;
	v31 =	vadd.s32 v31, v59;
	v38 =	vld.idx.msk [tilespmem:v44+s15+$0x0], $0xffff;
	v59 =	vand.u32 $0x7F, v40;
	v40 =	vand.u32 $0xFFFFFF80, v40  }
0x85: {  	[tilespmem:s1+$0x100] =	vst v61;
	v61 =	vld [tilespmem:s10+$0x16610];
	v40 =	vadd.s32 v21, v40  }
0x86: {  	v54 =	vand.u32 $0x7F, v54;
	v40 =	vor.u32 v59, v40;
	v59 =	vld [tilespmem:s26+$0x16610]  }
0x87: {  	v54 =	vor.u32 v54, v56;
	v34 =	vld.idx.msk [tilespmem:v39+s15+$0x0], $0xffff  }
0x88: {  	s7 =	sshra.s32 s11, $0x2;
	v50 =	vadd.s32 v3, v17;
	v56 =	vand.u32 $0x7F, v48;
	v32 =	vld.idx.msk [tilespmem:v63+s15+$0x0], $0xffff;
	v63 =	vadd.s32 v2, v17  }
0x89: {  	v37 =	vor.u32 v56, v62;
	v41 =	vadd.f32 v53, v41;
	v53 =	vld [tilespmem:s7+$0x16600];
	v39 =	vand.u32 $0xFFFFFF80, v63  }
0x8a: {  	v52 =	vand.u32 $0x7F, v50;
	v58 =	vand.u32 $0x7F, v63;
	v63 =	vld [tilespmem:s12+$0x16610];
	v39 =	vadd.s32 v22, v39  }
0x8b: {  	v30 =	vand.u32 $0x7F, v30;
	[tilespmem:s1+$0x190] =	vst v41;
	v39 =	vor.u32 v58, v39;
	v58 =	vld [tilespmem:s8+$0x16610];
	v33 =	vadd.f32 v59, v33  }
0x8c: {  	v45 =	vadd.s32 v2, v28;
	v26 =	vadd.s32 v3, v26;
	v38 =	vadd.f32 v61, v38;
	v55 =	vld.idx.msk [tilespmem:v54+s15+$0x0], $0xffff  }
0x8d: {  	v30 =	vor.u32 v30, v31;
	v44 =	vadd.s32 v2, v25;
	v57 =	vld [tilespmem:s0+$0x16620];
	[tilespmem:s1+$0x90] =	vst v33;
	v33 =	vand.u32 $0xFFFFFF80, v50  }
0x8e: {  	v37 =	vld.idx.msk [tilespmem:v37+s15+$0x0], $0xffff;
	[tilespmem:s1+$0xFFFFFE90] =	vst v38;
	v31 =	vadd.f32 v53, v36;
	v36 =	vadd.s32 v2, v24;
	v53 =	vand.u32 $0x7F, v45  }
0x8f: {  	v54 =	vld [tilespmem:s10+$0x16620];
	v45 =	vand.u32 $0xFFFFFF80, v45;
	v34 =	vadd.f32 v63, v34;
	v22 =	vadd.s32 v22, v33  }
0x90: {  	v51 =	vand.u32 $0x7F, v36;
	v36 =	vand.u32 $0xFFFFFF80, v36;
	v63 =	vadd.s32 v18, v45;
	[tilespmem:s1+$0xFFFFFE00] =	vst v31;
	v39 =	vld.idx.msk [tilespmem:v39+s15+$0x0], $0xffff  }
0x91: {  	v22 =	vor.u32 v52, v22;
	v31 =	vadd.s32 v2, v29;
	v36 =	vadd.s32 v16, v36;
	v41 =	vld.idx.msk [tilespmem:v42+s15+$0x0], $0xffff  }
0x92: {  	[tilespmem:s1+$0xFFFFFF10] =	vst v34;
	v32 =	vadd.f32 v58, v32;
	v62 =	vadd.f32 v57, v55;
	v57 =	vadd.s32 v2, v23;
	v61 =	vld [tilespmem:s7+$0x16610]  }
0x93: {  	v36 =	vor.u32 v51, v36;
	v40 =	vld.idx.msk [tilespmem:v40+s15+$0x0], $0xffff;
	v23 =	vadd.s32 v3, v23;
	v60 =	vand.u32 $0x7F, v57  }
0x94: {  	v43 =	vand.u32 $0xFFFFFF80, v57;
	v57 =	vld [tilespmem:s25+$0x16610];
	v55 =	vand.u32 $0x7F, v23;
	v23 =	vand.u32 $0xFFFFFF80, v23  }
0x95: {  	v46 =	vor.u32 v53, v63;
	[tilespmem:s1+$0x1A0] =	vst v62;
	v43 =	vadd.s32 v20, v43;
	v20 =	vadd.s32 v20, v23;
	v23 =	vld [tilespmem:s26+$0x16620]  }
0x96: {  	v53 =	vand.u32 $0x7F, v26;
	v26 =	vand.u32 $0xFFFFFF80, v26;
	v56 =	vand.u32 $0xFFFFFF80, v31;
	v30 =	vld.idx.msk [tilespmem:v30+s15+$0x0], $0xffff  }
0x97: {  	v31 =	vand.u32 $0x7F, v31;
	v21 =	vadd.s32 v21, v26;
	v48 =	vld [tilespmem:s0+$0x16630];
	v43 =	vor.u32 v60, v43  }
0x98: {  	v42 =	vadd.s32 v27, v56;
	[tilespmem:s1+$0x10] =	vst v32;
	v62 =	vand.u32 $0x7F, v44;
	v60 =	vld [tilespmem:s9+$0x16610];
	v26 =	vadd.f32 v54, v39  }
0x99: {  	v44 =	vand.u32 $0xFFFFFF80, v44;
	v31 =	vor.u32 v31, v42;
	v36 =	vld.idx.msk [tilespmem:v36+s15+$0x0], $0xffff;
	v35 =	vadd.f32 v57, v35  }
0x9a: {  	v44 =	vadd.s32 v19, v44;
	v57 =	vld [tilespmem:s12+$0x16620];
	[tilespmem:s1+$0xFFFFFEA0] =	vst v26  }
0x9b: {  	s22 =	simm.s32 $0xE;
	v62 =	vor.u32 v62, v44;
	v49 =	vadd.f32 v61, v41;
	v26 =	vld.idx.msk [tilespmem:v22+s15+$0x0], $0xffff;
	[tilespmem:s1+$0xFFFFFF90] =	vst v35  }
0x9c: {  	v17 =	vmov s22;
	v35 =	vld.idx.msk [tilespmem:v43+s15+$0x0], $0xffff  }
0x9d: {  	v25 =	vadd.s32 v3, v25;
	v24 =	vadd.s32 v3, v24;
	[tilespmem:s1+$0xFFFFFE10] =	vst v49;
	v59 =	vld [tilespmem:s25+$0x16620]  }
0x9e: {  	v58 =	vand.u32 $0x7F, v25;
	v56 =	vand.u32 $0x7F, v24;
	v31 =	vld.idx.msk [tilespmem:v31+s15+$0x0], $0xffff  }
0x9f: {  	v24 =	vand.u32 $0xFFFFFF80, v24;
	v21 =	vor.u32 v53, v21;
	v47 =	vadd.f32 v60, v37;
	v60 =	vld [tilespmem:s8+$0x16620]  }
0xa0: {  	v16 =	vadd.s32 v16, v24;
	v61 =	vor.u32 v55, v20;
	v30 =	vadd.f32 v48, v30;
	v38 =	vld.idx.msk [tilespmem:v62+s15+$0x0], $0xffff  }
0xa1: {  	v20 =	vand.u32 $0xFFFFFF80, v25;
	v62 =	vor.u32 v56, v16;
	v16 =	vld.idx.msk [tilespmem:v17+s19+$0x0], $0xffff;
	[tilespmem:s1+$0x110] =	vst v47;
	v25 =	vadd.f32 v57, v40  }
0xa2: {  	v19 =	vadd.s32 v19, v20;
	[tilespmem:s1+$0x1B0] =	vst v30;
	v30 =	vld [tilespmem:s7+$0x16620];
	v20 =	vadd.f32 v59, v35  }
0xa3: {  	v28 =	vadd.s32 v3, v28;
	v32 =	vld.idx.msk [tilespmem:v46+s15+$0x0], $0xffff;
	[tilespmem:s1+$0xFFFFFF20] =	vst v25  }
0xa4: {  	s24 =	sor.u32 $0x80, s31;
	v63 =	vand.u32 $0x7F, v28;
	v28 =	vand.u32 $0xFFFFFF80, v28;
	v24 =	vld [tilespmem:s9+$0x16620];
	v22 =	vadd.f32 v60, v36;
	[tilespmem:s1+$0xFFFFFFA0] =	vst v20  }
0xa5: {  	v18 =	vadd.s32 v18, v28;
	v28 =	vld.idx.msk [tilespmem:v21+s15+$0x0], $0xffff;
	[dreg:$0xf] =	wrdreg s24  }
0xa6: {  	v29 =	vadd.s32 v3, v29;
	[tilespmem:s1+$0x20] =	vst v22  }
0xa7: {  	v51 =	vand.u32 $0xFFFFFF80, v29;
	s28 =	rddreg [dreg:$0x5]  }
0xa8: {  	v27 =	vadd.s32 v27, v51;
	v25 =	vand.u32 $0x7F, v29;
	v21 =	vadd.f32 v23, v38;
	s0 =	sadd.s32 s28, s31  }
0xa9: {  	v19 =	vor.u32 v58, v19;
	v20 =	vor.u32 v63, v18;
	v18 =	vor.u32 v25, v27;
	v25 =	vld.idx.msk [tilespmem:v61+s15+$0x0], $0xffff;
	[dreg:$0x11] =	wrdreg s0  }
0xaa: {  	s14 =	simm.s32 $0x10;
	s2 =	simm.s32 $0xF;
	v34 =	vadd.f32 v30, v31;
	v35 =	vadd.f32 v24, v32;
	v27 =	vld.idx.msk [tilespmem:v62+s15+$0x0], $0xffff;
	[tilespmem:s1+$0xA0] =	vst v21  }
.LBB2_3:
0xab: {  	_ =	sdelay $0x2  }
0xac: {  	v29 =	vmov s2;
	v30 =	vld.idx.msk [tilespmem:v19+s15+$0x0], $0xffff  }
0xad: {  	v24 =	vshll.u32 v10, $0x7;
	v10 =	vmov s14;
	v23 =	vshll.u32 v11, $0x7;
	v38 =	vld [tilespmem:s10+$0x16630]  }
0xae: {  	v22 =	vshll.u32 v12, $0x7;
	v21 =	vshll.u32 v14, $0x7;
	v39 =	vld [tilespmem:s12+$0x16630];
	v40 =	vadd.s32 v0, v5  }
0xaf: {  	s13 =	sadd.s32 $0x1, s14;
	v61 =	vadd.s32 v0, v4;
	v41 =	vadd.s32 v0, v6;
	v42 =	vadd.s32 v0, v9;
	v43 =	vld [tilespmem:s8+$0x16630]  }
0xb0: {  	s21 =	sadd.s32 $0x3, s14;
	s16 =	sadd.s32 $0x4, s14;
	s22 =	sadd.s32 $0x5, s14;
	v44 =	vadd.s32 v0, v7;
	v45 =	vadd.s32 v0, v16;
	v62 =	vld [tilespmem:s26+$0x16630];
	v19 =	vmov s13  }
0xb1: {  	[tilespmem:s1+$0xFFFFFE20] =	vst v34;
	v31 =	vmov s21;
	v33 =	vmov s16;
	v36 =	vmov s22  }
0xb2: {  	v47 =	vand.u32 $0x7F, v40;
	v48 =	vand.u32 $0x7F, v61;
	v49 =	vand.u32 $0x7F, v41;
	v58 =	vld.idx.msk [tilespmem:v18+s15+$0x0], $0xffff  }
0xb3: {  	v50 =	vand.u32 $0x7F, v42;
	v52 =	vand.u32 $0x7F, v44;
	v14 =	vmovc v31;
	v31 =	vadd.s32 v0, v8;
	v51 =	vld [tilespmem:s7+$0x16630]  }
0xb4: {  	s20 =	sadd.s32 $0x2, s14;
	[tilespmem:s1+$0x120] =	vst v35;
	v54 =	vand.u32 $0xFFFFFF80, v61;
	v59 =	vand.u32 $0xFFFFFF80, v31;
	v60 =	vand.u32 $0x7F, v31;
	v31 =	vld [tilespmem:s25+$0x16630]  }
0xb5: {  	s26 =	rddreg [dreg:$0x3];
	v55 =	vand.u32 $0xFFFFFF80, v41;
	v57 =	vld.idx.msk [tilespmem:v20+s15+$0x0], $0xffff;
	v20 =	vmov s20;
	v11 =	vmovc v19;
	v19 =	vshll.u32 v15, $0x7  }
0xb6: {  	v15 =	vmovc v33;
	v63 =	vld [tilespmem:s9+$0x16630];
	v33 =	vshll.u32 v29, $0x7;
	s7 =	sadd.s32 s5, s26;
	v34 =	vadd.s32 v22, v54;
	v12 =	vmovc v20;
	v26 =	vadd.f32 v38, v26  }
0xb7: {  	p0 =	slt.u32 s14, $0x78;
	s24 =	sadd.s32 $0x6, s14;
	v20 =	vshll.u32 v13, $0x7;
	s2 =	sadd.s32 $0x7, s7;
	v46 =	vadd.s32 v24, v59;
	v28 =	vadd.f32 v39, v28  }
0xb8: {  	s0 =	simm.s32 @!p0 $0x0;
	v37 =	vmov s24;
	v13 =	vmovc v36;
	s13 =	sshll.u32 s2, $0x8;
	v32 =	vld.idx.msk [tilespmem:v29+s19+$0x0], $0xffff;
	v29 =	vadd.f32 v43, v27;
	v36 =	vor.u32 v60, v46;
	[tilespmem:s1+$0xFFFFFEB0] =	vst v26  }
0xb9: {  	s0 =	simm.s32 @p0 $0x1;
	v18 =	vshll.u32 v17, $0x7;
	p0 =	slt.u32 s2, $0xC8;
	s2 =	sadd.s32 $0xFFFF3800, s13;
	[tilespmem:s1+$0xFFFFFF30] =	vst v28;
	v35 =	vadd.f32 v51, v58;
	v25 =	vadd.f32 v31, v25;
	v31 =	vld.idx.msk [tilespmem:v10+s19+$0x0], $0xffff  }
0xba: {  	v17 =	vmovc v37;
	v38 =	vand.u32 $0x7F, v45;
	s2 =	smov.u32 @p0 s13;
	[tilespmem:s1+$0x30] =	vst v29;
	v58 =	vor.u32 v48, v34;
	v48 =	vand.u32 $0xFFFFFF80, v44;
	v26 =	vld.idx.msk [tilespmem:v11+s19+$0x0], $0xffff  }
0xbb: {  	v29 =	vadd.f32 v63, v57;
	v57 =	vand.u32 $0xFFFFFF80, v42;
	s16 =	sshra.s32 s2, $0x2;
	v27 =	vld.idx.msk [tilespmem:v12+s19+$0x0], $0xffff;
	v37 =	vadd.s32 v20, v48;
	[tilespmem:s1+$0xFFFFFE30] =	vst v35  }
0xbc: {  	v59 =	vadd.s32 v19, v57;
	v63 =	vld [tilespmem:s16+$0x16600];
	v52 =	vor.u32 v52, v37;
	[tilespmem:s1+$0xFFFFFFB0] =	vst v25;
	v25 =	vadd.f32 v62, v30  }
0xbd: {  	[tilespmem:s1+$0x130] =	vst v29;
	v53 =	vadd.s32 v0, v32;
	v30 =	vand.u32 $0xFFFFFF80, v40;
	v62 =	vor.u32 v50, v59;
	v34 =	vld.idx.msk [tilespmem:v36+s15+$0x0], $0xffff  }
0xbe: {  	v60 =	vand.u32 $0xFFFFFF80, v45;
	v51 =	vadd.s32 v1, v32;
	v30 =	vadd.s32 v23, v30;
	[tilespmem:s1+$0xB0] =	vst v25;
	v25 =	vld.idx.msk [tilespmem:v15+s19+$0x0], $0xffff  }
0xbf: {  	s8 =	sadd.s32 $0x2, s7;
	v59 =	vadd.s32 v1, v4;
	v28 =	vand.u32 $0xFFFFFF80, v53;
	v56 =	vor.u32 v47, v30;
	v30 =	vld.idx.msk [tilespmem:v17+s19+$0x0], $0xffff  }
0xc0: {  	s21 =	sshll.u32 s8, $0x8;
	v50 =	vadd.s32 v1, v16;
	v53 =	vand.u32 $0x7F, v53;
	v28 =	vadd.s32 v33, v28;
	v35 =	vld.idx.msk [tilespmem:v58+s15+$0x0], $0xffff  }
0xc1: {  	s6 =	sadd.s32 $0xFFFF3800, s21;
	p0 =	slt.u32 s8, $0xC8;
	v54 =	vand.u32 $0xFFFFFF80, v51;
	v47 =	vadd.s32 v21, v55;
	v43 =	vor.u32 v53, v28;
	v28 =	vld.idx.msk [tilespmem:v14+s19+$0x0], $0xffff  }
0xc2: {  	[smem:$0x7FC] =	sst s0;
	s12 =	sadd.s32 $0x4, s7;
	s6 =	smov.u32 @p0 s21;
	v55 =	vand.u32 $0x7F, v51;
	v40 =	vadd.s32 v33, v54;
	v29 =	vld.idx.msk [tilespmem:v13+s19+$0x0], $0xffff;
	v49 =	vor.u32 v49, v47  }
0xc3: {  	s4 =	sshll.u32 s12, $0x8;
	p6 =	slt.u32 s12, $0xC8;
	s12 =	sshra.s32 s6, $0x2;
	v58 =	vadd.s32 v1, v5;
	v53 =	vadd.s32 v18, v60;
	v60 =	vadd.s32 v1, v6;
	v36 =	vld.idx.msk [tilespmem:v52+s15+$0x0], $0xffff  }
0xc4: {  	s9 =	sadd.s32 $0x1, s7;
	s10 =	sadd.s32 $0x3, s7;
	s18 =	sadd.s32 $0x6, s7;
	v51 =	vand.u32 $0x7F, v58;
	v47 =	vand.u32 $0xFFFFFF80, v59;
	v52 =	vand.u32 $0x7F, v59;
	v59 =	vld [tilespmem:s12+$0x16600]  }
0xc5: {  	s22 =	sshll.u32 s9, $0x8;
	s25 =	sshll.u32 s10, $0x8;
	s20 =	sshll.u32 s18, $0x8;
	v46 =	vand.u32 $0xFFFFFF80, v58;
	v37 =	vor.u32 v38, v53;
	v38 =	vor.u32 v55, v40;
	v39 =	vld.idx.msk [tilespmem:v56+s15+$0x0], $0xffff  }
0xc6: {  	p1 =	slt.u32 s9, $0xC8;
	p4 =	slt.u32 s10, $0xC8;
	s3 =	sadd.s32 $0xFFFF3800, s22;
	v48 =	vand.u32 $0xFFFFFF80, v60;
	v46 =	vadd.s32 v23, v46;
	v47 =	vadd.s32 v22, v47;
	v61 =	vld.idx.msk [tilespmem:v43+s15+$0x0], $0xffff  }
0xc7: {  	p3 =	slt.u32 s18, $0xC8;
	s0 =	sadd.s32 $0xFFFF3800, s25;
	s3 =	smov.u32 @p1 s22;
	v48 =	vadd.s32 v21, v48;
	v46 =	vor.u32 v51, v46;
	v56 =	vadd.s32 v1, v8;
	v41 =	vld.idx.msk [tilespmem:v49+s15+$0x0], $0xffff  }
0xc8: {  	s9 =	sadd.s32 $0xFFFF3800, s20;
	s0 =	smov.u32 @p4 s25;
	s10 =	sshra.s32 s3, $0x2;
	v47 =	vor.u32 v52, v47;
	v57 =	vand.u32 $0xFFFFFF80, v56;
	v45 =	vand.u32 $0x7F, v56;
	v43 =	vld.idx.msk [tilespmem:v62+s15+$0x0], $0xffff  }
0xc9: {  	s9 =	smov.u32 @p3 s20;
	s25 =	sshra.s32 s0, $0x2;
	v62 =	vadd.s32 v1, v7;
	v56 =	vadd.s32 v2, v32;
	v40 =	vadd.s32 v24, v57;
	v57 =	vld [tilespmem:s10+$0x16600]  }
0xca: {  	s11 =	sadd.s32 $0xFFFF3800, s4;
	s9 =	sshra.s32 s9, $0x2;
	v54 =	vand.u32 $0x7F, v62;
	v58 =	vand.u32 $0xFFFFFF80, v56;
	v40 =	vor.u32 v45, v40;
	v45 =	vld [tilespmem:s25+$0x16600]  }
0xcb: {  	s11 =	smov.u32 @p6 s4;
	v52 =	vld [tilespmem:s9+$0x16600];
	v49 =	vand.u32 $0xFFFFFF80, v62;
	v56 =	vand.u32 $0x7F, v56;
	v42 =	vadd.f32 v63, v61  }
0xcc: {  	s24 =	sadd.s32 $0x5, s7;
	s8 =	sshra.s32 s11, $0x2;
	s1 =	sadd.s32 $0x400, s1;
	v37 =	vld.idx.msk [tilespmem:v37+s15+$0x0], $0xffff;
	v35 =	vadd.f32 v59, v35;
	v58 =	vadd.s32 v33, v58;
	v61 =	vadd.s32 v1, v9  }
0xcd: {  	s13 =	sshll.u32 s24, $0x8;
	v49 =	vadd.s32 v20, v49;
	v56 =	vor.u32 v56, v58;
	v63 =	vld [tilespmem:s8+$0x16600];
	v53 =	vand.u32 $0x7F, v61;
	[tilespmem:s1+$0x180] =	vst v42  }
0xce: {  	p5 =	slt.u32 s24, $0xC8;
	s26 =	sadd.s32 $0xFFFF3800, s13;
	v44 =	vand.u32 $0xFFFFFF80, v61;
	v39 =	vadd.f32 v57, v39;
	v61 =	vand.u32 $0x7F, v50;
	v38 =	vld.idx.msk [tilespmem:v38+s15+$0x0], $0xffff  }
0xcf: {  	s26 =	smov.u32 @p5 s13;
	[tilespmem:s1+$0xFFFFFF00] =	vst v35;
	v42 =	vand.u32 $0x7F, v60;
	v60 =	vand.u32 $0xFFFFFF80, v50;
	v59 =	vadd.f32 v45, v41;
	v55 =	vld [tilespmem:s16+$0x16610]  }
0xd0: {  	s26 =	sshra.s32 s26, $0x2;
	v47 =	vld.idx.msk [tilespmem:v47+s15+$0x0], $0xffff;
	v50 =	vor.u32 v54, v49;
	v42 =	vor.u32 v42, v48;
	v57 =	vadd.s32 v18, v60  }
0xd1: {  	s2 =	sshll.u32 s7, $0x8;
	v51 =	vld [tilespmem:s26+$0x16600];
	[tilespmem:s1+$0xFFFFFE80] =	vst v39;
	v39 =	vadd.s32 v2, v8;
	v54 =	vor.u32 v61, v57;
	v57 =	vadd.f32 v52, v37  }
0xd2: {  	p2 =	slt.u32 s7, $0xC8;
	s28 =	sadd.s32 $0xFFFF3800, s2;
	v44 =	vadd.s32 v19, v44;
	v46 =	vld.idx.msk [tilespmem:v46+s15+$0x0], $0xffff;
	[tilespmem:s1+$0xFFFFFF80] =	vst v59;
	v61 =	vand.u32 $0xFFFFFF80, v39;
	v63 =	vadd.f32 v63, v43  }
0xd3: {  	s28 =	smov.u32 @p2 s2;
	v60 =	vor.u32 v53, v44;
	v59 =	vadd.s32 v2, v5;
	v35 =	vadd.s32 v24, v61;
	v61 =	vld [tilespmem:s12+$0x16610];
	[tilespmem:s1+$0x100] =	vst v57  }
0xd4: {  	s7 =	sshra.s32 s28, $0x2;
	v41 =	vand.u32 $0xFFFFFF80, v59;
	[tilespmem:s1+$0x0] =	vst v63;
	v63 =	vand.u32 $0x7F, v59;
	v59 =	vld [tilespmem:s9+$0x16610];
	v38 =	vadd.f32 v55, v38  }
0xd5: {  	v55 =	vld [tilespmem:s7+$0x16600]  }
0xd6: {  	v37 =	vld.idx.msk [tilespmem:v42+s15+$0x0], $0xffff;
	[tilespmem:s1+$0x190] =	vst v38  }
0xd7: {  	v36 =	vadd.f32 v51, v36;
	v62 =	vld.idx.msk [tilespmem:v56+s15+$0x0], $0xffff  }
0xd8: {  	v32 =	vadd.s32 v3, v32;
	v41 =	vadd.s32 v23, v41;
	v53 =	vld [tilespmem:s16+$0x16620]  }
0xd9: {  	[tilespmem:s1+$0x80] =	vst v36;
	v45 =	vadd.s32 v2, v7;
	v36 =	vld.idx.msk [tilespmem:v60+s15+$0x0], $0xffff;
	v41 =	vor.u32 v63, v41;
	v56 =	vand.u32 $0xFFFFFF80, v32  }
0xda: {  	v63 =	vld [tilespmem:s8+$0x16610];
	v32 =	vand.u32 $0x7F, v32;
	v33 =	vadd.s32 v33, v56;
	v34 =	vadd.f32 v55, v34  }
0xdb: {  	v42 =	vadd.s32 v2, v4;
	v33 =	vor.u32 v32, v33;
	v32 =	vadd.s32 v3, v8;
	v8 =	vmovc v31;
	v31 =	vld [tilespmem:s10+$0x16610]  }
0xdc: {  	v44 =	vadd.s32 v2, v9;
	[tilespmem:s1+$0xFFFFFE00] =	vst v34;
	v34 =	vld.idx.msk [tilespmem:v50+s15+$0x0], $0xffff;
	v50 =	vand.u32 $0x7F, v42;
	v42 =	vand.u32 $0xFFFFFF80, v42  }
0xdd: {  	v38 =	vld.idx.msk [tilespmem:v54+s15+$0x0], $0xffff;
	v58 =	vadd.f32 v53, v62;
	v62 =	vadd.s32 v2, v6;
	v53 =	vand.u32 $0x7F, v44  }
0xde: {  	v40 =	vld.idx.msk [tilespmem:v40+s15+$0x0], $0xffff;
	v44 =	vand.u32 $0xFFFFFF80, v44;
	v42 =	vadd.s32 v22, v42;
	v51 =	vand.u32 $0x7F, v62  }
0xdf: {  	v43 =	vand.u32 $0xFFFFFF80, v62;
	v62 =	vld [tilespmem:s25+$0x16610];
	v42 =	vor.u32 v50, v42;
	v44 =	vadd.s32 v19, v44;
	[tilespmem:s1+$0x1A0] =	vst v58  }
0xe0: {  	v48 =	vadd.s32 v2, v16;
	v31 =	vadd.f32 v31, v46;
	v44 =	vor.u32 v53, v44;
	v33 =	vld.idx.msk [tilespmem:v33+s15+$0x0], $0xffff  }
0xe1: {  	v39 =	vand.u32 $0x7F, v39;
	v52 =	vadd.s32 v3, v4;
	v47 =	vadd.f32 v61, v47;
	v60 =	vld [tilespmem:s16+$0x16630]  }
0xe2: {  	v35 =	vor.u32 v39, v35;
	v36 =	vadd.f32 v63, v36;
	v43 =	vadd.s32 v21, v43;
	v58 =	vld [tilespmem:s26+$0x16610];
	[tilespmem:s1+$0xFFFFFE90] =	vst v31  }
0xe3: {  	v54 =	vand.u32 $0x7F, v45;
	v45 =	vand.u32 $0xFFFFFF80, v45;
	[tilespmem:s1+$0xFFFFFF10] =	vst v47;
	v43 =	vor.u32 v51, v43;
	v41 =	vld.idx.msk [tilespmem:v41+s15+$0x0], $0xffff  }
0xe4: {  	v4 =	vmov v27;
	v27 =	vadd.s32 v3, v6;
	v45 =	vadd.s32 v20, v45;
	[tilespmem:s1+$0x10] =	vst v36;
	v63 =	vld.idx.msk [tilespmem:v42+s15+$0x0], $0xffff  }
0xe5: {  	v55 =	vand.u32 $0x7F, v48;
	v48 =	vand.u32 $0xFFFFFF80, v48;
	v31 =	vadd.f32 v62, v37;
	v53 =	vld.idx.msk [tilespmem:v44+s15+$0x0], $0xffff  }
0xe6: {  	v61 =	vor.u32 v54, v45;
	v62 =	vadd.s32 v18, v48;
	v33 =	vadd.f32 v60, v33;
	v60 =	vld [tilespmem:s7+$0x16610]  }
0xe7: {  	v6 =	vmov v28;
	v48 =	vadd.s32 v3, v5;
	v37 =	vor.u32 v55, v62;
	v62 =	vld [tilespmem:s8+$0x16620];
	[tilespmem:s1+$0xFFFFFF90] =	vst v31  }
0xe8: {  	v28 =	vadd.s32 v3, v16;
	v16 =	vmovc v30;
	v30 =	vand.u32 $0xFFFFFF80, v48;
	v31 =	vadd.f32 v58, v34;
	v49 =	vld.idx.msk [tilespmem:v43+s15+$0x0], $0xffff  }
0xe9: {  	v50 =	vadd.f32 v59, v38;
	v38 =	vand.u32 $0xFFFFFF80, v52;
	v23 =	vadd.s32 v23, v30;
	v30 =	vld [tilespmem:s25+$0x16620]  }
0xea: {  	v57 =	vand.u32 $0x7F, v52;
	v22 =	vadd.s32 v22, v38;
	[tilespmem:s1+$0x90] =	vst v31;
	v31 =	vadd.s32 v3, v9;
	v9 =	vmovc v25;
	v25 =	vld [tilespmem:s10+$0x16620]  }
0xeb: {  	v54 =	vand.u32 $0xFFFFFF80, v32;
	v5 =	vmovc v26;
	v56 =	vand.u32 $0x7F, v48;
	[tilespmem:s1+$0x1B0] =	vst v33;
	v33 =	vld.idx.msk [tilespmem:v61+s15+$0x0], $0xffff;
	v26 =	vadd.f32 v60, v40  }
0xec: {  	v24 =	vadd.s32 v24, v54;
	[tilespmem:s1+$0x110] =	vst v50;
	v22 =	vor.u32 v57, v22;
	v23 =	vor.u32 v56, v23;
	v60 =	vld [tilespmem:s12+$0x16620]  }
0xed: {  	v58 =	vand.u32 $0x7F, v31;
	v61 =	vand.u32 $0x7F, v28;
	v31 =	vand.u32 $0xFFFFFF80, v31;
	v36 =	vld.idx.msk [tilespmem:v37+s15+$0x0], $0xffff;
	[tilespmem:s1+$0xFFFFFE10] =	vst v26  }
0xee: {  	s28 =	sld [smem:$0x7FC];
	v26 =	vadd.s32 v3, v7;
	v7 =	vmovc v29;
	v29 =	vand.u32 $0x7F, v27;
	v27 =	vand.u32 $0xFFFFFF80, v27;
	v55 =	vld.idx.msk [tilespmem:v35+s15+$0x0], $0xffff  }
0xef: {  	v28 =	vand.u32 $0xFFFFFF80, v28;
	v19 =	vadd.s32 v19, v31;
	v21 =	vadd.s32 v21, v27;
	v27 =	vld [tilespmem:s26+$0x16620]  }
0xf0: {  	v25 =	vadd.f32 v25, v41;
	v59 =	vand.u32 $0x7F, v26;
	v31 =	vld [tilespmem:s7+$0x16620];
	v21 =	vor.u32 v29, v21  }
0xf1: {  	p0 =	seq.s32 s28, $0x1;
	v26 =	vand.u32 $0xFFFFFF80, v26;
	v29 =	vld [tilespmem:s9+$0x16620];
	v34 =	vadd.f32 v60, v63;
	v63 =	vor.u32 v58, v19  }
.Ltmp0:
0xf2: {  	v18 =	vadd.s32 v18, v28;
	[tilespmem:s1+$0xFFFFFEA0] =	vst v25;
	v25 =	vadd.f32 v30, v49;
	v19 =	vadd.s32 v20, v26;
	(pc) =	sbr.rel @p0 .LBB2_3-.Ltmp0, $4  }
0xf3: {  	v28 =	vand.u32 $0x7F, v32;
	v26 =	vld.idx.msk [tilespmem:v23+s15+$0x0], $0xffff;
	v23 =	vadd.f32 v62, v53;
	v20 =	vor.u32 v61, v18;
	[tilespmem:s1+$0xFFFFFF20] =	vst v34  }
0xf4: {  	v18 =	vor.u32 v28, v24;
	[tilespmem:s1+$0xFFFFFFA0] =	vst v25;
	v28 =	vld.idx.msk [tilespmem:v22+s15+$0x0], $0xffff;
	v22 =	vadd.f32 v27, v33  }
0xf5: {  	s5 =	smov.u32 s14;
	v19 =	vor.u32 v59, v19;
	[tilespmem:s1+$0x20] =	vst v23;
	v25 =	vld.idx.msk [tilespmem:v21+s15+$0x0], $0xffff  }
0xf6: {  	s14 =	sadd.s32 $0x8, s14;
	s2 =	sadd.s32 $0x7, s5;
	v34 =	vadd.f32 v31, v55;
	v35 =	vadd.f32 v29, v36;
	v27 =	vld.idx.msk [tilespmem:v63+s15+$0x0], $0xffff;
	[tilespmem:s1+$0xA0] =	vst v22  }
0xf7: {  	v29 =	vmov s2;
	v10 =	vshll.u32 v10, $0x7;
	v23 =	vshll.u32 v11, $0x7  }
0xf8: {  	v22 =	vshll.u32 v12, $0x7;
	v21 =	vshll.u32 v14, $0x7;
	v14 =	vshll.u32 v15, $0x7  }
0xf9: {  	v45 =	vadd.s32 v0, v8;
	v11 =	vshll.u32 v17, $0x7;
	v36 =	vadd.s32 v0, v5  }
0xfa: {  	v37 =	vadd.s32 v0, v4;
	v39 =	vadd.s32 v0, v6;
	v40 =	vadd.s32 v0, v9  }
0xfb: {  	s0 =	rddreg [dreg:$0x3];
	v32 =	vld [tilespmem:s12+$0x16630];
	v47 =	vand.u32 $0xFFFFFF80, v45;
	v15 =	vand.u32 $0x7F, v45;
	v41 =	vand.u32 $0x7F, v36  }
0xfc: {  	v33 =	vld [tilespmem:s25+$0x16630];
	s5 =	sadd.s32 s5, s0;
	v42 =	vand.u32 $0x7F, v37;
	v43 =	vand.u32 $0x7F, v39;
	v44 =	vand.u32 $0x7F, v40  }
0xfd: {  	v19 =	vld.idx.msk [tilespmem:v19+s15+$0x0], $0xffff;
	v36 =	vand.u32 $0xFFFFFF80, v36;
	v37 =	vand.u32 $0xFFFFFF80, v37;
	[tilespmem:s1+$0x120] =	vst v35;
	v17 =	vadd.s32 v10, v47;
	s0 =	sadd.s32 $0x7, s5  }
0xfe: {  	v49 =	vand.u32 $0xFFFFFF80, v39;
	v48 =	vadd.s32 v23, v36;
	v20 =	vld.idx.msk [tilespmem:v20+s15+$0x0], $0xffff;
	s2 =	sshll.u32 s0, $0x8;
	v45 =	vor.u32 v15, v17  }
0xff: {  	v51 =	vand.u32 $0xFFFFFF80, v40;
	[tilespmem:s1+$0xFFFFFE20] =	vst v34;
	v50 =	vadd.s32 v22, v37;
	p0 =	slt.u32 s0, $0xC8;
	v36 =	vor.u32 v41, v48;
	v15 =	vld [tilespmem:s9+$0x16630];
	s0 =	sadd.s32 $0xFFFF3800, s2  }
0x100: {  	v37 =	vadd.s32 v14, v51;
	v52 =	vor.u32 v42, v50;
	v17 =	vadd.s32 v21, v49;
	v24 =	vld.idx.msk [tilespmem:v29+s19+$0x0], $0xffff;
	s0 =	smov.u32 @p0 s2  }
0x101: {  	v59 =	vadd.s32 v0, v7;
	s14 =	sadd.s32 $0x2, s5;
	v37 =	vor.u32 v44, v37;
	v55 =	vor.u32 v43, v17;
	v17 =	vld [tilespmem:s7+$0x16630];
	s12 =	sshra.s32 s0, $0x2  }
0x102: {  	v12 =	vshll.u32 v13, $0x7;
	s3 =	sadd.s32 $0x3, s5;
	s4 =	sadd.s32 $0x4, s5;
	s6 =	sadd.s32 $0x5, s5;
	v42 =	vand.u32 $0xFFFFFF80, v59;
	v53 =	vld [tilespmem:s12+$0x16600]  }
0x103: {  	v61 =	vand.u32 $0x7F, v59;
	s11 =	sshll.u32 s14, $0x8;
	p5 =	slt.u32 s14, $0xC8;
	p2 =	slt.u32 s3, $0xC8;
	v42 =	vadd.s32 v12, v42;
	v44 =	vld.idx.msk [tilespmem:v45+s15+$0x0], $0xffff  }
0x104: {  	p1 =	slt.u32 s4, $0xC8;
	p3 =	slt.u32 s6, $0xC8;
	v63 =	vor.u32 v61, v42;
	s0 =	sshll.u32 s3, $0x8;
	v36 =	vld.idx.msk [tilespmem:v36+s15+$0x0], $0xffff  }
0x105: {  	s3 =	sshll.u32 s4, $0x8;
	s4 =	sshll.u32 s6, $0x8;
	s6 =	sadd.s32 $0xFFFF3800, s11;
	v35 =	vld.idx.msk [tilespmem:v52+s15+$0x0], $0xffff;
	v46 =	vadd.s32 v0, v24  }
0x106: {  	v29 =	vshll.u32 v29, $0x7;
	s6 =	smov.u32 @p5 s11;
	v37 =	vld.idx.msk [tilespmem:v37+s15+$0x0], $0xffff;
	v30 =	vand.u32 $0xFFFFFF80, v46  }
0x107: {  	s13 =	sadd.s32 $0x1, s5;
	s16 =	sadd.s32 $0x6, s5;
	s20 =	sshra.s32 s6, $0x2;
	v34 =	vld.idx.msk [tilespmem:v55+s15+$0x0], $0xffff;
	v13 =	vand.u32 $0x7F, v46;
	v31 =	vadd.s32 v29, v30  }
0x108: {  	v60 =	vadd.s32 v0, v16;
	v57 =	vadd.s32 v1, v8;
	p4 =	slt.u32 s16, $0xC8;
	s7 =	sshll.u32 s13, $0x8;
	s11 =	sadd.s32 $0xFFFF3800, s0;
	v61 =	vld [tilespmem:s20+$0x16600];
	v38 =	vor.u32 v13, v31  }
0x109: {  	v62 =	vand.u32 $0x7F, v60;
	v47 =	vadd.s32 v1, v9;
	p0 =	slt.u32 s13, $0xC8;
	s2 =	sadd.s32 $0xFFFF3800, s7;
	s11 =	smov.u32 @p2 s0;
	v54 =	vadd.s32 v1, v24;
	v39 =	vld.idx.msk [tilespmem:v63+s15+$0x0], $0xffff  }
0x10a: {  	v59 =	vadd.s32 v1, v5;
	v43 =	vand.u32 $0xFFFFFF80, v60;
	s2 =	smov.u32 @p0 s7;
	s0 =	sadd.s32 $0xFFFF3800, s3;
	s21 =	sshra.s32 s11, $0x2;
	v58 =	vand.u32 $0xFFFFFF80, v54;
	v30 =	vld [tilespmem:s10+$0x16630]  }
0x10b: {  	v42 =	vand.u32 $0x7F, v57;
	s7 =	sshra.s32 s2, $0x2;
	s6 =	sshll.u32 s5, $0x8;
	s0 =	smov.u32 @p1 s3;
	v41 =	vadd.s32 v29, v58;
	v58 =	vand.u32 $0xFFFFFF80, v57;
	v57 =	vld [tilespmem:s21+$0x16600]  }
0x10c: {  	v48 =	vadd.s32 v1, v7;
	v60 =	vadd.s32 v1, v4;
	v56 =	vadd.s32 v11, v43;
	p5 =	slt.u32 s5, $0xC8;
	s22 =	sshra.s32 s0, $0x2;
	s0 =	sadd.s32 $0xFFFF3800, s6;
	v31 =	vld [tilespmem:s8+$0x16630]  }
0x10d: {  	s2 =	sshll.u32 s16, $0x8;
	s3 =	sadd.s32 $0xFFFF3800, s4;
	v63 =	vand.u32 $0x7F, v47;
	v47 =	vand.u32 $0xFFFFFF80, v47;
	v40 =	vand.u32 $0x7F, v54;
	s0 =	smov.u32 @p5 s6;
	v38 =	vld.idx.msk [tilespmem:v38+s15+$0x0], $0xffff  }
0x10e: {  	s3 =	smov.u32 @p3 s4;
	s4 =	sadd.s32 $0xFFFF3800, s2;
	v47 =	vadd.s32 v14, v47;
	s14 =	sshra.s32 s0, $0x2;
	v13 =	vld [tilespmem:s26+$0x16630];
	v40 =	vor.u32 v40, v41;
	v41 =	vor.u32 v62, v56  }
0x10f: {  	v50 =	vand.u32 $0x7F, v59;
	v51 =	vand.u32 $0x7F, v60;
	s4 =	smov.u32 @p4 s2;
	v47 =	vor.u32 v63, v47;
	v63 =	vld [tilespmem:s14+$0x16600]  }
0x110: {  	v45 =	vand.u32 $0xFFFFFF80, v60;
	v46 =	vadd.s32 v1, v6;
	s24 =	sshra.s32 s4, $0x2;
	v43 =	vadd.s32 v10, v58;
	v58 =	vld [tilespmem:s22+$0x16600]  }
0x111: {  	v45 =	vadd.s32 v22, v45;
	v62 =	vand.u32 $0x7F, v46;
	v46 =	vand.u32 $0xFFFFFF80, v46;
	v60 =	vld [tilespmem:s24+$0x16600]  }
0x112: {  	v42 =	vor.u32 v42, v43;
	v46 =	vadd.s32 v21, v46;
	v38 =	vadd.f32 v53, v38;
	v53 =	vld [tilespmem:s7+$0x16600]  }
0x113: {  	s18 =	sadd.s32 $0x400, s1;
	v52 =	vadd.s32 v2, v24;
	s16 =	sshra.s32 s3, $0x2;
	v46 =	vor.u32 v62, v46;
	v34 =	vadd.f32 v57, v34;
	v41 =	vld.idx.msk [tilespmem:v41+s15+$0x0], $0xffff  }
0x114: {  	v45 =	vor.u32 v51, v45;
	v43 =	vadd.f32 v63, v44;
	[tilespmem:s18+$0x180] =	vst v38;
	v38 =	vand.u32 $0xFFFFFF80, v59;
	v59 =	vld [tilespmem:s16+$0x16600]  }
0x115: {  	v51 =	vadd.s32 v2, v16;
	v54 =	vand.u32 $0xFFFFFF80, v52;
	v52 =	vand.u32 $0x7F, v52;
	[tilespmem:s18+$0xFFFFFF80] =	vst v34;
	v40 =	vld.idx.msk [tilespmem:v40+s15+$0x0], $0xffff  }
0x116: {  	v54 =	vadd.s32 v29, v54;
	v35 =	vadd.f32 v61, v35;
	[tilespmem:s18+$0xFFFFFE00] =	vst v43;
	v49 =	vld [tilespmem:s12+$0x16610];
	v38 =	vadd.s32 v23, v38  }
0x117: {  	v42 =	vld.idx.msk [tilespmem:v42+s15+$0x0], $0xffff;
	v38 =	vor.u32 v50, v38;
	v36 =	vadd.f32 v53, v36;
	v53 =	vadd.f32 v58, v37  }
0x118: {  	v52 =	vor.u32 v52, v54;
	[tilespmem:s18+$0xFFFFFF00] =	vst v35;
	v35 =	vadd.f32 v60, v41;
	v41 =	vld.idx.msk [tilespmem:v46+s15+$0x0], $0xffff  }
0x119: {  	v61 =	vadd.s32 v1, v16;
	v62 =	vand.u32 $0xFFFFFF80, v48;
	v58 =	vadd.f32 v59, v39;
	v39 =	vld.idx.msk [tilespmem:v45+s15+$0x0], $0xffff;
	[tilespmem:s18+$0x0] =	vst v53  }
0x11a: {  	v48 =	vand.u32 $0x7F, v48;
	v60 =	vadd.s32 v2, v4;
	v59 =	vadd.s32 v2, v5;
	v44 =	vld.idx.msk [tilespmem:v47+s15+$0x0], $0xffff  }
0x11b: {  	[tilespmem:s18+$0xFFFFFE80] =	vst v36;
	v40 =	vadd.f32 v49, v40;
	v63 =	vand.u32 $0xFFFFFF80, v59;
	v46 =	vand.u32 $0x7F, v59;
	v59 =	vld [tilespmem:s21+$0x16610]  }
0x11c: {  	v57 =	vand.u32 $0x7F, v61;
	v34 =	vand.u32 $0x7F, v60;
	v38 =	vld.idx.msk [tilespmem:v38+s15+$0x0], $0xffff;
	[tilespmem:s18+$0x80] =	vst v58;
	v58 =	vand.u32 $0xFFFFFF80, v60  }
0x11d: {  	v50 =	vadd.s32 v2, v7;
	[tilespmem:s18+$0x190] =	vst v40;
	v40 =	vadd.s32 v12, v62;
	v62 =	vld [tilespmem:s7+$0x16610];
	v54 =	vadd.s32 v22, v58  }
0x11e: {  	[tilespmem:s18+$0x100] =	vst v35;
	v36 =	vld.idx.msk [tilespmem:v52+s15+$0x0], $0xffff;
	v52 =	vand.u32 $0xFFFFFF80, v61;
	v55 =	vor.u32 v48, v40;
	v61 =	vadd.s32 v2, v6  }
0x11f: {  	v58 =	vld [tilespmem:s24+$0x16610];
	v56 =	vadd.s32 v11, v52;
	v52 =	vadd.s32 v23, v63;
	v60 =	vand.u32 $0x7F, v61  }
0x120: {  	v47 =	vand.u32 $0xFFFFFF80, v61;
	v61 =	vld [tilespmem:s22+$0x16610];
	v63 =	vand.u32 $0x7F, v50;
	v40 =	vor.u32 v57, v56  }
0x121: {  	v57 =	vld [tilespmem:s20+$0x16610];
	v46 =	vor.u32 v46, v52;
	v47 =	vadd.s32 v21, v47;
	v41 =	vadd.f32 v59, v41  }
0x122: {  	v56 =	vand.u32 $0xFFFFFF80, v50;
	v59 =	vand.u32 $0xFFFFFF80, v51;
	v35 =	vor.u32 v60, v47;
	v60 =	vld [tilespmem:s14+$0x16610]  }
0x123: {  	v51 =	vand.u32 $0x7F, v51;
	v49 =	vadd.s32 v12, v56;
	v52 =	vadd.s32 v11, v59;
	[tilespmem:s18+$0xFFFFFF90] =	vst v41;
	v37 =	vld.idx.msk [tilespmem:v55+s15+$0x0], $0xffff  }
0x124: {  	v47 =	vor.u32 v63, v49;
	v63 =	vor.u32 v51, v52;
	v51 =	vld [tilespmem:s21+$0x16620]  }
0x125: {  	v38 =	vadd.f32 v62, v38;
	v44 =	vadd.f32 v61, v44;
	v61 =	vld [tilespmem:s12+$0x16620]  }
0x126: {  	v48 =	vadd.s32 v2, v9;
	v34 =	vor.u32 v34, v54;
	v40 =	vld.idx.msk [tilespmem:v40+s15+$0x0], $0xffff  }
0x127: {  	v62 =	vand.u32 $0x7F, v48;
	v48 =	vand.u32 $0xFFFFFF80, v48;
	[tilespmem:s18+$0xFFFFFE90] =	vst v38;
	v39 =	vadd.f32 v57, v39;
	v57 =	vld [tilespmem:s16+$0x16610]  }
0x128: {  	v45 =	vadd.s32 v2, v8;
	v48 =	vadd.s32 v14, v48;
	v46 =	vld.idx.msk [tilespmem:v46+s15+$0x0], $0xffff  }
0x129: {  	v43 =	vor.u32 v62, v48;
	v62 =	vand.u32 $0xFFFFFF80, v45;
	v49 =	vld [tilespmem:s7+$0x16620]  }
0x12a: {  	v45 =	vand.u32 $0x7F, v45;
	v38 =	vadd.s32 v10, v62;
	[tilespmem:s18+$0x10] =	vst v44;
	v35 =	vld.idx.msk [tilespmem:v35+s15+$0x0], $0xffff  }
0x12b: {  	v38 =	vor.u32 v45, v38;
	[tilespmem:s18+$0xFFFFFF10] =	vst v39;
	v52 =	vld [tilespmem:s22+$0x16620]  }
0x12c: {  	v45 =	vadd.f32 v60, v42;
	v34 =	vld.idx.msk [tilespmem:v34+s15+$0x0], $0xffff  }
0x12d: {  	v28 =	vadd.f32 v32, v28;
	v50 =	vld [tilespmem:s20+$0x16620]  }
0x12e: {  	v25 =	vadd.f32 v33, v25;
	[tilespmem:s18+$0xFFFFFE10] =	vst v45;
	v48 =	vld.idx.msk [tilespmem:v43+s15+$0x0], $0xffff;
	v55 =	vadd.f32 v61, v36  }
0x12f: {  	v24 =	vadd.s32 v3, v24;
	v4 =	vadd.s32 v3, v4;
	v59 =	vld [tilespmem:s14+$0x16620];
	v37 =	vadd.f32 v57, v37  }
0x130: {  	v62 =	vadd.s32 v3, v6;
	v40 =	vadd.f32 v58, v40;
	v38 =	vld.idx.msk [tilespmem:v38+s15+$0x0], $0xffff;
	[tilespmem:s18+$0x1A0] =	vst v55  }
0x131: {  	v53 =	vand.u32 $0x7F, v4;
	v54 =	vand.u32 $0xFFFFFF80, v24;
	v6 =	vand.u32 $0xFFFFFF80, v62;
	[tilespmem:s18+$0x90] =	vst v37;
	v33 =	vld [tilespmem:s12+$0x16630]  }
0x132: {  	v29 =	vadd.s32 v29, v54;
	v54 =	vand.u32 $0x7F, v62;
	v6 =	vadd.s32 v21, v6;
	[tilespmem:s18+$0x110] =	vst v40;
	v37 =	vld.idx.msk [tilespmem:v47+s15+$0x0], $0xffff  }
0x133: {  	v24 =	vand.u32 $0x7F, v24;
	v6 =	vor.u32 v54, v6;
	v57 =	vadd.f32 v49, v46;
	v39 =	vld.idx.msk [tilespmem:v63+s15+$0x0], $0xffff  }
0x134: {  	v4 =	vand.u32 $0xFFFFFF80, v4;
	v24 =	vor.u32 v24, v29;
	v61 =	vadd.f32 v51, v35;
	v56 =	vld [tilespmem:s16+$0x16620]  }
0x135: {  	v26 =	vadd.f32 v30, v26;
	v27 =	vadd.f32 v31, v27;
	v4 =	vadd.s32 v22, v4;
	[tilespmem:s18+$0xFFFFFEA0] =	vst v57;
	v58 =	vld [tilespmem:s24+$0x16620]  }
0x136: {  	v8 =	vadd.s32 v3, v8;
	v4 =	vor.u32 v53, v4;
	v60 =	vadd.f32 v50, v34;
	v34 =	vld [tilespmem:s7+$0x16630];
	[tilespmem:s18+$0xFFFFFFA0] =	vst v61  }
0x137: {  	v5 =	vadd.s32 v3, v5;
	v45 =	vand.u32 $0xFFFFFF80, v8;
	v49 =	vadd.s32 v3, v16;
	v47 =	vld [tilespmem:s21+$0x16630]  }
0x138: {  	v16 =	vand.u32 $0x7F, v49;
	v63 =	vadd.s32 v3, v9;
	v30 =	vadd.f32 v52, v48;
	v6 =	vld.idx.msk [tilespmem:v6+s15+$0x0], $0xffff  }
0x139: {  	v52 =	vand.u32 $0x7F, v5;
	v5 =	vand.u32 $0xFFFFFF80, v5;
	v9 =	vand.u32 $0xFFFFFF80, v63;
	[tilespmem:s18+$0xFFFFFF20] =	vst v60;
	v60 =	vld.idx.msk [tilespmem:v24+s15+$0x0], $0xffff  }
0x13a: {  	[tilespmem:s1+$0xFFFFFF30] =	vst v28;
	v48 =	vadd.s32 v3, v7;
	v5 =	vadd.s32 v23, v5;
	v9 =	vadd.s32 v14, v9;
	v31 =	vld [tilespmem:s20+$0x16630]  }
0x13b: {  	v55 =	vand.u32 $0x7F, v63;
	[tilespmem:s18+$0x20] =	vst v30;
	v29 =	vadd.f32 v59, v38;
	v5 =	vor.u32 v52, v5;
	v4 =	vld.idx.msk [tilespmem:v4+s15+$0x0], $0xffff  }
0x13c: {  	[tilespmem:s1+$0xFFFFFFB0] =	vst v25;
	v59 =	vand.u32 $0xFFFFFF80, v49;
	v9 =	vor.u32 v55, v9;
	v51 =	vld [tilespmem:s22+$0x16630];
	v46 =	vadd.f32 v56, v37  }
0x13d: {  	v7 =	vand.u32 $0xFFFFFF80, v48;
	v11 =	vadd.s32 v11, v59;
	v50 =	vadd.f32 v58, v39;
	[tilespmem:s18+$0xFFFFFE20] =	vst v29;
	v58 =	vld.idx.msk [tilespmem:v18+s15+$0x0], $0xffff  }
0x13e: {  	v7 =	vadd.s32 v12, v7;
	v56 =	vand.u32 $0x7F, v48;
	v11 =	vor.u32 v16, v11;
	v57 =	vld [tilespmem:s14+$0x16630];
	[tilespmem:s18+$0xA0] =	vst v46  }
0x13f: {  	[tilespmem:s1+$0xFFFFFEB0] =	vst v26;
	v8 =	vand.u32 $0x7F, v8;
	v10 =	vadd.s32 v10, v45;
	v7 =	vor.u32 v56, v7;
	v32 =	vld [tilespmem:s16+$0x16630]  }
0x140: {  	v13 =	vadd.f32 v13, v19;
	[tilespmem:s1+$0x30] =	vst v27;
	v8 =	vor.u32 v8, v10;
	v5 =	vld.idx.msk [tilespmem:v5+s15+$0x0], $0xffff  }
0x141: {  	v61 =	vadd.f32 v15, v20;
	[tilespmem:s18+$0x120] =	vst v50;
	v9 =	vld.idx.msk [tilespmem:v9+s15+$0x0], $0xffff  }
0x142: {  	[tilespmem:s1+$0xB0] =	vst v13;
	v62 =	vadd.f32 v33, v60;
	v30 =	vld [tilespmem:s24+$0x16630]  }
0x143: {  	[tilespmem:s1+$0x130] =	vst v61;
	v4 =	vadd.f32 v31, v4;
	v11 =	vld.idx.msk [tilespmem:v11+s15+$0x0], $0xffff  }
0x144: {  	[tilespmem:s18+$0x1B0] =	vst v62;
	v14 =	vadd.f32 v17, v58;
	v7 =	vld.idx.msk [tilespmem:v7+s15+$0x0], $0xffff  }
0x145: {  	v8 =	vld.idx.msk [tilespmem:v8+s15+$0x0], $0xffff;
	[tilespmem:s18+$0xFFFFFF30] =	vst v4;
	v5 =	vadd.f32 v34, v5  }
0x146: {  	[tilespmem:s1+$0xFFFFFE30] =	vst v14;
	v4 =	vadd.f32 v51, v9  }
0x147: {  	[tilespmem:s18+$0xFFFFFEB0] =	vst v5;
	v5 =	vadd.f32 v47, v6  }
0x148: {  	[tilespmem:s18+$0x30] =	vst v4;
	v4 =	vadd.f32 v30, v11  }
0x149: {  	[tilespmem:s18+$0xFFFFFFB0] =	vst v5;
	v5 =	vadd.f32 v32, v7  }
0x14a: {  	p0 =	sne.s32 s30, $0x63;
	v63 =	vadd.f32 v57, v8;
	[tilespmem:s18+$0x130] =	vst v4  }
.Ltmp1:
0x14b: {  	[tilespmem:s18+$0xB0] =	vst v5;
	(pc) =	sbr.rel @p0 .LBB2_6-.Ltmp1, $4  }
0x14c: {  	s25 =	rddreg [dreg:$0x11];
	[tilespmem:s18+$0xFFFFFE30] =	vst v63  }
0x14d: {  	s0 =	sshll.u32 s25, $0x4;
	s1 =	rddreg [dreg:$0x8]  }
0x14e: {  	s28 =	simm.s32 $0xE600;
	s26 =	simm.s32 $0x0;
	s0 =	sadd.s32 s1, s0  }
0x14f: {  	[hbm4b:s0+s26] =	stream.linear.scatter [tilespmem:s28], [sflag:$0x3], $0x4000, $0x38;
	[tilespmem:$0x19800] =	vst v63  }
.Ltmp2:
0x150: {  	(pc) =	sbr.rel .LBB2_7-.Ltmp2, $4  }
0x151: {  	s0 =	simm.s32 $0x2  }
0x152: {  	_ =	swait.ge [sflag:s0], $0x4000  }
0x153: {  	[sflag:s0] =	ssyncset.done $0x0  }
0x154: {  	[sflag:s0] =	ssyncadd.s32 $0xFFFFC000  }
.LBB2_6:
0x155: {  	v4 =	vld [tilespmem:s31+$0x100];
	_ =	sdelay $0x4  }
0x156: {  	v5 =	vshrl.u32 v4, $0x1;
	v4 =	vshll.u32 v4, $0x6  }
0x157: {  	[tilespmem:$0x6400] =	vst v5;
	v4 =	vand.u32 $0x40, v4  }
0x158: {  	[tilespmem:$0x6500] =	vst v4  }
0x159: {  	v4 =	vld [tilespmem:s31+$0x110];
	_ =	sdelay $0x4  }
0x15a: {  	v5 =	vshrl.u32 v4, $0x1;
	v4 =	vshll.u32 v4, $0x6  }
0x15b: {  	[tilespmem:$0x6410] =	vst v5;
	v4 =	vand.u32 $0x40, v4  }
0x15c: {  	[tilespmem:$0x6510] =	vst v4  }
0x15d: {  	v4 =	vld [tilespmem:s31+$0x120];
	_ =	sdelay $0x4  }
0x15e: {  	v5 =	vshrl.u32 v4, $0x1;
	v4 =	vshll.u32 v4, $0x6  }
0x15f: {  	[tilespmem:$0x6420] =	vst v5;
	v4 =	vand.u32 $0x40, v4  }
0x160: {  	[tilespmem:$0x6520] =	vst v4  }
0x161: {  	v4 =	vld [tilespmem:s31+$0x130];
	_ =	sdelay $0x4  }
0x162: {  	v5 =	vshrl.u32 v4, $0x1;
	v4 =	vshll.u32 v4, $0x6  }
0x163: {  	[tilespmem:$0x6430] =	vst v5;
	v4 =	vand.u32 $0x40, v4  }
0x164: {  	[tilespmem:$0x6530] =	vst v4  }
0x165: {  	v4 =	vld [tilespmem:s31+$0x140];
	_ =	sdelay $0x4  }
0x166: {  	v5 =	vshrl.u32 v4, $0x1;
	v4 =	vshll.u32 v4, $0x6  }
0x167: {  	[tilespmem:$0x6440] =	vst v5;
	v4 =	vand.u32 $0x40, v4  }
0x168: {  	[tilespmem:$0x6540] =	vst v4  }
0x169: {  	v4 =	vld [tilespmem:s31+$0x150];
	_ =	sdelay $0x4  }
0x16a: {  	v5 =	vshrl.u32 v4, $0x1;
	v4 =	vshll.u32 v4, $0x6  }
0x16b: {  	[tilespmem:$0x6450] =	vst v5;
	v4 =	vand.u32 $0x40, v4  }
0x16c: {  	[tilespmem:$0x6550] =	vst v4  }
0x16d: {  	v4 =	vld [tilespmem:s31+$0x160];
	_ =	sdelay $0x4  }
0x16e: {  	v5 =	vshrl.u32 v4, $0x1;
	v4 =	vshll.u32 v4, $0x6  }
0x16f: {  	[tilespmem:$0x6460] =	vst v5;
	v4 =	vand.u32 $0x40, v4  }
0x170: {  	[tilespmem:$0x6560] =	vst v4  }
0x171: {  	v4 =	vld [tilespmem:s31+$0x170];
	_ =	sdelay $0x4  }
0x172: {  	v5 =	vshrl.u32 v4, $0x1;
	v4 =	vshll.u32 v4, $0x6  }
0x173: {  	s0 =	rddreg [dreg:$0x6];
	[tilespmem:$0x6470] =	vst v5;
	v4 =	vand.u32 $0x40, v4  }
0x174: {  	s1 =	simm.s32 $0x80;
	s2 =	simm.s32 $0x6400;
	s28 =	simm.s32 $0x2;
	[tilespmem:$0x6570] =	vst v4  }
0x175: {  	[tilespmem:s15], [sflag:$0x1] =	stream.indirect.gather [hbm4b:s0+s1], $0x80, s2, s1, $0xb8;
	[tilespmem:$0x19800] =	vst v63  }
0x176: {  	_ =	swait.ge [sflag:s28], $0x4000  }
0x177: {  	s31 =	sld [smem:$0x7FD];
	_ =	sdelay $0x2  }
0x178: {  	p0 =	seq.s32 s31, $0x1  }
.Ltmp3:
0x179: {  	_ = 	snop;
	(pc) =	sbr.rel @p0 .LBB2_8-.Ltmp3, $3  }
0x17a: {  	_ =	sdelay $0x1  }
0x17b: {  	[sflag:s28] =	ssyncset.done $0x0  }
0x17c: {  	[sflag:s28] =	ssyncadd.s32 $0xFFFFC000  }
.LBB2_7:
0x17d: {  	s0 =	simm.s32 $0x4  }
0x17e: {  	_ =	swait.ge [sflag:s0], $0x4000  }
0x17f: {  	[sflag:s0] =	ssyncset.done $0x0  }
0x180: {  	[sflag:s0] =	ssyncadd.s32 $0xFFFFC000  }
.LBB2_8:
0x181: {  	s0 =	simm.s32 $0x0  }
0x182: {  	s1 =	simm.s32 $0x1;
	v4 =	vmov s0  }
0x183: {  	s8 =	simm.s32 $0x2;
	v5 =	vmov s1  }
0x184: {  	s9 =	simm.s32 $0x3;
	v6 =	vmov s8  }
0x185: {  	s10 =	simm.s32 $0x4;
	v7 =	vmov s9  }
0x186: {  	s11 =	simm.s32 $0x5;
	v8 =	vmov s10  }
0x187: {  	s12 =	simm.s32 $0x6;
	v9 =	vmov s11;
	v29 =	vld.idx.msk [tilespmem:v4+s23+$0x0], $0xffff  }
0x188: {  	s13 =	simm.s32 $0x7;
	v18 =	vmov s12;
	v17 =	vld.idx.msk [tilespmem:v5+s23+$0x0], $0xffff  }
0x189: {  	v31 =	vmov s13;
	v26 =	vld.idx.msk [tilespmem:v6+s23+$0x0], $0xffff  }
0x18a: {  	v23 =	vld.idx.msk [tilespmem:v7+s23+$0x0], $0xffff  }
0x18b: {  	s14 =	simm.s32 $0x9;
	s2 =	simm.s32 $0xA;
	v24 =	vld.idx.msk [tilespmem:v8+s23+$0x0], $0xffff  }
0x18c: {  	s16 =	simm.s32 $0xB;
	s3 =	simm.s32 $0xC;
	s1 =	simm.s32 $0x8;
	v11 =	vmov s14;
	v12 =	vmov s2;
	v25 =	vld.idx.msk [tilespmem:v9+s23+$0x0], $0xffff  }
0x18d: {  	s20 =	rddreg [dreg:$0x4];
	v14 =	vmov s16;
	v15 =	vmov s3;
	v10 =	vmov s1;
	v28 =	vld.idx.msk [tilespmem:v18+s23+$0x0], $0xffff  }
0x18e: {  	s0 =	sadd.s32 $0x0, s20;
	v27 =	vshll.u32 v4, $0x7;
	v22 =	vshll.u32 v5, $0x7;
	v21 =	vshll.u32 v6, $0x7;
	v30 =	vld.idx.msk [tilespmem:v31+s23+$0x0], $0xffff  }
0x18f: {  	v20 =	vshll.u32 v7, $0x7;
	v16 =	vshll.u32 v8, $0x7;
	v19 =	vshll.u32 v9, $0x7;
	s21 =	sadd.s32 $0x87, s0;
	s22 =	sadd.s32 $0x80, s0;
	s24 =	sadd.s32 $0x81, s0  }
0x190: {  	s4 =	sadd.s32 $0x82, s0;
	s5 =	sadd.s32 $0x83, s0;
	s6 =	sadd.s32 $0x84, s0;
	v18 =	vshll.u32 v18, $0x7;
	v31 =	vshll.u32 v31, $0x7;
	v4 =	vadd.s32 v0, v29  }
0x191: {  	s7 =	sadd.s32 $0x85, s0;
	s0 =	sadd.s32 $0x86, s0;
	s3 =	sshll.u32 s21, $0x8;
	v6 =	vadd.s32 v0, v17;
	v9 =	vadd.s32 v0, v26;
	v32 =	vadd.s32 v0, v23  }
0x192: {  	p0 =	slt.u32 s21, $0xC8;
	s8 =	sshll.u32 s22, $0x8;
	p2 =	slt.u32 s22, $0xC8;
	v33 =	vadd.s32 v0, v24;
	v34 =	vadd.s32 v0, v25;
	v35 =	vadd.s32 v0, v28  }
0x193: {  	p5 =	slt.u32 s24, $0xC8;
	p4 =	slt.u32 s4, $0xC8;
	p3 =	slt.u32 s5, $0xC8;
	v54 =	vadd.s32 v1, v30;
	v56 =	vadd.s32 v1, v29;
	v58 =	vadd.s32 v1, v17  }
0x194: {  	s10 =	sshll.u32 s6, $0x8;
	p1 =	slt.u32 s6, $0xC8;
	s2 =	sadd.s32 $0xFFFF3800, s3;
	v59 =	vadd.s32 v1, v26;
	v60 =	vadd.s32 v1, v23;
	v46 =	vadd.s32 v1, v24  }
0x195: {  	s6 =	sshll.u32 s7, $0x8;
	s2 =	smov.u32 @p0 s3;
	s3 =	sshll.u32 s4, $0x8;
	v47 =	vadd.s32 v1, v25;
	v48 =	vadd.s32 v1, v28;
	v5 =	vand.u32 $0xFFFFFF80, v4  }
0x196: {  	s4 =	sshll.u32 s5, $0x8;
	s5 =	sadd.s32 $0xFFFF3800, s8;
	p0 =	slt.u32 s7, $0xC8;
	v7 =	vand.u32 $0x7F, v4;
	v37 =	vand.u32 $0x7F, v6;
	v4 =	vadd.s32 v0, v30  }
0x197: {  	s7 =	sshll.u32 s0, $0x8;
	s14 =	sshra.s32 s2, $0x2;
	s2 =	sshll.u32 s24, $0x8;
	v38 =	vand.u32 $0x7F, v9;
	v39 =	vand.u32 $0x7F, v32;
	v41 =	vand.u32 $0x7F, v33  }
0x198: {  	s5 =	smov.u32 @p2 s8;
	p2 =	slt.u32 s0, $0xC8;
	s0 =	sadd.s32 $0xFFFF3800, s2;
	v42 =	vand.u32 $0x7F, v34;
	v43 =	vand.u32 $0x7F, v35;
	v44 =	vand.u32 $0xFFFFFF80, v6  }
0x199: {  	s0 =	smov.u32 @p5 s2;
	s2 =	sadd.s32 $0xFFFF3800, s3;
	v45 =	vand.u32 $0xFFFFFF80, v9;
	v32 =	vand.u32 $0xFFFFFF80, v32;
	v33 =	vand.u32 $0xFFFFFF80, v33  }
0x19a: {  	v8 =	vld.idx.msk [tilespmem:v10+s23+$0x0], $0xffff;
	s2 =	smov.u32 @p4 s3;
	v34 =	vand.u32 $0xFFFFFF80, v34;
	v35 =	vand.u32 $0xFFFFFF80, v35;
	v55 =	vand.u32 $0xFFFFFF80, v54  }
0x19b: {  	v53 =	vld [tilespmem:s14+$0x16600];
	s12 =	sshra.s32 s2, $0x2;
	v57 =	vand.u32 $0xFFFFFF80, v56;
	v49 =	vand.u32 $0x7F, v58;
	v61 =	vand.u32 $0x7F, v59  }
0x19c: {  	v62 =	vld [tilespmem:s12+$0x16600];
	v50 =	vand.u32 $0x7F, v60;
	v63 =	vand.u32 $0xFFFFFF80, v48;
	v36 =	vadd.s32 v27, v5  }
0x19d: {  	v6 =	vld.idx.msk [tilespmem:v14+s23+$0x0], $0xffff;
	v5 =	vand.u32 $0xFFFFFF80, v4;
	v4 =	vand.u32 $0x7F, v4;
	v51 =	vadd.s32 v21, v45  }
0x19e: {  	s3 =	sadd.s32 $0xFFFF3800, s4;
	v9 =	vld.idx.msk [tilespmem:v15+s23+$0x0], $0xffff;
	v32 =	vadd.s32 v20, v32;
	v33 =	vadd.s32 v16, v33;
	v34 =	vadd.s32 v19, v34  }
0x19f: {  	s5 =	sshra.s32 s5, $0x2;
	s3 =	smov.u32 @p3 s4;
	v35 =	vadd.s32 v18, v35;
	v40 =	vadd.s32 v31, v5;
	v5 =	vld.idx.msk [tilespmem:v11+s23+$0x0], $0xffff;
	v36 =	vor.u32 v7, v36  }
0x1a0: {  	s11 =	sshra.s32 s3, $0x2;
	v38 =	vor.u32 v38, v51;
	v34 =	vor.u32 v42, v34;
	v42 =	vadd.s32 v31, v55;
	v55 =	vld [tilespmem:s5+$0x16600]  }
0x1a1: {  	s9 =	sshra.s32 s0, $0x2;
	s0 =	sadd.s32 $0xFFFF3800, s10;
	v7 =	vadd.s32 v22, v44;
	v44 =	vand.u32 $0xFFFFFF80, v58;
	v58 =	vld [tilespmem:s11+$0x16600];
	v40 =	vor.u32 v4, v40  }
0x1a2: {  	s0 =	smov.u32 @p1 s10;
	v32 =	vor.u32 v39, v32;
	v33 =	vor.u32 v41, v33;
	v41 =	vand.u32 $0x7F, v54;
	v4 =	vld.idx.msk [tilespmem:v12+s23+$0x0], $0xffff  }
0x1a3: {  	s10 =	sshra.s32 s0, $0x2;
	v41 =	vor.u32 v41, v42;
	v42 =	vadd.s32 v27, v57;
	v57 =	vld [tilespmem:s9+$0x16600];
	v44 =	vadd.s32 v22, v44  }
0x1a4: {  	v45 =	vand.u32 $0xFFFFFF80, v59;
	v37 =	vor.u32 v37, v7;
	v44 =	vor.u32 v49, v44;
	v49 =	vld [tilespmem:s10+$0x16600]  }
0x1a5: {  	v59 =	vadd.s32 v18, v63;
	v35 =	vor.u32 v43, v35;
	v43 =	vand.u32 $0x7F, v56;
	v38 =	vld.idx.msk [tilespmem:v38+s17+$0x0], $0xffff  }
0x1a6: {  	v51 =	vand.u32 $0x7F, v46;
	v54 =	vadd.s32 v2, v30;
	v46 =	vand.u32 $0xFFFFFF80, v46;
	v52 =	vld.idx.msk [tilespmem:v40+s17+$0x0], $0xffff  }
0x1a7: {  	v45 =	vadd.s32 v21, v45;
	v30 =	vadd.s32 v3, v30;
	v56 =	vand.u32 $0xFFFFFF80, v54;
	v32 =	vld.idx.msk [tilespmem:v32+s17+$0x0], $0xffff  }
0x1a8: {  	v54 =	vand.u32 $0x7F, v54;
	v46 =	vadd.s32 v16, v46;
	v56 =	vadd.s32 v31, v56;
	v33 =	vld.idx.msk [tilespmem:v33+s17+$0x0], $0xffff  }
0x1a9: {  	v42 =	vor.u32 v43, v42;
	v54 =	vor.u32 v54, v56;
	v37 =	vld.idx.msk [tilespmem:v37+s17+$0x0], $0xffff;
	v40 =	vand.u32 $0xFFFFFF80, v60  }
0x1aa: {  	s2 =	sadd.s32 $0xFFFF3800, s6;
	v56 =	vadd.s32 v2, v17;
	v36 =	vld.idx.msk [tilespmem:v36+s17+$0x0], $0xffff;
	v60 =	vor.u32 v51, v46;
	v40 =	vadd.s32 v20, v40  }
0x1ab: {  	s2 =	smov.u32 @p0 s6;
	v34 =	vld.idx.msk [tilespmem:v34+s17+$0x0], $0xffff;
	v40 =	vor.u32 v50, v40;
	v38 =	vadd.f32 v62, v38;
	v39 =	vadd.f32 v53, v52  }
0x1ac: {  	s31 =	simm.s32 $0x12800;
	s8 =	sshra.s32 s2, $0x2;
	v35 =	vld.idx.msk [tilespmem:v35+s17+$0x0], $0xffff;
	v32 =	vadd.f32 v58, v32;
	v52 =	vand.u32 $0x7F, v47;
	v47 =	vand.u32 $0xFFFFFF80, v47  }
0x1ad: {  	s3 =	sadd.s32 $0xFFFF3800, s7;
	v33 =	vadd.f32 v49, v33;
	v47 =	vadd.s32 v19, v47;
	[tilespmem:s31+$0x180] =	vst v39;
	v39 =	vor.u32 v61, v45;
	v45 =	vld [tilespmem:s8+$0x16600]  }
0x1ae: {  	s3 =	smov.u32 @p2 s7;
	v37 =	vadd.f32 v57, v37;
	v63 =	vor.u32 v52, v47;
	v52 =	vand.u32 $0xFFFFFF80, v30;
	v41 =	vld.idx.msk [tilespmem:v41+s17+$0x0], $0xffff  }
0x1af: {  	s7 =	sshra.s32 s3, $0x2;
	v61 =	vand.u32 $0x7F, v48;
	v30 =	vand.u32 $0x7F, v30;
	v53 =	vld [tilespmem:s14+$0x16610];
	v31 =	vadd.s32 v31, v52  }
0x1b0: {  	v57 =	vld [tilespmem:s7+$0x16600];
	[tilespmem:s31+$0xFFFFFE80] =	vst v37;
	v30 =	vor.u32 v30, v31;
	v31 =	vadd.f32 v55, v36;
	v36 =	vand.u32 $0xFFFFFF80, v56  }
0x1b1: {  	[tilespmem:s31+$0x0] =	vst v33;
	v44 =	vld.idx.msk [tilespmem:v44+s17+$0x0], $0xffff;
	v51 =	vor.u32 v61, v59;
	v59 =	vand.u32 $0x7F, v56;
	v36 =	vadd.s32 v22, v36  }
0x1b2: {  	[tilespmem:s31+$0xFFFFFF00] =	vst v38;
	v36 =	vor.u32 v59, v36;
	v59 =	vld [tilespmem:s10+$0x16610]  }
0x1b3: {  	[tilespmem:s31+$0xFFFFFF80] =	vst v32;
	v39 =	vld.idx.msk [tilespmem:v39+s17+$0x0], $0xffff  }
0x1b4: {  	[tilespmem:s31+$0xFFFFFE00] =	vst v31;
	v41 =	vadd.f32 v53, v41;
	v53 =	vadd.f32 v45, v34;
	v34 =	vld.idx.msk [tilespmem:v40+s17+$0x0], $0xffff  }
0x1b5: {  	v58 =	vadd.s32 v2, v23;
	v40 =	vld.idx.msk [tilespmem:v42+s17+$0x0], $0xffff  }
0x1b6: {  	v61 =	vand.u32 $0x7F, v58;
	v42 =	vand.u32 $0xFFFFFF80, v58;
	v58 =	vld [tilespmem:s11+$0x16610];
	[tilespmem:s31+$0x190] =	vst v41  }
0x1b7: {  	v62 =	vld.idx.msk [tilespmem:v54+s17+$0x0], $0xffff  }
0x1b8: {  	v38 =	vadd.s32 v2, v26;
	v31 =	vadd.s32 v2, v29;
	v48 =	vld [tilespmem:s14+$0x16620]  }
0x1b9: {  	v42 =	vadd.s32 v20, v42;
	[tilespmem:s31+$0x80] =	vst v53;
	v54 =	vadd.f32 v57, v35;
	v35 =	vld.idx.msk [tilespmem:v60+s17+$0x0], $0xffff  }
0x1ba: {  	v32 =	vld.idx.msk [tilespmem:v63+s17+$0x0], $0xffff;
	v57 =	vand.u32 $0xFFFFFF80, v31;
	v60 =	vand.u32 $0x7F, v38;
	v38 =	vand.u32 $0xFFFFFF80, v38  }
0x1bb: {  	v42 =	vor.u32 v61, v42;
	v41 =	vadd.s32 v27, v57;
	v57 =	vld [tilespmem:s12+$0x16610];
	v38 =	vadd.s32 v21, v38  }
0x1bc: {  	v43 =	vadd.s32 v2, v25;
	v25 =	vadd.s32 v3, v25;
	[tilespmem:s31+$0x100] =	vst v54;
	v38 =	vor.u32 v60, v38;
	v60 =	vld [tilespmem:s8+$0x16610]  }
0x1bd: {  	v23 =	vadd.s32 v3, v23;
	v33 =	vadd.s32 v2, v24;
	v34 =	vadd.f32 v58, v34;
	v37 =	vld.idx.msk [tilespmem:v51+s17+$0x0], $0xffff  }
0x1be: {  	v26 =	vadd.s32 v3, v26;
	v45 =	vadd.s32 v2, v28;
	v55 =	vadd.f32 v48, v62;
	v62 =	vld [tilespmem:s9+$0x16610]  }
0x1bf: {  	v56 =	vand.u32 $0x7F, v23;
	v29 =	vadd.s32 v3, v29;
	v53 =	vand.u32 $0x7F, v45;
	v61 =	vld [tilespmem:s7+$0x16610];
	[tilespmem:s31+$0xFFFFFF90] =	vst v34  }
0x1c0: {  	v45 =	vand.u32 $0xFFFFFF80, v45;
	v63 =	vand.u32 $0x7F, v43;
	v43 =	vand.u32 $0xFFFFFF80, v43;
	v34 =	vld.idx.msk [tilespmem:v42+s17+$0x0], $0xffff  }
0x1c1: {  	v43 =	vadd.s32 v19, v43;
	v35 =	vadd.f32 v59, v35;
	[tilespmem:s31+$0x1A0] =	vst v55;
	v32 =	vadd.f32 v60, v32;
	v60 =	vld [tilespmem:s11+$0x16620]  }
0x1c2: {  	v54 =	vand.u32 $0x7F, v26;
	v26 =	vand.u32 $0xFFFFFF80, v26;
	v39 =	vadd.f32 v57, v39;
	v30 =	vld.idx.msk [tilespmem:v30+s17+$0x0], $0xffff  }
0x1c3: {  	v51 =	vand.u32 $0x7F, v33;
	v33 =	vand.u32 $0xFFFFFF80, v33;
	[tilespmem:s31+$0x10] =	vst v35;
	v48 =	vld [tilespmem:s14+$0x16630];
	v44 =	vadd.f32 v62, v44  }
0x1c4: {  	v43 =	vor.u32 v63, v43;
	v21 =	vadd.s32 v21, v26;
	v33 =	vadd.s32 v16, v33;
	[tilespmem:s31+$0xFFFFFF10] =	vst v39;
	v26 =	vld [tilespmem:s10+$0x16620]  }
0x1c5: {  	v23 =	vand.u32 $0xFFFFFF80, v23;
	v63 =	vadd.s32 v18, v45;
	v33 =	vor.u32 v51, v33;
	v38 =	vld.idx.msk [tilespmem:v38+s17+$0x0], $0xffff;
	[tilespmem:s31+$0xFFFFFE90] =	vst v44  }
0x1c6: {  	v20 =	vadd.s32 v20, v23;
	v31 =	vand.u32 $0x7F, v31;
	v46 =	vor.u32 v53, v63;
	v36 =	vld.idx.msk [tilespmem:v36+s17+$0x0], $0xffff  }
0x1c7: {  	v53 =	vand.u32 $0xFFFFFF80, v29;
	v51 =	vadd.s32 v3, v17;
	v49 =	vadd.f32 v61, v37;
	v55 =	vld [tilespmem:s9+$0x16620]  }
0x1c8: {  	v37 =	vadd.s32 v27, v53;
	v27 =	vand.u32 $0x7F, v51;
	[tilespmem:s31+$0x90] =	vst v32;
	v32 =	vand.u32 $0xFFFFFF80, v51;
	v62 =	vld [tilespmem:s5+$0x16610]  }
0x1c9: {  	v61 =	vor.u32 v56, v20;
	v20 =	vand.u32 $0xFFFFFF80, v25;
	v58 =	vld [tilespmem:s12+$0x16620];
	v22 =	vadd.s32 v22, v32  }
0x1ca: {  	s18 =	simm.s32 $0xD;
	v19 =	vadd.s32 v19, v20;
	v33 =	vld.idx.msk [tilespmem:v33+s17+$0x0], $0xffff;
	v22 =	vor.u32 v27, v22;
	v20 =	vadd.f32 v60, v34  }
0x1cb: {  	s25 =	simm.s32 $0xE;
	v13 =	vmov s18;
	v31 =	vor.u32 v31, v41;
	v52 =	vld.idx.msk [tilespmem:v43+s17+$0x0], $0xffff;
	[tilespmem:s31+$0x110] =	vst v49;
	v30 =	vadd.f32 v48, v30  }
0x1cc: {  	v24 =	vadd.s32 v3, v24;
	v17 =	vmov s25;
	v23 =	vld [tilespmem:s8+$0x16620];
	[tilespmem:s31+$0xFFFFFFA0] =	vst v20;
	v27 =	vadd.f32 v55, v36  }
0x1cd: {  	v57 =	vand.u32 $0x7F, v24;
	v24 =	vand.u32 $0xFFFFFF80, v24;
	v35 =	vld.idx.msk [tilespmem:v46+s17+$0x0], $0xffff;
	v50 =	vadd.f32 v62, v40;
	[tilespmem:s31+$0x1B0] =	vst v30  }
0x1ce: {  	v59 =	vand.u32 $0x7F, v25;
	v16 =	vadd.s32 v16, v24;
	v24 =	vld [tilespmem:s7+$0x16620];
	v25 =	vadd.f32 v58, v38;
	[tilespmem:s31+$0xFFFFFEA0] =	vst v27  }
0x1cf: {  	v21 =	vor.u32 v54, v21;
	[tilespmem:s31+$0xFFFFFE10] =	vst v50;
	v27 =	vld.idx.msk [tilespmem:v22+s17+$0x0], $0xffff;
	v22 =	vadd.f32 v26, v33  }
0x1d0: {  	[tilespmem:s31+$0xFFFFFF20] =	vst v25;
	v31 =	vld.idx.msk [tilespmem:v31+s17+$0x0], $0xffff  }
0x1d1: {  	v28 =	vadd.s32 v3, v28;
	v62 =	vor.u32 v57, v16;
	v30 =	vld [tilespmem:s5+$0x16620];
	[tilespmem:s31+$0x20] =	vst v22  }
0x1d2: {  	v7 =	vld.idx.msk [tilespmem:v13+s23+$0x0], $0xffff;
	v63 =	vand.u32 $0x7F, v28;
	v28 =	vand.u32 $0xFFFFFF80, v28;
	s26 =	rddreg [dreg:$0x5]  }
0x1d3: {  	v18 =	vadd.s32 v18, v28;
	v16 =	vld.idx.msk [tilespmem:v17+s23+$0x0], $0xffff;
	s28 =	rddreg [dreg:$0xf]  }
0x1d4: {  	v19 =	vor.u32 v59, v19;
	v25 =	vand.u32 $0x7F, v29;
	v28 =	vld.idx.msk [tilespmem:v21+s17+$0x0], $0xffff;
	v21 =	vadd.f32 v23, v52;
	s0 =	sadd.s32 s26, s28  }
0x1d5: {  	v20 =	vor.u32 v63, v18;
	v18 =	vor.u32 v25, v37;
	v25 =	vld.idx.msk [tilespmem:v61+s17+$0x0], $0xffff;
	[dreg:$0x10] =	wrdreg s0  }
0x1d6: {  	s2 =	simm.s32 $0xF;
	s25 =	simm.s32 $0x10;
	v34 =	vadd.f32 v24, v35;
	v23 =	vadd.f32 v30, v31;
	v26 =	vld.idx.msk [tilespmem:v62+s17+$0x0], $0xffff;
	[tilespmem:s31+$0xA0] =	vst v21  }
.LBB2_9:
0x1d7: {  	_ = 	snop  }
0x1d8: {  	v29 =	vmov s2  }
0x1d9: {  	v30 =	vld.idx.msk [tilespmem:v19+s17+$0x0], $0xffff;
	v24 =	vshll.u32 v10, $0x7;
	v10 =	vmov s25;
	v22 =	vshll.u32 v12, $0x7  }
0x1da: {  	v38 =	vld [tilespmem:s9+$0x16630];
	v21 =	vshll.u32 v14, $0x7;
	v40 =	vadd.s32 v0, v5;
	v61 =	vadd.s32 v0, v4  }
0x1db: {  	s3 =	sadd.s32 $0x1, s25;
	s21 =	sadd.s32 $0x3, s25;
	v39 =	vld [tilespmem:s12+$0x16630];
	v41 =	vadd.s32 v0, v6;
	v42 =	vadd.s32 v0, v9;
	v44 =	vadd.s32 v0, v7;
	[tilespmem:s31+$0x120] =	vst v34  }
0x1dc: {  	s4 =	sadd.s32 $0x4, s25;
	s22 =	sadd.s32 $0x5, s25;
	s24 =	sadd.s32 $0x6, s25;
	v43 =	vld [tilespmem:s10+$0x16630];
	v45 =	vadd.s32 v0, v16;
	v19 =	vmov s3;
	[tilespmem:s31+$0xFFFFFE20] =	vst v23;
	v31 =	vmov s21  }
0x1dd: {  	v33 =	vmov s4;
	v36 =	vmov s22;
	v37 =	vmov s24;
	v34 =	vld.idx.msk [tilespmem:v20+s17+$0x0], $0xffff  }
0x1de: {  	s26 =	rddreg [dreg:$0x4];
	v23 =	vshll.u32 v11, $0x7;
	v47 =	vand.u32 $0x7F, v40;
	v48 =	vand.u32 $0x7F, v61;
	v35 =	vld.idx.msk [tilespmem:v18+s17+$0x0], $0xffff  }
0x1df: {  	s20 =	sadd.s32 $0x2, s25;
	v49 =	vand.u32 $0x7F, v41;
	s2 =	sadd.s32 s1, s26;
	v55 =	vand.u32 $0xFFFFFF80, v61;
	v56 =	vand.u32 $0xFFFFFF80, v41;
	v63 =	vld [tilespmem:s7+$0x16630]  }
0x1e0: {  	v61 =	vand.u32 $0xFFFFFF80, v45;
	v20 =	vmov s20;
	v14 =	vmovc v31;
	v31 =	vadd.s32 v0, v8;
	v51 =	vld [tilespmem:s5+$0x16630];
	s28 =	sadd.s32 $0x87, s2  }
0x1e1: {  	v11 =	vmovc v19;
	v19 =	vshll.u32 v15, $0x7;
	v59 =	vand.u32 $0xFFFFFF80, v31;
	v60 =	vand.u32 $0x7F, v31;
	v31 =	vld [tilespmem:s11+$0x16630];
	s4 =	sshll.u32 s28, $0x8  }
0x1e2: {  	v18 =	vshll.u32 v17, $0x7;
	v15 =	vmovc v33;
	v33 =	vshll.u32 v29, $0x7;
	v12 =	vmovc v20;
	p1 =	slt.u32 s28, $0xC8;
	v46 =	vadd.s32 v24, v59;
	s3 =	sadd.s32 $0xFFFF3800, s4  }
0x1e3: {  	v20 =	vshll.u32 v13, $0x7;
	v13 =	vmovc v36;
	v32 =	vld.idx.msk [tilespmem:v29+s23+$0x0], $0xffff;
	v29 =	vadd.f32 v43, v26;
	v36 =	vor.u32 v60, v46;
	s3 =	smov.u32 @p1 s4  }
0x1e4: {  	v62 =	vld [tilespmem:s8+$0x16630];
	s5 =	sadd.s32 $0x81, s2;
	v41 =	vadd.s32 v18, v61;
	v27 =	vadd.f32 v38, v27;
	v28 =	vadd.f32 v39, v28;
	s14 =	sshra.s32 s3, $0x2  }
0x1e5: {  	s10 =	sshll.u32 s5, $0x8;
	v38 =	vand.u32 $0x7F, v45;
	[tilespmem:s31+$0x30] =	vst v29;
	v29 =	vadd.f32 v63, v34;
	v35 =	vadd.f32 v51, v35;
	v63 =	vld [tilespmem:s14+$0x16600]  }
0x1e6: {  	v50 =	vand.u32 $0x7F, v42;
	p5 =	slt.u32 s5, $0xC8;
	s21 =	sadd.s32 $0xFFFF3800, s10;
	v38 =	vor.u32 v38, v41;
	[tilespmem:s31+$0xFFFFFEB0] =	vst v27;
	v25 =	vadd.f32 v31, v25;
	v31 =	vld.idx.msk [tilespmem:v10+s23+$0x0], $0xffff  }
0x1e7: {  	v52 =	vand.u32 $0x7F, v44;
	v58 =	vand.u32 $0xFFFFFF80, v42;
	s9 =	sadd.s32 $0x82, s2;
	v59 =	vadd.s32 v21, v56;
	s21 =	smov.u32 @p5 s10;
	v26 =	vld.idx.msk [tilespmem:v11+s23+$0x0], $0xffff;
	[tilespmem:s31+$0xFFFFFE30] =	vst v35  }
0x1e8: {  	v17 =	vmov v37;
	p6 =	slt.u32 s9, $0xC8;
	s3 =	sshll.u32 s9, $0x8;
	s9 =	sshra.s32 s21, $0x2;
	[tilespmem:s31+$0xFFFFFF30] =	vst v28;
	v35 =	vor.u32 v49, v59;
	v59 =	vadd.s32 v1, v5;
	v36 =	vld.idx.msk [tilespmem:v36+s17+$0x0], $0xffff  }
0x1e9: {  	s12 =	sadd.s32 $0x84, s2;
	[tilespmem:s31+$0x130] =	vst v29;
	v27 =	vadd.s32 v0, v32;
	v51 =	vand.u32 $0x7F, v59;
	v46 =	vand.u32 $0xFFFFFF80, v59;
	v59 =	vld [tilespmem:s9+$0x16600]  }
0x1ea: {  	s13 =	sshll.u32 s12, $0x8;
	[tilespmem:s31+$0xFFFFFFB0] =	vst v25;
	v25 =	vadd.f32 v62, v30;
	v28 =	vand.u32 $0xFFFFFF80, v27;
	v54 =	vand.u32 $0x7F, v27;
	v27 =	vld.idx.msk [tilespmem:v12+s23+$0x0], $0xffff  }
0x1eb: {  	p3 =	slt.u32 s12, $0xC8;
	s26 =	sadd.s32 $0xFFFF3800, s13;
	v34 =	vadd.s32 v22, v55;
	v30 =	vand.u32 $0xFFFFFF80, v40;
	v38 =	vld.idx.msk [tilespmem:v38+s17+$0x0], $0xffff;
	v28 =	vadd.s32 v33, v28  }
0x1ec: {  	v60 =	vand.u32 $0xFFFFFF80, v44;
	s26 =	smov.u32 @p3 s13;
	v30 =	vadd.s32 v23, v30;
	[tilespmem:s31+$0xB0] =	vst v25;
	v25 =	vld.idx.msk [tilespmem:v15+s23+$0x0], $0xffff;
	v43 =	vor.u32 v54, v28  }
0x1ed: {  	s10 =	sshra.s32 s26, $0x2;
	v34 =	vor.u32 v48, v34;
	v46 =	vadd.s32 v23, v46;
	v57 =	vor.u32 v47, v30;
	v30 =	vld.idx.msk [tilespmem:v17+s23+$0x0], $0xffff  }
0x1ee: {  	v37 =	vadd.s32 v20, v60;
	v60 =	vadd.s32 v1, v4;
	v46 =	vor.u32 v51, v46;
	v51 =	vld [tilespmem:s10+$0x16600]  }
0x1ef: {  	s7 =	sadd.s32 $0x80, s2;
	v61 =	vadd.s32 v1, v6;
	v37 =	vor.u32 v52, v37;
	v52 =	vand.u32 $0x7F, v60;
	v28 =	vld.idx.msk [tilespmem:v14+s23+$0x0], $0xffff  }
0x1f0: {  	s4 =	sshll.u32 s7, $0x8;
	v48 =	vand.u32 $0xFFFFFF80, v61;
	v40 =	vadd.s32 v19, v58;
	v53 =	vadd.s32 v1, v32;
	v29 =	vld.idx.msk [tilespmem:v13+s23+$0x0], $0xffff  }
0x1f1: {  	p4 =	slt.u32 s7, $0xC8;
	s20 =	sadd.s32 $0xFFFF3800, s4;
	v48 =	vadd.s32 v21, v48;
	v40 =	vor.u32 v50, v40;
	v55 =	vand.u32 $0x7F, v53;
	v62 =	vld.idx.msk [tilespmem:v43+s17+$0x0], $0xffff  }
0x1f2: {  	s20 =	smov.u32 @p4 s4;
	v50 =	vadd.s32 v1, v16;
	v47 =	vand.u32 $0xFFFFFF80, v60;
	v54 =	vand.u32 $0xFFFFFF80, v53;
	v34 =	vld.idx.msk [tilespmem:v34+s17+$0x0], $0xffff  }
0x1f3: {  	s8 =	sadd.s32 $0x83, s2;
	s5 =	sshra.s32 s20, $0x2;
	v60 =	vand.u32 $0xFFFFFF80, v50;
	v56 =	vadd.s32 v33, v54;
	v39 =	vld.idx.msk [tilespmem:v57+s17+$0x0], $0xffff;
	v57 =	vadd.s32 v1, v8  }
0x1f4: {  	s11 =	sshll.u32 s8, $0x8;
	s22 =	sadd.s32 $0xFFFF3800, s3;
	v41 =	vor.u32 v55, v56;
	v58 =	vand.u32 $0xFFFFFF80, v57;
	v45 =	vand.u32 $0x7F, v57;
	v57 =	vld [tilespmem:s5+$0x16600]  }
0x1f5: {  	p2 =	slt.u32 s8, $0xC8;
	s24 =	sadd.s32 $0xFFFF3800, s11;
	s22 =	smov.u32 @p6 s3;
	v47 =	vadd.s32 v22, v47;
	v60 =	vadd.s32 v18, v60;
	v35 =	vld.idx.msk [tilespmem:v35+s17+$0x0], $0xffff;
	v56 =	vadd.s32 v2, v32  }
0x1f6: {  	s24 =	smov.u32 @p2 s11;
	s12 =	sshra.s32 s22, $0x2;
	v40 =	vld.idx.msk [tilespmem:v40+s17+$0x0], $0xffff;
	v44 =	vadd.s32 v24, v58;
	v58 =	vand.u32 $0xFFFFFF80, v56;
	v42 =	vadd.f32 v63, v62  }
0x1f7: {  	s18 =	sadd.s32 $0x86, s2;
	s11 =	sshra.s32 s24, $0x2;
	s31 =	sadd.s32 $0x400, s31;
	v56 =	vand.u32 $0x7F, v56;
	v58 =	vadd.s32 v33, v58;
	v44 =	vor.u32 v45, v44;
	v45 =	vld [tilespmem:s12+$0x16600]  }
0x1f8: {  	s6 =	sadd.s32 $0x85, s2;
	s2 =	sshll.u32 s18, $0x8;
	v47 =	vor.u32 v52, v47;
	v56 =	vor.u32 v56, v58;
	v58 =	vld [tilespmem:s11+$0x16600];
	v39 =	vadd.f32 v59, v39;
	[tilespmem:s31+$0x180] =	vst v42  }
0x1f9: {  	s0 =	sadd.s32 $0xFFFF3800, s2;
	p4 =	slt.u32 s18, $0xC8;
	v62 =	vadd.s32 v1, v9;
	v63 =	vadd.s32 v1, v7;
	v36 =	vadd.f32 v57, v36;
	v41 =	vld.idx.msk [tilespmem:v41+s17+$0x0], $0xffff  }
0x1fa: {  	s16 =	sshll.u32 s6, $0x8;
	s0 =	smov.u32 @p4 s2;
	v53 =	vand.u32 $0x7F, v62;
	v54 =	vand.u32 $0x7F, v63;
	v43 =	vand.u32 $0xFFFFFF80, v62;
	v55 =	vld [tilespmem:s14+$0x16610]  }
0x1fb: {  	s28 =	sadd.s32 $0xFFFF3800, s16;
	p1 =	slt.u32 s6, $0xC8;
	s7 =	sshra.s32 s0, $0x2;
	v37 =	vld.idx.msk [tilespmem:v37+s17+$0x0], $0xffff;
	v49 =	vand.u32 $0xFFFFFF80, v63;
	v42 =	vand.u32 $0x7F, v61;
	v43 =	vadd.s32 v19, v43  }
0x1fc: {  	s28 =	smov.u32 @p1 s16;
	v59 =	vld [tilespmem:s7+$0x16600];
	[tilespmem:s31+$0xFFFFFE80] =	vst v39;
	v49 =	vadd.s32 v20, v49;
	v34 =	vadd.f32 v45, v34;
	v61 =	vor.u32 v53, v43  }
0x1fd: {  	s8 =	sshra.s32 s28, $0x2;
	v62 =	vand.u32 $0x7F, v50;
	[tilespmem:s31+$0xFFFFFE00] =	vst v36;
	v46 =	vld.idx.msk [tilespmem:v46+s17+$0x0], $0xffff;
	v42 =	vor.u32 v42, v48;
	v35 =	vadd.f32 v58, v35  }
0x1fe: {  	v57 =	vld [tilespmem:s8+$0x16600];
	v49 =	vor.u32 v54, v49;
	v53 =	vadd.f32 v51, v40;
	v54 =	vor.u32 v62, v60;
	[tilespmem:s31+$0xFFFFFF00] =	vst v34  }
0x1ff: {  	v62 =	vadd.s32 v2, v6;
	v47 =	vld.idx.msk [tilespmem:v47+s17+$0x0], $0xffff;
	[tilespmem:s31+$0xFFFFFF80] =	vst v35;
	v41 =	vadd.f32 v55, v41  }
0x200: {  	v51 =	vand.u32 $0x7F, v62;
	v43 =	vand.u32 $0xFFFFFF80, v62;
	[tilespmem:s31+$0x0] =	vst v53;
	v62 =	vld [tilespmem:s11+$0x16610]  }
0x201: {  	v32 =	vadd.s32 v3, v32;
	v36 =	vld.idx.msk [tilespmem:v61+s17+$0x0], $0xffff;
	[tilespmem:s31+$0x190] =	vst v41  }
0x202: {  	v55 =	vand.u32 $0xFFFFFF80, v32;
	v63 =	vld.idx.msk [tilespmem:v56+s17+$0x0], $0xffff  }
0x203: {  	v45 =	vadd.s32 v2, v7;
	v32 =	vand.u32 $0x7F, v32;
	v33 =	vadd.s32 v33, v55;
	v50 =	vld [tilespmem:s14+$0x16620]  }
0x204: {  	v43 =	vadd.s32 v21, v43;
	v33 =	vor.u32 v32, v33;
	v56 =	vadd.f32 v57, v37;
	v37 =	vld.idx.msk [tilespmem:v42+s17+$0x0], $0xffff  }
0x205: {  	v32 =	vadd.s32 v3, v8;
	v57 =	vadd.f32 v59, v38;
	v38 =	vadd.s32 v2, v8;
	v8 =	vmovc v31;
	v31 =	vld [tilespmem:s9+$0x16610]  }
0x206: {  	v48 =	vadd.s32 v2, v16;
	v43 =	vor.u32 v51, v43;
	v42 =	vld.idx.msk [tilespmem:v44+s17+$0x0], $0xffff;
	v61 =	vand.u32 $0xFFFFFF80, v38  }
0x207: {  	v51 =	vadd.s32 v3, v4;
	v55 =	vand.u32 $0x7F, v48;
	[tilespmem:s31+$0x80] =	vst v56;
	v34 =	vadd.s32 v24, v61;
	v61 =	vld [tilespmem:s12+$0x16610]  }
0x208: {  	v48 =	vand.u32 $0xFFFFFF80, v48;
	v41 =	vadd.s32 v2, v4;
	v59 =	vadd.s32 v2, v5;
	[tilespmem:s31+$0x100] =	vst v57;
	v35 =	vld.idx.msk [tilespmem:v49+s17+$0x0], $0xffff  }
0x209: {  	v44 =	vadd.s32 v2, v9;
	v39 =	vand.u32 $0xFFFFFF80, v59;
	v40 =	vld.idx.msk [tilespmem:v54+s17+$0x0], $0xffff;
	v58 =	vadd.f32 v50, v63  }
0x20a: {  	v39 =	vadd.s32 v23, v39;
	v63 =	vand.u32 $0x7F, v59;
	v31 =	vadd.f32 v31, v46;
	v59 =	vld [tilespmem:s7+$0x16610]  }
0x20b: {  	v4 =	vmovc v27;
	v27 =	vadd.s32 v3, v6;
	v53 =	vand.u32 $0x7F, v44;
	v39 =	vor.u32 v63, v39;
	v63 =	vld [tilespmem:s10+$0x16610];
	[tilespmem:s31+$0x1A0] =	vst v58  }
0x20c: {  	v50 =	vand.u32 $0x7F, v41;
	v41 =	vand.u32 $0xFFFFFF80, v41;
	v58 =	vld [tilespmem:s8+$0x16610];
	[tilespmem:s31+$0xFFFFFE90] =	vst v31;
	v31 =	vadd.f32 v62, v37  }
0x20d: {  	v6 =	vmovc v28;
	v44 =	vand.u32 $0xFFFFFF80, v44;
	v41 =	vadd.s32 v22, v41;
	v47 =	vadd.f32 v61, v47;
	v33 =	vld.idx.msk [tilespmem:v33+s17+$0x0], $0xffff  }
0x20e: {  	v28 =	vadd.s32 v3, v16;
	v44 =	vadd.s32 v19, v44;
	v41 =	vor.u32 v50, v41;
	v60 =	vld [tilespmem:s14+$0x16630];
	[tilespmem:s31+$0xFFFFFF90] =	vst v31  }
0x20f: {  	v62 =	vadd.s32 v18, v48;
	v48 =	vadd.s32 v3, v5;
	[tilespmem:s31+$0xFFFFFF10] =	vst v47;
	v49 =	vld.idx.msk [tilespmem:v43+s17+$0x0], $0xffff  }
0x210: {  	v16 =	vmovc v30;
	v37 =	vor.u32 v55, v62;
	v30 =	vand.u32 $0xFFFFFF80, v48;
	v50 =	vadd.f32 v59, v40;
	v59 =	vld [tilespmem:s12+$0x16620]  }
0x211: {  	v54 =	vand.u32 $0x7F, v45;
	v45 =	vand.u32 $0xFFFFFF80, v45;
	v23 =	vadd.s32 v23, v30;
	v30 =	vld [tilespmem:s11+$0x16620]  }
0x212: {  	v44 =	vor.u32 v53, v44;
	v45 =	vadd.s32 v20, v45;
	v39 =	vld.idx.msk [tilespmem:v39+s17+$0x0], $0xffff  }
0x213: {  	v61 =	vor.u32 v54, v45;
	v36 =	vadd.f32 v63, v36;
	v33 =	vadd.f32 v60, v33;
	v60 =	vld [tilespmem:s5+$0x16610]  }
0x214: {  	v63 =	vld.idx.msk [tilespmem:v41+s17+$0x0], $0xffff;
	v31 =	vadd.f32 v58, v35;
	[tilespmem:s31+$0x110] =	vst v50  }
0x215: {  	v38 =	vand.u32 $0x7F, v38;
	[tilespmem:s31+$0x10] =	vst v36;
	v36 =	vld.idx.msk [tilespmem:v37+s17+$0x0], $0xffff  }
0x216: {  	v34 =	vor.u32 v38, v34;
	v40 =	vand.u32 $0xFFFFFF80, v51;
	[tilespmem:s31+$0x90] =	vst v31;
	v31 =	vadd.s32 v3, v9;
	v9 =	vmovc v25;
	v25 =	vld [tilespmem:s9+$0x16620]  }
0x217: {  	v56 =	vand.u32 $0x7F, v51;
	v55 =	vand.u32 $0x7F, v48;
	v22 =	vadd.s32 v22, v40;
	v52 =	vld.idx.msk [tilespmem:v44+s17+$0x0], $0xffff  }
0x218: {  	v5 =	vmovc v26;
	[tilespmem:s31+$0x1B0] =	vst v33;
	v33 =	vld.idx.msk [tilespmem:v61+s17+$0x0], $0xffff;
	v57 =	vand.u32 $0x7F, v31;
	v31 =	vand.u32 $0xFFFFFF80, v31;
	v26 =	vadd.f32 v60, v42  }
0x219: {  	v23 =	vor.u32 v55, v23;
	v22 =	vor.u32 v56, v22;
	v61 =	vld [tilespmem:s10+$0x16620];
	v19 =	vadd.s32 v19, v31  }
0x21a: {  	v62 =	vld [tilespmem:s8+$0x16620];
	[tilespmem:s31+$0xFFFFFE10] =	vst v26;
	v26 =	vadd.s32 v3, v7;
	v7 =	vmovc v29;
	v29 =	vand.u32 $0x7F, v27;
	v27 =	vand.u32 $0xFFFFFF80, v27  }
0x21b: {  	v60 =	vand.u32 $0x7F, v28;
	v25 =	vadd.f32 v25, v39;
	v54 =	vld.idx.msk [tilespmem:v34+s17+$0x0], $0xffff;
	v21 =	vadd.s32 v21, v27  }
0x21c: {  	v27 =	vand.u32 $0xFFFFFF80, v28;
	v31 =	vld [tilespmem:s5+$0x16620];
	v28 =	vadd.f32 v59, v63;
	v63 =	vor.u32 v57, v19  }
0x21d: {  	p0 =	slt.u32 s25, $0x78;
	v53 =	vand.u32 $0xFFFFFF80, v32;
	v58 =	vand.u32 $0x7F, v26;
	[tilespmem:s31+$0xFFFFFEA0] =	vst v25;
	v21 =	vor.u32 v29, v21;
	v29 =	vld [tilespmem:s7+$0x16620]  }
.Ltmp4:
0x21e: {  	v26 =	vand.u32 $0xFFFFFF80, v26;
	v18 =	vadd.s32 v18, v27;
	v27 =	vld.idx.msk [tilespmem:v23+s17+$0x0], $0xffff;
	v23 =	vadd.f32 v61, v52;
	(pc) =	sbr.rel @p0 .LBB2_9-.Ltmp4, $4  }
0x21f: {  	v24 =	vadd.s32 v24, v53;
	v25 =	vadd.f32 v30, v49;
	v19 =	vadd.s32 v20, v26;
	[tilespmem:s31+$0xFFFFFF20] =	vst v28  }
0x220: {  	v26 =	vand.u32 $0x7F, v32;
	v19 =	vor.u32 v58, v19;
	v28 =	vld.idx.msk [tilespmem:v22+s17+$0x0], $0xffff;
	v22 =	vadd.f32 v62, v33;
	[tilespmem:s31+$0x20] =	vst v23  }
0x221: {  	s1 =	smov.u32 s25;
	v20 =	vor.u32 v60, v18;
	v18 =	vor.u32 v26, v24;
	[tilespmem:s31+$0xFFFFFFA0] =	vst v25;
	v26 =	vld.idx.msk [tilespmem:v63+s17+$0x0], $0xffff  }
0x222: {  	s25 =	sadd.s32 $0x8, s25;
	s2 =	sadd.s32 $0x7, s1;
	v23 =	vadd.f32 v31, v54;
	[tilespmem:s31+$0xA0] =	vst v22;
	v25 =	vld.idx.msk [tilespmem:v21+s17+$0x0], $0xffff;
	v34 =	vadd.f32 v29, v36  }
0x223: {  	v29 =	vmov s2;
	v10 =	vshll.u32 v10, $0x7;
	v22 =	vshll.u32 v11, $0x7  }
0x224: {  	v21 =	vshll.u32 v12, $0x7;
	v14 =	vshll.u32 v14, $0x7;
	v12 =	vshll.u32 v15, $0x7  }
0x225: {  	v49 =	vadd.s32 v0, v8;
	v11 =	vshll.u32 v13, $0x7;
	v35 =	vadd.s32 v0, v5  }
0x226: {  	v36 =	vadd.s32 v0, v4;
	v37 =	vadd.s32 v0, v6;
	s0 =	rddreg [dreg:$0x4];
	v50 =	vand.u32 $0xFFFFFF80, v49  }
0x227: {  	v30 =	vld [tilespmem:s9+$0x16630];
	v15 =	vand.u32 $0x7F, v49;
	v41 =	vand.u32 $0x7F, v35;
	s0 =	sadd.s32 s1, s0;
	v43 =	vand.u32 $0x7F, v36  }
0x228: {  	v13 =	vld [tilespmem:s8+$0x16630];
	v44 =	vand.u32 $0x7F, v37;
	v35 =	vand.u32 $0xFFFFFF80, v35;
	v40 =	vadd.s32 v10, v50;
	s1 =	sadd.s32 $0x87, s0  }
0x229: {  	v19 =	vld.idx.msk [tilespmem:v19+s17+$0x0], $0xffff;
	v36 =	vand.u32 $0xFFFFFF80, v36;
	v35 =	vadd.s32 v22, v35;
	s2 =	sshll.u32 s1, $0x8;
	v51 =	vor.u32 v15, v40  }
0x22a: {  	v37 =	vand.u32 $0xFFFFFF80, v37;
	[tilespmem:s31+$0xFFFFFE20] =	vst v23;
	v36 =	vadd.s32 v21, v36;
	p0 =	slt.u32 s1, $0xC8;
	v35 =	vor.u32 v41, v35;
	s1 =	sadd.s32 $0xFFFF3800, s2;
	v24 =	vld.idx.msk [tilespmem:v29+s23+$0x0], $0xffff  }
0x22b: {  	[tilespmem:s31+$0x120] =	vst v34;
	v37 =	vadd.s32 v14, v37;
	v23 =	vld [tilespmem:s5+$0x16630];
	v36 =	vor.u32 v43, v36;
	s1 =	smov.u32 @p0 s2  }
0x22c: {  	v38 =	vadd.s32 v0, v9;
	v15 =	vld [tilespmem:s7+$0x16630];
	v37 =	vor.u32 v44, v37;
	s28 =	sshra.s32 s1, $0x2  }
0x22d: {  	v39 =	vadd.s32 v0, v7;
	v45 =	vand.u32 $0x7F, v38;
	v53 =	vld [tilespmem:s28+$0x16600]  }
0x22e: {  	v46 =	vand.u32 $0x7F, v39;
	v38 =	vand.u32 $0xFFFFFF80, v38;
	v39 =	vand.u32 $0xFFFFFF80, v39;
	v34 =	vld.idx.msk [tilespmem:v51+s17+$0x0], $0xffff  }
0x22f: {  	v38 =	vadd.s32 v12, v38;
	v39 =	vadd.s32 v11, v39;
	s5 =	sadd.s32 $0x81, s0;
	s3 =	sadd.s32 $0x82, s0;
	v35 =	vld.idx.msk [tilespmem:v35+s17+$0x0], $0xffff;
	v31 =	vadd.s32 v0, v24  }
0x230: {  	s4 =	sadd.s32 $0x83, s0;
	s8 =	sadd.s32 $0x84, s0;
	s6 =	sadd.s32 $0x85, s0;
	v38 =	vor.u32 v45, v38;
	v29 =	vshll.u32 v29, $0x7;
	v36 =	vld.idx.msk [tilespmem:v36+s17+$0x0], $0xffff;
	v32 =	vand.u32 $0xFFFFFF80, v31  }
0x231: {  	v39 =	vor.u32 v46, v39;
	s9 =	sshll.u32 s5, $0x8;
	p3 =	slt.u32 s3, $0xC8;
	s2 =	sadd.s32 $0x80, s0;
	v37 =	vld.idx.msk [tilespmem:v37+s17+$0x0], $0xffff;
	v31 =	vand.u32 $0x7F, v31;
	v33 =	vadd.s32 v29, v32  }
0x232: {  	v56 =	vadd.s32 v0, v16;
	p1 =	slt.u32 s4, $0xC8;
	p0 =	slt.u32 s5, $0xC8;
	p2 =	slt.u32 s2, $0xC8;
	v42 =	vor.u32 v31, v33;
	v33 =	vld [tilespmem:s11+$0x16630]  }
0x233: {  	v17 =	vshll.u32 v17, $0x7;
	v44 =	vand.u32 $0xFFFFFF80, v56;
	v31 =	vld [tilespmem:s10+$0x16630];
	s11 =	sadd.s32 $0x86, s0;
	s0 =	sshll.u32 s2, $0x8;
	s10 =	sshll.u32 s3, $0x8  }
0x234: {  	v57 =	vand.u32 $0x7F, v56;
	v44 =	vadd.s32 v17, v44;
	v32 =	vld [tilespmem:s12+$0x16630];
	s2 =	sshll.u32 s4, $0x8;
	s3 =	sshll.u32 s8, $0x8;
	s12 =	sadd.s32 $0xFFFF3800, s0  }
0x235: {  	v59 =	vor.u32 v57, v44;
	v38 =	vld.idx.msk [tilespmem:v38+s17+$0x0], $0xffff;
	s4 =	sadd.s32 $0xFFFF3800, s10;
	s12 =	smov.u32 @p2 s0;
	s0 =	sadd.s32 $0xFFFF3800, s9  }
0x236: {  	v58 =	vadd.s32 v1, v8;
	v61 =	vadd.s32 v1, v5;
	v39 =	vld.idx.msk [tilespmem:v39+s17+$0x0], $0xffff;
	p2 =	slt.u32 s8, $0xC8;
	s4 =	smov.u32 @p3 s10;
	s22 =	sshra.s32 s12, $0x2  }
0x237: {  	v50 =	vand.u32 $0x7F, v61;
	v44 =	vand.u32 $0xFFFFFF80, v61;
	v54 =	vadd.s32 v1, v24;
	s0 =	smov.u32 @p0 s9;
	p0 =	slt.u32 s6, $0xC8;
	s18 =	sshra.s32 s4, $0x2;
	v61 =	vld [tilespmem:s22+$0x16600]  }
0x238: {  	v62 =	vadd.s32 v1, v4;
	v47 =	vadd.s32 v1, v6;
	v55 =	vand.u32 $0xFFFFFF80, v54;
	s16 =	sshra.s32 s0, $0x2;
	s0 =	sshll.u32 s6, $0x8;
	s6 =	sadd.s32 $0xFFFF3800, s2;
	v52 =	vld.idx.msk [tilespmem:v42+s17+$0x0], $0xffff  }
0x239: {  	v60 =	vand.u32 $0xFFFFFF80, v58;
	v43 =	vadd.s32 v29, v55;
	v57 =	vld [tilespmem:s18+$0x16600];
	v42 =	vand.u32 $0x7F, v54;
	s6 =	smov.u32 @p1 s2;
	s2 =	sadd.s32 $0xFFFF3800, s3;
	p1 =	slt.u32 s11, $0xC8  }
0x23a: {  	v45 =	vand.u32 $0x7F, v58;
	v41 =	vld.idx.msk [tilespmem:v59+s17+$0x0], $0xffff;
	s4 =	sadd.s32 $0xFFFF3800, s0;
	v42 =	vor.u32 v42, v43;
	v43 =	vadd.s32 v10, v60;
	s2 =	smov.u32 @p2 s3;
	s3 =	sshll.u32 s11, $0x8  }
0x23b: {  	v63 =	vadd.s32 v1, v9;
	v48 =	vadd.s32 v1, v7;
	v55 =	vld [tilespmem:s16+$0x16600];
	s20 =	sshra.s32 s6, $0x2;
	s4 =	smov.u32 @p0 s0;
	v43 =	vor.u32 v45, v43;
	s0 =	sadd.s32 $0xFFFF3800, s3  }
0x23c: {  	v49 =	vadd.s32 v1, v16;
	v46 =	vand.u32 $0xFFFFFF80, v62;
	s21 =	sshra.s32 s2, $0x2;
	v59 =	vld [tilespmem:s20+$0x16600];
	s0 =	smov.u32 @p1 s3;
	v34 =	vadd.f32 v61, v34  }
0x23d: {  	s13 =	sadd.s32 $0x400, s31;
	v58 =	vand.u32 $0x7F, v47;
	v44 =	vadd.s32 v22, v44;
	v60 =	vld [tilespmem:s21+$0x16600];
	s24 =	sshra.s32 s0, $0x2;
	v40 =	vadd.f32 v53, v52  }
0x23e: {  	v47 =	vand.u32 $0xFFFFFF80, v47;
	v44 =	vor.u32 v50, v44;
	s14 =	sshra.s32 s4, $0x2;
	v36 =	vadd.f32 v57, v36;
	v57 =	vld [tilespmem:s24+$0x16600];
	[tilespmem:s13+$0xFFFFFE00] =	vst v34  }
0x23f: {  	v53 =	vand.u32 $0x7F, v62;
	v62 =	vand.u32 $0xFFFFFF80, v63;
	[tilespmem:s13+$0x180] =	vst v40;
	v40 =	vand.u32 $0x7F, v63;
	v63 =	vld [tilespmem:s14+$0x16600]  }
0x240: {  	v56 =	vand.u32 $0xFFFFFF80, v48;
	v47 =	vadd.s32 v14, v47;
	v35 =	vadd.f32 v55, v35;
	v43 =	vld.idx.msk [tilespmem:v43+s17+$0x0], $0xffff  }
0x241: {  	v46 =	vadd.s32 v21, v46;
	v47 =	vor.u32 v58, v47;
	v61 =	vand.u32 $0x7F, v49;
	v42 =	vld.idx.msk [tilespmem:v42+s17+$0x0], $0xffff  }
0x242: {  	v52 =	vadd.s32 v2, v24;
	v46 =	vor.u32 v53, v46;
	v55 =	vadd.s32 v12, v62;
	[tilespmem:s13+$0xFFFFFE80] =	vst v35;
	v51 =	vld [tilespmem:s28+$0x16610]  }
0x243: {  	v58 =	vadd.f32 v59, v37;
	v59 =	vand.u32 $0xFFFFFF80, v49;
	v40 =	vor.u32 v40, v55;
	v44 =	vld.idx.msk [tilespmem:v44+s17+$0x0], $0xffff  }
0x244: {  	v54 =	vand.u32 $0xFFFFFF80, v52;
	v52 =	vand.u32 $0x7F, v52;
	[tilespmem:s13+$0xFFFFFF00] =	vst v36;
	v37 =	vadd.s32 v17, v59;
	v59 =	vld [tilespmem:s16+$0x16610]  }
0x245: {  	v54 =	vadd.s32 v29, v54;
	v60 =	vadd.f32 v60, v38;
	[tilespmem:s13+$0xFFFFFF80] =	vst v58;
	v35 =	vor.u32 v61, v37;
	v61 =	vld [tilespmem:s18+$0x16610]  }
0x246: {  	v49 =	vadd.s32 v2, v7;
	v52 =	vor.u32 v52, v54;
	v38 =	vld.idx.msk [tilespmem:v47+s17+$0x0], $0xffff;
	v62 =	vadd.f32 v63, v39  }
0x247: {  	v48 =	vand.u32 $0x7F, v48;
	v58 =	vadd.s32 v2, v6;
	[tilespmem:s13+$0x0] =	vst v60;
	v46 =	vld.idx.msk [tilespmem:v46+s17+$0x0], $0xffff;
	v63 =	vadd.f32 v57, v41  }
0x248: {  	v47 =	vadd.s32 v2, v9;
	v45 =	vand.u32 $0xFFFFFF80, v58;
	v57 =	vadd.s32 v2, v4;
	v39 =	vld.idx.msk [tilespmem:v40+s17+$0x0], $0xffff;
	[tilespmem:s13+$0x80] =	vst v62  }
0x249: {  	v42 =	vadd.f32 v51, v42;
	v37 =	vand.u32 $0x7F, v57;
	v62 =	vand.u32 $0xFFFFFF80, v57;
	[tilespmem:s13+$0x100] =	vst v63;
	v57 =	vld [tilespmem:s21+$0x16610]  }
0x24a: {  	v45 =	vadd.s32 v14, v45;
	v63 =	vand.u32 $0x7F, v58;
	v58 =	vand.u32 $0x7F, v47;
	v34 =	vld.idx.msk [tilespmem:v35+s17+$0x0], $0xffff  }
0x24b: {  	v47 =	vand.u32 $0xFFFFFF80, v47;
	[tilespmem:s13+$0x190] =	vst v42;
	v42 =	vadd.s32 v11, v56;
	v54 =	vadd.s32 v21, v62;
	v62 =	vld [tilespmem:s24+$0x16610]  }
0x24c: {  	v56 =	vadd.s32 v2, v5;
	v35 =	vadd.f32 v59, v44;
	v47 =	vadd.s32 v12, v47;
	v52 =	vld.idx.msk [tilespmem:v52+s17+$0x0], $0xffff  }
0x24d: {  	v42 =	vor.u32 v48, v42;
	v60 =	vand.u32 $0xFFFFFF80, v56;
	v46 =	vadd.f32 v61, v46;
	v61 =	vld [tilespmem:s14+$0x16610]  }
0x24e: {  	v41 =	vand.u32 $0x7F, v56;
	v37 =	vor.u32 v37, v54;
	v56 =	vld [tilespmem:s22+$0x16610];
	v51 =	vadd.s32 v22, v60  }
0x24f: {  	v44 =	vor.u32 v58, v47;
	v60 =	vand.u32 $0xFFFFFF80, v49;
	v41 =	vor.u32 v41, v51;
	v51 =	vld [tilespmem:s20+$0x16610]  }
0x250: {  	v59 =	vand.u32 $0x7F, v49;
	v48 =	vadd.s32 v11, v60;
	[tilespmem:s13+$0xFFFFFF10] =	vst v46;
	v39 =	vadd.f32 v57, v39;
	v57 =	vld [tilespmem:s28+$0x16620]  }
0x251: {  	v36 =	vor.u32 v63, v45;
	v45 =	vor.u32 v59, v48;
	v48 =	vld [tilespmem:s18+$0x16620]  }
0x252: {  	v42 =	vld.idx.msk [tilespmem:v42+s17+$0x0], $0xffff  }
0x253: {  	v37 =	vld.idx.msk [tilespmem:v37+s17+$0x0], $0xffff;
	[tilespmem:s13+$0x10] =	vst v39  }
0x254: {  	v50 =	vadd.s32 v2, v16;
	[tilespmem:s13+$0xFFFFFE90] =	vst v35;
	v34 =	vadd.f32 v62, v34;
	v62 =	vld.idx.msk [tilespmem:v44+s17+$0x0], $0xffff  }
0x255: {  	v40 =	vadd.s32 v2, v8;
	v63 =	vand.u32 $0xFFFFFF80, v50;
	v41 =	vld.idx.msk [tilespmem:v41+s17+$0x0], $0xffff  }
0x256: {  	v50 =	vand.u32 $0x7F, v50;
	v38 =	vadd.f32 v51, v38;
	v51 =	vadd.s32 v17, v63;
	v63 =	vld [tilespmem:s16+$0x16620]  }
0x257: {  	v58 =	vand.u32 $0xFFFFFF80, v40;
	[tilespmem:s13+$0x110] =	vst v34;
	v59 =	vor.u32 v50, v51;
	v50 =	vld [tilespmem:s21+$0x16620]  }
0x258: {  	v40 =	vand.u32 $0x7F, v40;
	v35 =	vadd.s32 v10, v58;
	v54 =	vadd.f32 v57, v52;
	v57 =	vld [tilespmem:s24+$0x16620];
	[tilespmem:s13+$0xFFFFFF90] =	vst v38  }
0x259: {  	v35 =	vor.u32 v40, v35;
	v60 =	vadd.f32 v61, v42;
	v36 =	vld.idx.msk [tilespmem:v36+s17+$0x0], $0xffff  }
0x25a: {  	v27 =	vadd.f32 v30, v27;
	v13 =	vadd.f32 v13, v19;
	v49 =	vld [tilespmem:s20+$0x16620];
	[tilespmem:s13+$0x1A0] =	vst v54  }
0x25b: {  	v25 =	vadd.f32 v33, v25;
	v24 =	vadd.s32 v3, v24;
	v61 =	vadd.f32 v56, v43;
	v33 =	vld [tilespmem:s28+$0x16630];
	[tilespmem:s13+$0x90] =	vst v60  }
0x25c: {  	v28 =	vadd.f32 v32, v28;
	v26 =	vadd.f32 v31, v26;
	v51 =	vand.u32 $0xFFFFFF80, v24;
	v38 =	vld.idx.msk [tilespmem:v45+s17+$0x0], $0xffff  }
0x25d: {  	v4 =	vadd.s32 v3, v4;
	v24 =	vand.u32 $0x7F, v24;
	v29 =	vadd.s32 v29, v51;
	[tilespmem:s13+$0xFFFFFE10] =	vst v61;
	v34 =	vld.idx.msk [tilespmem:v59+s17+$0x0], $0xffff  }
0x25e: {  	v51 =	vand.u32 $0x7F, v4;
	v4 =	vand.u32 $0xFFFFFF80, v4;
	v24 =	vor.u32 v24, v29;
	v35 =	vld.idx.msk [tilespmem:v35+s17+$0x0], $0xffff  }
0x25f: {  	v8 =	vadd.s32 v3, v8;
	v4 =	vadd.s32 v21, v4;
	v56 =	vadd.f32 v63, v41;
	v55 =	vld [tilespmem:s14+$0x16620]  }
0x260: {  	v5 =	vadd.s32 v3, v5;
	v4 =	vor.u32 v51, v4;
	v61 =	vadd.s32 v3, v6;
	v58 =	vld [tilespmem:s22+$0x16620]  }
0x261: {  	v59 =	vadd.f32 v48, v37;
	v30 =	vadd.f32 v50, v62;
	[tilespmem:s13+$0xFFFFFEA0] =	vst v56;
	v56 =	vld.idx.msk [tilespmem:v20+s17+$0x0], $0xffff  }
0x262: {  	v50 =	vand.u32 $0x7F, v5;
	v5 =	vand.u32 $0xFFFFFF80, v5;
	v60 =	vadd.f32 v49, v36;
	v36 =	vld [tilespmem:s16+$0x16630]  }
0x263: {  	v46 =	vadd.s32 v3, v7;
	v6 =	vand.u32 $0xFFFFFF80, v61;
	v5 =	vadd.s32 v22, v5;
	[tilespmem:s13+$0xFFFFFF20] =	vst v59;
	v59 =	vld.idx.msk [tilespmem:v24+s17+$0x0], $0xffff  }
0x264: {  	v52 =	vand.u32 $0x7F, v61;
	v6 =	vadd.s32 v14, v6;
	[tilespmem:s13+$0x20] =	vst v30;
	v5 =	vor.u32 v50, v5;
	v31 =	vld [tilespmem:s18+$0x16630]  }
0x265: {  	[tilespmem:s31+$0xFFFFFEB0] =	vst v27;
	v47 =	vadd.s32 v3, v16;
	v7 =	vand.u32 $0xFFFFFF80, v46;
	v6 =	vor.u32 v52, v6;
	v49 =	vld [tilespmem:s21+$0x16630]  }
0x266: {  	v16 =	vand.u32 $0x7F, v47;
	v7 =	vadd.s32 v11, v7;
	v62 =	vadd.s32 v3, v9;
	v4 =	vld.idx.msk [tilespmem:v4+s17+$0x0], $0xffff;
	[tilespmem:s13+$0xFFFFFFA0] =	vst v60  }
0x267: {  	[tilespmem:s31+$0xB0] =	vst v13;
	v54 =	vand.u32 $0x7F, v46;
	v53 =	vand.u32 $0x7F, v62;
	v9 =	vand.u32 $0xFFFFFF80, v62;
	v45 =	vld [tilespmem:s20+$0x16630]  }
0x268: {  	v9 =	vadd.s32 v12, v9;
	v44 =	vadd.f32 v55, v38;
	v48 =	vadd.f32 v57, v34;
	v57 =	vld.idx.msk [tilespmem:v18+s17+$0x0], $0xffff  }
0x269: {  	[tilespmem:s31+$0xFFFFFF30] =	vst v28;
	v9 =	vor.u32 v53, v9;
	v29 =	vadd.f32 v58, v35;
	v58 =	vand.u32 $0xFFFFFF80, v47;
	v5 =	vld.idx.msk [tilespmem:v5+s17+$0x0], $0xffff  }
0x26a: {  	v7 =	vor.u32 v54, v7;
	v63 =	vand.u32 $0xFFFFFF80, v8;
	v17 =	vadd.s32 v17, v58;
	[tilespmem:s13+$0xA0] =	vst v44;
	v6 =	vld.idx.msk [tilespmem:v6+s17+$0x0], $0xffff  }
0x26b: {  	v8 =	vand.u32 $0x7F, v8;
	v10 =	vadd.s32 v10, v63;
	[tilespmem:s13+$0x120] =	vst v48;
	v16 =	vor.u32 v16, v17;
	v32 =	vld [tilespmem:s14+$0x16630]  }
0x26c: {  	v8 =	vor.u32 v8, v10;
	[tilespmem:s13+$0xFFFFFE20] =	vst v29;
	v30 =	vld [tilespmem:s24+$0x16630]  }
0x26d: {  	[tilespmem:s31+$0xFFFFFFB0] =	vst v25;
	v60 =	vadd.f32 v15, v56;
	v55 =	vld [tilespmem:s22+$0x16630]  }
0x26e: {  	[tilespmem:s31+$0x30] =	vst v26;
	v61 =	vadd.f32 v33, v59;
	v9 =	vld.idx.msk [tilespmem:v9+s17+$0x0], $0xffff  }
0x26f: {  	[tilespmem:s31+$0x130] =	vst v60;
	v7 =	vld.idx.msk [tilespmem:v7+s17+$0x0], $0xffff;
	v4 =	vadd.f32 v31, v4  }
0x270: {  	[tilespmem:s13+$0x1B0] =	vst v61;
	v62 =	vld.idx.msk [tilespmem:v16+s17+$0x0], $0xffff;
	v5 =	vadd.f32 v36, v5  }
0x271: {  	v8 =	vld.idx.msk [tilespmem:v8+s17+$0x0], $0xffff;
	v12 =	vadd.f32 v23, v57;
	[tilespmem:s13+$0xFFFFFF30] =	vst v4  }
0x272: {  	[tilespmem:s13+$0xFFFFFEB0] =	vst v5;
	v5 =	vadd.f32 v45, v6  }
0x273: {  	[tilespmem:s31+$0xFFFFFE30] =	vst v12;
	v4 =	vadd.f32 v49, v9  }
0x274: {  	[tilespmem:s13+$0xFFFFFFB0] =	vst v5;
	v5 =	vadd.f32 v32, v7  }
0x275: {  	[tilespmem:s13+$0x30] =	vst v4;
	v4 =	vadd.f32 v30, v62  }
0x276: {  	s30 =	sadd.s32 $0x1, s30;
	v63 =	vadd.f32 v55, v8;
	[tilespmem:s13+$0xB0] =	vst v5  }
0x277: {  	p0 =	sne.s32 s30, $0x64;
	[tilespmem:s13+$0x130] =	vst v4  }
.Ltmp5:
0x278: {  	s25 =	rddreg [dreg:$0x10];
	[tilespmem:s13+$0xFFFFFE30] =	vst v63;
	(pc) =	sbr.rel @p0 .LBB2_2-.Ltmp5, $4  }
0x279: {  	s26 =	simm.s32 $0x0;
	s0 =	sshll.u32 s25, $0x4;
	s1 =	rddreg [dreg:$0x8]  }
0x27a: {  	s28 =	simm.s32 $0x12600;
	s31 =	rddreg [dreg:$0xe];
	s0 =	sadd.s32 s1, s0  }
0x27b: {  	[hbm4b:s0+s26] =	stream.linear.scatter [tilespmem:s28], [sflag:$0x4], $0x4000, $0x38;
	[tilespmem:$0x19800] =	vst v63  }
0x27c: {  	s29 =	sadd.s32 $0x100, s29;
	s0 =	sadd.s32 $0x100, s31  }
0x27d: {  	s0 =	simm.s32 $0x3  }
0x27e: {  	_ =	swait.ge [sflag:s0], $0x4000  }
0x27f: {  	[sflag:s0] =	ssyncset.done $0x0  }
0x280: {  	s1 =	simm.s32 $0x4;
	[sflag:s0] =	ssyncadd.s32 $0xFFFFC000  }
0x281: {  	_ =	swait.ge [sflag:s1], $0x4000  }
0x282: {  	s2 =	rddreg [dreg:$0xd]  }
0x283: {  	s31 =	rddreg [dreg:$0xb];
	s2 =	sadd.s32 $0x1, s2  }
0x284: {  	p0 =	sne.s32 s2, s31  }
.Ltmp6:
0x285: {  	_ = 	snop;
	(pc) =	sbr.rel @p0 .LBB2_1-.Ltmp6, $3  }
0x286: {  	_ =	sdelay $0x1  }
0x287: {  	[sflag:s1] =	ssyncset.done $0x0  }
0x288: {  	[sflag:s1] =	ssyncadd.s32 $0xFFFFC000  }
0x289: {  	_ =	sfence.sel $0x180000  }
0x28a: {  	[bflag:$0x0] =	sbarrier.arrive $0xFFFF  }
0x28b: {  	_ =	strace $0x90000047  }
0x28c: {  	s0 =	stileid.u32;
	[bflag:$0x2] =	sbarrier.arrive $0xFFFF  }
0x28d: {  	p0 =	sne.s32 s0, $0x0;
	s0 =	rddreg [dreg:$0x2]  }
0x28e: {  	s0 =	sadd.s32 @!p0 $0x100000, s0  }
0x28f: {  	[sflag:s0] =	ssyncadd.tile.s32 @!p0 $0x1;
	_ =	shalt  }
.Lfunc_end2:
_tile_overlayer_lowered:
.L_overlay_start_2:
0x290: {  	(tag) =	ssettag $0x2  }
0x291: {  	s0 =	rddreg [dreg:$0x0];
	s2 =	stileid.u32  }
0x292: {  	s1 =	rddreg [dreg:$0x1];
	p0 =	sne.s32 s2, $0x0  }
0x293: {  	s3 =	rddreg [dreg:$0x2];
	[bflag:$0x3] =	sbarrier.arrive $0xFFFF;
	s2 =	simm.s32 @!p0 $0x1C05  }
0x294: {  	[timem:s3], [sflag:s2] =	dma.local @!p0 [hbm:s0], s1  }
0x295: {  	s0 =	simm.s32 @!p0 $0x5  }
0x296: {  	_ =	swait.ge @!p0 [sflag:s0], s1  }
0x297: {  	s1 =	ssub.s32 @!p0 $0x0, s1;
	[sflag:s0] =	ssyncset.done @!p0 $0x0  }
0x298: {  	[sflag:s0] =	ssyncadd.s32 @!p0 s1  }
0x299: {  	[bflag:$0x3] =	sbarrier.arrive $0xFFFF  }
0x29a: {  	_ =	shalt  }

// kernel: sparse-core-data-format-call.cloned.1.call-start
scs
called_computation_lowered:
.L_overlay_start_0:
0x0: {  	s2 =	sld [smem:$0x3FD9]  }
0x1: {  	s3 =	sld [smem:$0x3FFE];
	_ =	sdelay $0x1  }
0x2: {  	s1 =	srdreg.scid  }
0x3: {  	s0 =	sand.u32 $0x1, s1  }
0x4: {  	s18 =	sshll.u32 s0, $0xA;
	s2 =	sadd.s32 s3, s2  }
0x5: {  	s2 =	sadd.s32 s2, s18  }
0x6: {  	[smem:$0x3FC6] =	sst s2  }
0x7: {  	_ = 	snop  }
0x8: {  	s2 =	sld [smem:$0x3FD0];
	(tm) =	ssettm $0x1  }
0x9: {  	s19 =	sld [smem:$0x3FFB];
	_ =	sdelay $0x3  }
0xa: {  	_ =	strace s19  }
0xb: {  	s3 =	sld [smem:$0x3FFC];
	_ =	sdelay $0x3  }
0xc: {  	_ =	strace s3  }
0xd: {  	s3 =	sld [smem:$0x3FFD];
	_ =	sdelay $0x3  }
0xe: {  	_ =	strace s3  }
0xf: {  	_ =	strace $0x8FFFFFFF  }
0x10: {  	s20 =	sld [smem:$0x3FDB];
	_ =	sdelay $0x1  }
0x11: {  	s4 =	simm.s32 $_scs_section_size  }
0x12: {  	s5 =	simm.s32 $_size__tile_overlayer_lowered;
	s6 =	simm.s32 $_tile_overlayer_lowered  }
0x13: {  	s23 =	simm.s32 $0x1BFF;
	s22 =	sshll.u32 s6, $0x1;
	s3 =	sadd.s32 s4, s20  }
0x14: {  	s7 =	simm.s32 $0x0;
	s21 =	sshll.u32 s5, $0x1;
	s5 =	sadd.s32 s22, s3  }
0x15: {  	[timem:s7], [sflag:s23] =	dma.local [hbm:s5], s21  }
0x16: {  	_ =	swait.ge [sflag:s23], s21  }
0x17: {  	s4 =	ssub.s32 $0x0, s21;
	[sflag:s23] =	ssyncset.done $0x0  }
0x18: {  	[sflag:s23] =	ssyncadd.s32 s4;
	_ =	sdelay $0x1  }
0x19: {  	s24 =	simm.s32 $0x1B8B  }
0x1a: {  	_ =	swait.ge [sflag:s24], $0x1  }
0x1b: {  	[sflag:s24] =	ssyncset.done $0x0  }
0x1c: {  	s26 =	simm.s32 $0x1B8E;
	s25 =	sld [smem:$0x3FFE];
	[sflag:s24] =	ssyncadd.s32 $0xFFFFFFFF  }
0x1d: {  	s27 =	simm.s32 $execute0_lowered;
	[smem:$0x3FD2] =	sst s26  }
0x1e: {  	s5 =	sshll.u32 s27, $0x1;
	_ =	strace $0x80000049;
	[dreg:$0x1] =	wrdreg $0xFFFFFFFF  }
0x1f: {  	s28 =	simm.s32 $_size_execute0_lowered;
	s3 =	sadd.s32 s3, s5;
	[dreg:$0x0] =	wrdreg $0x0  }
0x20: {  	s5 =	sshll.u32 s28, $0x1;
	[dreg:$0x2] =	wrdreg s3  }
0x21: {  	[dreg:$0x3] =	wrdreg s5  }
0x22: {  	[dreg:$0x4] =	wrdreg $0xC0  }
0x23: {  	_ =	task [dreg:s7], $0x5FFFF  }
0x24: {  	[dreg:$0x1] =	wrdreg $0xFFFFFFFF  }
0x25: {  	[dreg:$0x0] =	wrdreg $0x60  }
0x26: {  	[dreg:$0x2] =	wrdreg s25  }
0x27: {  	[dreg:$0x3] =	wrdreg s2  }
0x28: {  	[dreg:$0x4] =	wrdreg $0x9  }
0x29: {  	_ =	task.clear_ibuf [dreg:s7], $0x5FFFF;
	_ =	strace $0x90000049  }
0x2a: {  	s29 =	simm.s32 $0x9;
	_ =	strace $0x8000004B  }
0x2b: {  	_ =	swait.ge [sflag:s29], $0x1  }
0x2c: {  	[sflag:s29] =	ssyncadd.s32 $0xFFFFFFFF  }
0x2d: {  	_ =	strace $0x9000004B  }
0x2e: {  	_ =	sfence  }
0x2f: {  	s30 =	sld [smem:$0x0];
	_ =	sdelay $0x2  }
0x30: {  	s31 =	sshll.u32 s1, $0xD;
	s1 =	sshrl.u32 s1, $0x2  }
0x31: {  	s3 =	sand.u32 $0x4000, s31;
	s1 =	sadd.s32 s1, s30  }
0x32: {  	s0 =	sor.u32 s3, s0;
	s1 =	sshll.u32 s1, $0x11  }
0x33: {  	s0 =	sor.u32 s1, s0  }
0x34: {  	s0 =	sadd.s32 $0x8F2B, s0  }
0x35: {  	[sflag:s0] =	ssyncadd.remote.s32 $0x1  }
0x36: {  	_ =	sfence.sel $0xFFFF  }
0x37: {  	[dreg:$0x0] =	wrdreg $0xFFFFFFFF;
	(pc) =	sbr.abs _section_cstart, $3  }
0x38: {  	[dreg:$0x1] =	wrdreg $0xFFFFFFFF  }
0x39: {  	_ =	task.clear_ibuf [dreg:s7], $0x2FFFF;
	_ =	strace $0x9FFFFFFF  }
0x3a: {  	(tm) =	ssettm $0x7FFFFFFF  }
0x3b: {  	_ =	shalt  }
tec
execute0_lowered:
.L_overlay_start_1:
0x0: {  	(tag) =	ssettag $0x1  }
0x1: {  	s0 =	srdreg.scid  }
0x2: {  	s1 =	sshll.u32 s0, $0x4  }
0x3: {  	s0 =	stileid.u32;
	s1 =	sand.u32 $0x10, s1  }
0x4: {  	s1 =	sor.u32 s0, s1  }
0x5: {  	s6 =	rddreg [dreg:$0x0];
	s4 =	simm.s32 $0x1;
	s2 =	sshll.u32 s1, $0x7  }
0x6: {  	s7 =	simm.s32 $0x2;
	s12 =	simm.s32 $0x0;
	s1 =	ssub.s32 $0x1000, s2  }
0x7: {  	s8 =	simm.s32 $0x8000;
	s13 =	simm.s32 $0x0;
	s3 =	sand.u32 $0xF80, s1  }
0x8: {  	s9 =	simm.s32 $0x0;
	s5 =	sshrl.u32 s1, $0xC;
	p0 =	sne.s32 s3, $0x0  }
.Ltmp0:
0x9: {  	s1 =	rddreg [dreg:$0x2];
	s4 =	simm.s32 @!p0 $0x0;
	(pc) =	sbr.rel .LBB1_1-.Ltmp0, $4  }
0xa: {  	s11 =	simm.s32 $0x0;
	s3 =	rddreg [dreg:$0x1];
	s5 =	sadd.s32 s4, s5  }
0xb: {  	_ =	strace $0x8000004A;
	s4 =	simm.s32 $0x1;
	s5 =	smul.u32 $0xC8, s5  }
0xc: {  	s6 =	sadd.s32 $0x1400, s6;
	s10 =	smov.u32 s2;
	[sflag:s4] =	ssyncpa.u1 $0x0  }
0xd: {  	p0 =	por $0x0, $0x0;
	[sflag:s7] =	ssyncpa.u1 $0x0;
	s7 =	sor.u32 $0x1, s5  }
.LBB1_4:
0xe: {  	s16 =	sshll.u32 s13, $0x3;
	s17 =	sand.u32 $0x78, s13  }
0xf: {  	s30 =	sand.u32 $0x7E00, s13;
	s12 =	sshll.u32 s12, $0xF;
	s16 =	sand.u32 $0xC00, s16  }
0x10: {  	[tilespmem:s15+$0x810 ss:$0x81] =	vst.msk $0xffff, v2;
	s31 =	sand.u32 $0x7, s13;
	s16 =	sor.u32 s17, s16;
	s17 =	sadd.s32 s3, s30  }
0x11: {  	[tilespmem:s15+$0x1020 ss:$0x81] =	vst.msk $0xffff, v0;
	s13 =	sshll.u32 s31, $0x12;
	s12 =	sadd.s32 s12, s17;
	s16 =	sshrl.u32 s16, $0x3  }
0x12: {  	[tilespmem:s15+$0x0 ss:$0x81] =	vst.msk $0xffff, v1;
	s13 =	sor.u32 $0x400, s13;
	s12 =	sadd.s32 s16, s12  }
0x13: {  	[hbm4b:s12+s13] =	stream.strided.scatter [tilespmem:s14], [sflag:$0x2], $0x2000, s8, s13, $0x20;
	[tilespmem:$0x8080] =	vst v63  }
.LBB1_5:
0x14: {  	s14 =	sadd.s32 $0x1, s9  }
0x15: {  	s12 =	sadd.s32 $0x1000, s10;
	s16 =	smov.u32 s10;
	p2 =	sgt.s32 s14, $0xC7  }
0x16: {  	s16 =	smov.u32 @p2 s12  }
0x17: {  	s14 =	simm.s32 @p2 $0x0;
	p2 =	sgt.s32 s16, $0xFFF  }
0x18: {  	s16 =	smov.u32 @p2 s2;
	p2 =	sne.s32 s11, s7  }
.Ltmp1:
0x19: {  	p1 =	slt.u32 s11, $0x2;
	(pc) =	sbr.rel @!p2 .LBB1_6-.Ltmp1, $4  }
0x1a: {  	s15 =	simm.s32 @!p1 $0x2  }
0x1b: {  	s13 =	smov.u32 s10;
	p0 =	por !p0, !p0;
	_ =	swait.ge @!p1 [sflag:s15], $0x2000  }
0x1c: {  	s12 =	smov.u32 s9;
	[sflag:s15] =	ssyncset.done @!p1 $0x0;
	s9 =	smov.u32 s14  }
0x1d: {  	s11 =	sadd.s32 $0x1, s11;
	[sflag:s15] =	ssyncadd.s32 @!p1 $0xFFFFE000;
	s10 =	smov.u32 s16  }
.LBB1_1:
0x1e: {  	p1 =	sge.u32 s11, s5  }
0x1f: {  	s14 =	sand.u32 @!p1 $0x1FFFFFF, s9  }
0x20: {  	s15 =	smulhi.u32 @!p1 $0x147AE15, s14;
	_ =	sdelay $0x1  }
0x21: {  	s15 =	smul.u32 @!p1 $0xC8, s15  }
0x22: {  	s16 =	sxor.u32 @!p1 $0xFFFFFFFF, s11;
	s17 =	smul.u32 @!p1 $0xC80, s10  }
0x23: {  	s31 =	sadd.s32 $0xFFFFFFFF, s11;
	s16 =	sshll.u32 @!p1 s16, $0xD;
	s14 =	ssub.s32 @!p1 s14, s15  }
0x24: {  	s15 =	sand.u32 @!p1 $0x2000, s16;
	s16 =	sadd.s32 @!p1 s6, s17;
	s14 =	sshll.u32 @!p1 s14, $0x4  }
0x25: {  	s17 =	simm.s32 @!p1 $0x6400;
	s14 =	sadd.s32 @!p1 s14, s16;
	s16 =	simm.s32 @!p1 $0x40  }
0x26: {  	[tilespmem:s15], [sflag:$0x1] =	stream.strided.gather @!p1 [hbm4b:s14+s16], $0x2000, s17, s16, $0x38;
	[tilespmem:$0x8080] =	vst v63  }
0x27: {  	p1 =	sge.u32 s31, s5  }
.Ltmp2:
0x28: {  	_ = 	snop;
	(pc) =	sbr.rel @p1 .LBB1_5-.Ltmp2, $1  }
0x29: {  	_ =	sdelay $0x3  }
0x2a: {  	s14 =	simm.s32 $0x1  }
0x2b: {  	_ =	swait.ge [sflag:s4], $0x2000;
	s14 =	simm.s32 @!p0 $0x0  }
0x2c: {  	[sflag:s4] =	ssyncset.done $0x0;
	s15 =	sshll.u32 s14, $0xD  }
0x2d: {  	[sflag:s4] =	ssyncadd.s32 $0xFFFFE000;
	s18 =	sor.u32 $0x20, s15  }
0x2e: {  	s14 =	smul.u32 $0x8100, s14;
	v3 =	vld [tilespmem:s18+$0x10]  }
0x2f: {  	s30 =	sand.u32 $0x1, s11;
	v2 =	vld [tilespmem:s18+$0xFFFFFFF0]  }
0x30: {  	s15 =	smul.u32 $0x8100, s30;
	s14 =	sshrl.u32 s14, $0x2;
	v0 =	vld [tilespmem:s18+$0x0]  }
0x31: {  	v1 =	vld [tilespmem:s18+$0xFFFFFFE0];
	s16 =	sor.u32 $0x4000, s14  }
0x32: {  	s31 =	sshrl.u32 s15, $0x2;
	s15 =	sadd.s32 $0x0, s16  }
0x33: {  	s17 =	simm.s32 $0x4;
	s18 =	sadd.s32 $0x40, s18;
	s14 =	sor.u32 $0x4000, s31;
	[tilespmem:s15+$0x1830 ss:$0x81] =	vst.msk $0xffff, v3  }
.LBB1_3:
0x34: {  	v3 =	vld [tilespmem:s18+$0x10];
	p1 =	sne.s32 s17, $0x1FC;
	[tilespmem:s15+$0x810 ss:$0x81] =	vst.msk $0xffff, v2;
	s19 =	smov.u32 s17;
	s17 =	sadd.s32 $0x4, s17  }
.Ltmp3:
0x35: {  	v2 =	vld [tilespmem:s18+$0xFFFFFFF0];
	[tilespmem:s15+$0x1020 ss:$0x81] =	vst.msk $0xffff, v0;
	(pc) =	sbr.rel @p1 .LBB1_3-.Ltmp3, $4  }
0x36: {  	v0 =	vld [tilespmem:s18+$0x0];
	[tilespmem:s15+$0x0 ss:$0x81] =	vst.msk $0xffff, v1  }
0x37: {  	s15 =	sshra.s32 s19, $0x2;
	v1 =	vld [tilespmem:s18+$0xFFFFFFE0]  }
0x38: {  	s15 =	sadd.s32 s15, s16  }
0x39: {  	s18 =	sadd.s32 $0x40, s18;
	[tilespmem:s15+$0x1830 ss:$0x81] =	vst.msk $0xffff, v3  }
.Ltmp4:
0x3a: {  	_ = 	snop;
	(pc) =	sbr.rel .LBB1_4-.Ltmp4, $1  }
0x3b: {  	_ =	sdelay $0x3  }
.LBB1_6:
0x3c: {  	_ =	sfence.sel $0x180000  }
0x3d: {  	s2 =	simm.s32 $0x1;
	[bflag:$0x0] =	sbarrier.arrive $0xFFFF  }
0x3e: {  	s31 =	simm.s32 $0x2;
	[sflag:s2] =	ssyncpa.u1 $0x1  }
0x3f: {  	[sflag:s31] =	ssyncpa.u1 $0x1  }
0x40: {  	p0 =	sne.s32 s0, $0x0;
	_ =	strace $0x9000004A  }
0x41: {  	s0 =	sadd.s32 @!p0 $0x100000, s1;
	[bflag:$0x2] =	sbarrier.arrive $0xFFFF  }
0x42: {  	[sflag:s0] =	ssyncadd.tile.s32 @!p0 $0x1;
	_ =	shalt  }
.Lfunc_end1:
_tile_overlayer_lowered:
.L_overlay_start_2:
0x43: {  	(tag) =	ssettag $0x2  }
0x44: {  	s0 =	rddreg [dreg:$0x0];
	s2 =	stileid.u32  }
0x45: {  	s1 =	rddreg [dreg:$0x1];
	p0 =	sne.s32 s2, $0x0  }
0x46: {  	s3 =	rddreg [dreg:$0x2];
	[bflag:$0x3] =	sbarrier.arrive $0xFFFF;
	s2 =	simm.s32 @!p0 $0x1C01  }
0x47: {  	[timem:s3], [sflag:s2] =	dma.local @!p0 [hbm:s0], s1  }
0x48: {  	s0 =	simm.s32 @!p0 $0x1  }
0x49: {  	_ =	swait.ge @!p0 [sflag:s0], s1  }
0x4a: {  	s1 =	ssub.s32 @!p0 $0x0, s1;
	[sflag:s0] =	ssyncset.done @!p0 $0x0  }
0x4b: {  	[sflag:s0] =	ssyncadd.s32 @!p0 s1  }
0x4c: {  	[bflag:$0x3] =	sbarrier.arrive $0xFFFF  }
0x4d: {  	_ =	shalt  }

</sc_bundles>
